<compile_context>
chip_gen: v7x
topology: tpu7x:2x2x1
jax: 0.10.2.dev20260603
libtpu: 0.0.44.dev20260713+nightly
codegen_flags: <defaults>
</compile_context>

<pallas_src>
import jax
import jax.numpy as jnp
from jax import lax
from jax.experimental import pallas as pl
from jax.experimental.pallas import tpu as pltpu
from jax.experimental.pallas import tpu_sc as plsc

_BASE = 0x35800000
_RK_MAX = (1 << 28) - 1
_CHUNK = 32768
_NVEC = _CHUNK // 16


def _prep_body(lp_ref, lt_ref, dp_ref, dt_ref, keys_ref, scal_ref):
    dp = dp_ref[...]
    dt = dt_ref[...]

    pos = dt == 1.0
    neg = dt == 0.0

    loss = -jnp.log(jnp.where(pos, dp, 1.0 - dp))

    keys_ref[...] = jnp.where(
        neg, jax.lax.bitcast_convert_type(loss, jnp.int32), jnp.int32(0))

    scal_ref[0] = jnp.sum(jnp.where(pos, loss, 0.0))
    scal_ref[1] = jnp.sum(jnp.where(pos, 1.0, 0.0))
    scal_ref[2] = jnp.sum(jnp.where(neg, 1.0, 0.0))
    lp = lp_ref[...]
    lt = lt_ref[...]
    scal_ref[3] = jnp.mean((lp - lt) ** 2)


def _make_hist_body(shift, pass1):
    def body(keys_hbm, prm_hbm, cnt_out, sum_out,
             chunk_v, prm_v, cnt_h, sum_h, mcnt, msum):
        sid = lax.axis_index("s") * 2 + lax.axis_index("c")
        lane = lax.iota(jnp.int32, 16)
        ones_i = jnp.ones((16,), jnp.int32)
        zero_i = jnp.zeros((16,), jnp.int32)
        zero_f = jnp.zeros((16,), jnp.float32)

        def lane_at(vec, j):
            return jnp.sum(jnp.where(lane == j, vec, jnp.zeros_like(vec)))

        pltpu.sync_copy(keys_hbm.at[pl.ds(sid * _CHUNK, _CHUNK)], chunk_v)
        pltpu.sync_copy(prm_hbm, prm_v)
        d1 = lane_at(prm_v[...], 0)

        def zb(i, c):
            cnt_h[pl.ds(i * 16, 16)] = zero_i
            sum_h[pl.ds(i * 16, 16)] = zero_f
            return c
        lax.fori_loop(0, 512, zb, 0)

        def sb(i, c):
            for u in range(4):
                kv = chunk_v[pl.ds(i * 64 + u * 16, 16)]
                rk = jnp.minimum(jnp.maximum(kv - _BASE, 0), _RK_MAX)
                if pass1:
                    act = kv > 0
                else:
                    act = (kv > 0) & ((rk >> 19) == d1)
                dg = (rk >> shift) & 511
                idx = lane * 512 + dg
                plsc.addupdate_scatter(cnt_h, [idx], ones_i, mask=act)
                plsc.addupdate_scatter(
                    sum_h, [idx], plsc.bitcast(kv, jnp.float32), mask=act)
            return c
        lax.fori_loop(0, _NVEC // 4, sb, 0)

        def mb(g, c):
            acc_c = zero_i
            acc_s = zero_f
            for l in range(16):
                acc_c = acc_c + cnt_h[pl.ds(l * 512 + g * 16, 16)]
                acc_s = acc_s + sum_h[pl.ds(l * 512 + g * 16, 16)]
            mcnt[g] = acc_c
            msum[g] = acc_s
            return c
        lax.fori_loop(0, 32, mb, 0)
        pltpu.sync_copy(mcnt, cnt_out.at[sid])
        pltpu.sync_copy(msum, sum_out.at[sid])
    return body


def _run_hist(keys_flat, prm, shift, pass1):
    mesh = plsc.VectorSubcoreMesh(
        core_axis_name="c", subcore_axis_name="s", num_cores=2)
    return pl.kernel(
        _make_hist_body(shift, pass1),
        out_type=(
            jax.ShapeDtypeStruct((32, 32, 16), jnp.int32),
            jax.ShapeDtypeStruct((32, 32, 16), jnp.float32),
        ),
        mesh=mesh,
        compiler_params=pltpu.CompilerParams(needs_layout_passes=False),
        scratch_types=[
            pltpu.VMEM((_CHUNK,), jnp.int32),
            pltpu.VMEM((16,), jnp.int32),
            pltpu.VMEM((8192,), jnp.int32),
            pltpu.VMEM((8192,), jnp.float32),
            pltpu.VMEM((32, 16), jnp.int32),
            pltpu.VMEM((32, 16), jnp.float32),
        ],
    )(keys_flat, prm)


def _choose(cnt_rows, sum_rows, k_rem):
    merged_c = jnp.sum(cnt_rows.astype(jnp.float32), axis=0, keepdims=True)
    merged_s = jnp.sum(sum_rows, axis=0, keepdims=True)
    dig = lax.broadcasted_iota(jnp.int32, (1, 512), 1)

    lo = jnp.int32(0)
    hi = jnp.int32(512)
    cnt_hi = jnp.float32(0.0)
    sum_hi = jnp.float32(0.0)
    for _ in range(9):
        mid = (lo + hi) // 2
        cge = jnp.sum(jnp.where(dig >= mid, merged_c, 0.0))
        sge = jnp.sum(jnp.where(dig >= mid, merged_s, 0.0))
        ok = cge >= k_rem.astype(jnp.float32)
        lo = jnp.where(ok, mid, lo)
        hi = jnp.where(ok, hi, mid)
        cnt_hi = jnp.where(ok, cnt_hi, cge)
        sum_hi = jnp.where(ok, sum_hi, sge)
    return lo, cnt_hi.astype(jnp.int32), sum_hi


def _choose1_body(cnt_ref, sum_ref, scal_ref, out_ref):
    num_neg = scal_ref[2]
    k = jnp.floor(0.7 * num_neg).astype(jnp.int32)
    d1, cnt_ab, sum_ab = _choose(cnt_ref[...], sum_ref[...], k)
    out_ref[0] = d1.astype(jnp.float32)
    out_ref[1] = (k - cnt_ab).astype(jnp.float32)
    out_ref[2] = sum_ab
    out_ref[3] = k.astype(jnp.float32)


def _final_body(cnt_ref, sum_ref, scal_ref, c1_ref, out_ref):
    d1 = c1_ref[0].astype(jnp.int32)
    k_rem = c1_ref[1].astype(jnp.int32)
    sum1 = c1_ref[2]
    kf = c1_ref[3]

    d2, cnt_ab, sum2 = _choose(cnt_ref[...], sum_ref[...], k_rem)
    k_rem2 = (k_rem - cnt_ab).astype(jnp.float32)

    mid_key = _BASE + (d1 << 19) + (d2 << 10) + 512
    mid = jax.lax.bitcast_convert_type(mid_key, jnp.float32)
    sum_topk = sum1 + sum2 + k_rem2 * mid

    sum_pos = scal_ref[0]
    num_pos = scal_ref[1]
    mse = scal_ref[3]
    out_ref[0, 0] = mse + sum_pos / num_pos + sum_topk / kf


def kernel(label_p, label_t, denselabel_p, denselabel_t):
    keys, scal = pl.pallas_call(
        _prep_body,
        out_shape=(
            jax.ShapeDtypeStruct((32, 32768), jnp.int32),
            jax.ShapeDtypeStruct((8,), jnp.float32),
        ),
        out_specs=(
            pl.BlockSpec(memory_space=pltpu.VMEM),
            pl.BlockSpec(memory_space=pltpu.SMEM),
        ),
    )(label_p, label_t, denselabel_p, denselabel_t)

    keys_flat = jnp.reshape(keys, (1048576,))
    zero_prm = jnp.zeros((16,), jnp.int32)

    cnt1, sum1 = _run_hist(keys_flat, zero_prm, 19, True)

    c1 = pl.pallas_call(
        _choose1_body,
        out_shape=jax.ShapeDtypeStruct((8,), jnp.float32),
        in_specs=[
            pl.BlockSpec(memory_space=pltpu.VMEM),
            pl.BlockSpec(memory_space=pltpu.VMEM),
            pl.BlockSpec(memory_space=pltpu.SMEM),
        ],
        out_specs=pl.BlockSpec(memory_space=pltpu.SMEM),
    )(jnp.reshape(cnt1, (32, 512)), jnp.reshape(sum1, (32, 512)), scal)

    prm2 = jnp.full((16,), c1[0].astype(jnp.int32), jnp.int32)
    cnt2, sum2 = _run_hist(keys_flat, prm2, 10, False)

    out = pl.pallas_call(
        _final_body,
        out_shape=jax.ShapeDtypeStruct((1, 1), jnp.float32),
        in_specs=[
            pl.BlockSpec(memory_space=pltpu.VMEM),
            pl.BlockSpec(memory_space=pltpu.VMEM),
            pl.BlockSpec(memory_space=pltpu.SMEM),
            pl.BlockSpec(memory_space=pltpu.SMEM),
        ],
        out_specs=pl.BlockSpec(memory_space=pltpu.SMEM),
    )(jnp.reshape(cnt2, (32, 512)), jnp.reshape(sum2, (32, 512)), scal, c1)

    return out[0, 0]

# --- scband reference (transcript-rebuilt; emitter-appended) ---
"""Pipeline reference for scband-ohem-neg-lossnew-78915729097126 (READ-ONLY COPY).

The authoritative reference and input builder live on the scoring server;
editing this copy changes nothing except your own understanding.
"""

import jax, jax.numpy as jnp
import numpy as np

A1 = 1.0
A2 = 1.0
THRESH = 0.7
EPS = 1e-6


def _bce(p, t):
    # elementwise binary cross entropy, reduction='none'
    return -(t * jnp.log(p) + (1.0 - t) * jnp.log(1.0 - p))


def setup_inputs(seed: int = 0) -> dict:
    key = jax.random.key(seed)
    k1, k2, k3, k4 = jax.random.split(key, 4)
    label_p = jax.random.uniform(k1, (32, 1), dtype=jnp.float32)
    label_t = jax.random.uniform(k2, (32, 1), dtype=jnp.float32)
    # probabilities in (0,1) so BCE is finite
    denselabel_p = jnp.clip(
        jax.random.uniform(k3, (32, 32768), dtype=jnp.float32), EPS, 1.0 - EPS
    )
    # hard binary targets {0,1}
    denselabel_t = jax.random.randint(k4, (32, 32768), 0, 2).astype(jnp.float32)
    return {
        "label_p": label_p,
        "label_t": label_t,
        "denselabel_p": denselabel_p,
        "denselabel_t": denselabel_t,
    }


def reference(label_p, label_t, denselabel_p, denselabel_t):
    lp = label_p.reshape(-1)
    lt = label_t.reshape(-1)
    dp = denselabel_p.reshape(-1)
    dt = denselabel_t.reshape(-1)

    pos_mask = dt == 1
    neg_mask = dt == 0
    num_pos = jnp.sum(pos_mask)
    num_neg = jnp.sum(neg_mask)

    loss_all = _bce(dp, dt)

    loss_pos_mean = jnp.sum(jnp.where(pos_mask, loss_all, 0.0)) / num_pos

    # sort descending (OHEM): keep hardest thresh-fraction of negatives
    loss_neg_sorted = jnp.sort(jnp.where(neg_mask, loss_all, -jnp.inf))[::-1]
    number_neg = jnp.floor(THRESH * num_neg.astype(loss_all.dtype)).astype(jnp.int32)
    top_mask = jnp.arange(loss_neg_sorted.shape[0]) < number_neg
    loss_neg_top_mean = jnp.sum(jnp.where(top_mask, loss_neg_sorted, 0.0)) / number_neg

    loss = loss_pos_mean + loss_neg_top_mean
    mse = jnp.mean((lp - lt) ** 2)
    loss_total = A1 * mse + A2 * loss
    return loss_total

if __name__ == "__main__":
    import jax
    _d = setup_inputs()
    print(jax.jit(kernel)(*tuple(_d.values())))

</pallas_src>

<mosaic_0001>
#map = affine_map<(d0, d1) -> (0)>
#map1 = affine_map<(d0, d1) -> (0, 0, 0)>
module attributes {stable_mosaic.version = 14 : i64} {
  func.func @body(%arg0: i32, %arg1: i32, %arg2: memref<1048576xi32, #tpu.memory_space<hbm>>, %arg3: memref<16xi32, #tpu.memory_space<hbm>>, %arg4: memref<32x32x16xi32, #tpu.memory_space<hbm>>, %arg5: memref<32x32x16xf32, #tpu.memory_space<hbm>>, %arg6: memref<32768xi32, #tpu.memory_space<vmem>>, %arg7: memref<16xi32, #tpu.memory_space<vmem>>, %arg8: memref<8192xi32, #tpu.memory_space<vmem>>, %arg9: memref<8192xf32, #tpu.memory_space<vmem>>, %arg10: memref<32x16xi32, #tpu.memory_space<vmem>>, %arg11: memref<32x16xf32, #tpu.memory_space<vmem>>) attributes {dimension_semantics = [#tpu.dimension_semantics<core_parallel>, #tpu.dimension_semantics<subcore_parallel>], iteration_bounds = array<i64: 2, 16>, scalar_prefetch = 0 : i64, scratch_operands = 6 : i64, tpu.core_type = #tpu.core_type<sc_vector_subcore>, window_params = [{transform_indices = #map}, {transform_indices = #map}, {transform_indices = #map1}, {transform_indices = #map1}]} {
    %mul3A = arith.constant 2 : i32
    %mul3A_0 = arith.muli %arg1, %mul3A : i32
    %add3A = arith.addi %mul3A_0, %arg0 : i32
    %iota3A = tpu.iota {dimensions = array<i32: 0>} : vector<16xi32>
    %broadcast_in_dim3A = arith.constant 1 : i32
    %broadcast_in_dim3A_1 = vector.broadcast %broadcast_in_dim3A : i32 to vector<16xi32>
    %broadcast_in_dim3A_2 = arith.constant 0 : i32
    %broadcast_in_dim3A_3 = vector.broadcast %broadcast_in_dim3A_2 : i32 to vector<16xi32>
    %broadcast_in_dim3A_4 = arith.constant 0.000000e+00 : f32
    %broadcast_in_dim3A_5 = vector.broadcast %broadcast_in_dim3A_4 : f32 to vector<16xf32>
    %mul3A_6 = arith.constant 32768 : i32
    %mul3A_7 = arith.muli %add3A, %mul3A_6 : i32
    "tpu.region"() ({
      %run_scoped3A = tpu.sem_alloc : memref<!tpu.dma_semaphore, #tpu.memory_space<semaphore_mem>>
      %dma_start3A = tpu.memref_slice %arg2[%mul3A_7] : memref<1048576xi32, #tpu.memory_space<hbm>> -> memref<32768xi32, #tpu.memory_space<hbm>>
      %dma_start3A_33 = tpu.memref_slice %arg2[%mul3A_7] : memref<1048576xi32, #tpu.memory_space<hbm>> -> memref<32768xi32, #tpu.memory_space<hbm>>
      tpu.enqueue_dma source(%dma_start3A_33 : memref<32768xi32, #tpu.memory_space<hbm>>) target(%arg6 : memref<32768xi32, #tpu.memory_space<vmem>>) target_semaphore(%run_scoped3A : memref<!tpu.dma_semaphore, #tpu.memory_space<semaphore_mem>>)
      %dma_wait3A = tpu.memref_slice %arg2[%mul3A_7] : memref<1048576xi32, #tpu.memory_space<hbm>> -> memref<32768xi32, #tpu.memory_space<hbm>>
      %dma_wait3A_34 = tpu.memref_slice %arg2[%mul3A_7] : memref<1048576xi32, #tpu.memory_space<hbm>> -> memref<32768xi32, #tpu.memory_space<hbm>>
      tpu.wait_dma2 semaphore(%run_scoped3A : memref<!tpu.dma_semaphore, #tpu.memory_space<semaphore_mem>>) src(%dma_wait3A_34 : memref<32768xi32, #tpu.memory_space<hbm>>) dst(%arg6 : memref<32768xi32, #tpu.memory_space<vmem>>)
      tpu.yield
    }) : () -> ()
    "tpu.region"() ({
      %run_scoped3A = tpu.sem_alloc : memref<!tpu.dma_semaphore, #tpu.memory_space<semaphore_mem>>
      tpu.enqueue_dma source(%arg3 : memref<16xi32, #tpu.memory_space<hbm>>) target(%arg7 : memref<16xi32, #tpu.memory_space<vmem>>) target_semaphore(%run_scoped3A : memref<!tpu.dma_semaphore, #tpu.memory_space<semaphore_mem>>)
      tpu.wait_dma2 semaphore(%run_scoped3A : memref<!tpu.dma_semaphore, #tpu.memory_space<semaphore_mem>>) src(%arg3 : memref<16xi32, #tpu.memory_space<hbm>>) dst(%arg7 : memref<16xi32, #tpu.memory_space<vmem>>)
      tpu.yield
    }) : () -> ()
    %get3A = arith.constant 0 : index
    %get3A_8 = tpu.vector_load %arg7[%get3A] {strides = array<i32>} : memref<16xi32, #tpu.memory_space<vmem>>, vector<16xi32>,
    %eq3A = arith.constant 0 : i32
    %eq3A_9 = vector.broadcast %eq3A : i32 to vector<16xi32>
    %eq3A_10 = arith.cmpi eq, %iota3A, %eq3A_9 : vector<16xi32>
    %broadcast_in_dim3A_11 = arith.constant 0 : i32
    %broadcast_in_dim3A_12 = vector.broadcast %broadcast_in_dim3A_11 : i32 to vector<16xi32>
    %select_n3A = arith.select %eq3A_10, %get3A_8, %broadcast_in_dim3A_12 : vector<16xi1>, vector<16xi32>
    %reduce_sum3A = arith.constant true
    %reduce_sum3A_13 = vector.broadcast %reduce_sum3A : i1 to vector<16xi1>
    %reduce_sum3A_14 = tpu.scan <sum>, %select_n3A masked %reduce_sum3A_13 : vector<16xi32>, vector<16xi1> -> vector<16xi32>
    %reduce_sum3A_15 = vector.extract %reduce_sum3A_14[15] : i32 from vector<16xi32>
    %scan3A = arith.constant 0 : i32
    %scan3A_16 = arith.constant 0 : i32
    %scan3A_17 = arith.constant 512 : i32
    %scan3A_18 = arith.addi %scan3A_16, %scan3A_17 : i32
    %scan3A_19 = arith.constant 1 : i32
    scf.for %scan3A_33 = %scan3A_16 to %scan3A_18 step %scan3A_19  : i32 {
      %mul3A_34 = arith.constant 16 : i32
      %mul3A_35 = arith.muli %scan3A_33, %mul3A_34 : i32
      %swap3A = arith.index_cast %mul3A_35 : i32 to index
      %swap3A_36 = tpu.vector_load %arg8[%swap3A] {strides = array<i32>} : memref<8192xi32, #tpu.memory_space<vmem>>, vector<16xi32>,
      tpu.vector_store %arg8[%swap3A], %broadcast_in_dim3A_3 {strides = array<i32>} : memref<8192xi32, #tpu.memory_space<vmem>>, vector<16xi32>,
      %mul3A_37 = arith.constant 16 : i32
      %mul3A_38 = arith.muli %scan3A_33, %mul3A_37 : i32
      %swap3A_39 = arith.index_cast %mul3A_38 : i32 to index
      %swap3A_40 = tpu.vector_load %arg9[%swap3A_39] {strides = array<i32>} : memref<8192xf32, #tpu.memory_space<vmem>>, vector<16xf32>,
      tpu.vector_store %arg9[%swap3A_39], %broadcast_in_dim3A_5 {strides = array<i32>} : memref<8192xf32, #tpu.memory_space<vmem>>, vector<16xf32>,
    }
    %scan3A_20 = arith.constant 512 : i32
    %scan3A_21 = arith.constant 0 : i32
    %scan3A_22 = arith.constant 0 : i32
    %scan3A_23 = arith.constant 512 : i32
    %scan3A_24 = arith.addi %scan3A_22, %scan3A_23 : i32
    %scan3A_25 = arith.constant 1 : i32
    scf.for %scan3A_33 = %scan3A_22 to %scan3A_24 step %scan3A_25  : i32 {
      %mul3A_34 = arith.constant 64 : i32
      %mul3A_35 = arith.muli %scan3A_33, %mul3A_34 : i32
      %add3A_36 = arith.constant 0 : i32
      %add3A_37 = arith.addi %mul3A_35, %add3A_36 : i32
      %get3A_38 = arith.index_cast %add3A_37 : i32 to index
      %get3A_39 = tpu.vector_load %arg6[%get3A_38] {strides = array<i32>} : memref<32768xi32, #tpu.memory_space<vmem>>, vector<16xi32>,
      %sub3A = arith.constant 897581056 : i32
      %sub3A_40 = vector.broadcast %sub3A : i32 to vector<16xi32>
      %sub3A_41 = arith.subi %get3A_39, %sub3A_40 : vector<16xi32>
      %max3A = arith.constant 0 : i32
      %max3A_42 = vector.broadcast %max3A : i32 to vector<16xi32>
      %max3A_43 = arith.maxsi %sub3A_41, %max3A_42 : vector<16xi32>
      %min3A = arith.constant 268435455 : i32
      %min3A_44 = vector.broadcast %min3A : i32 to vector<16xi32>
      %min3A_45 = arith.minsi %max3A_43, %min3A_44 : vector<16xi32>
      %gt3A = arith.constant 0 : i32
      %gt3A_46 = vector.broadcast %gt3A : i32 to vector<16xi32>
      %gt3A_47 = arith.cmpi sgt, %get3A_39, %gt3A_46 : vector<16xi32>
      %shift_right_arithmetic3A = arith.constant 19 : i32
      %shift_right_arithmetic3A_48 = vector.broadcast %shift_right_arithmetic3A : i32 to vector<16xi32>
      %shift_right_arithmetic3A_49 = arith.shrsi %min3A_45, %shift_right_arithmetic3A_48 : vector<16xi32>
      %and3A = arith.constant 511 : i32
      %and3A_50 = vector.broadcast %and3A : i32 to vector<16xi32>
      %and3A_51 = arith.andi %shift_right_arithmetic3A_49, %and3A_50 : vector<16xi32>
      %mul3A_52 = arith.constant 512 : i32
      %mul3A_53 = vector.broadcast %mul3A_52 : i32 to vector<16xi32>
      %mul3A_54 = arith.muli %iota3A, %mul3A_53 : vector<16xi32>
      %add3A_55 = arith.addi %mul3A_54, %and3A_51 : vector<16xi32>
      tpu.vector_store_idx %arg8[%add3A_55], %broadcast_in_dim3A_1 masked %gt3A_47 {add = true} : memref<8192xi32, #tpu.memory_space<vmem>>[vector<16xi32>], vector<16xi32>, vector<16xi1>
      %bitcast3A = vector.bitcast %get3A_39 : vector<16xi32> to vector<16xf32>
      tpu.vector_store_idx %arg9[%add3A_55], %bitcast3A masked %gt3A_47 {add = true} : memref<8192xf32, #tpu.memory_space<vmem>>[vector<16xi32>], vector<16xf32>, vector<16xi1>
      %mul3A_56 = arith.constant 64 : i32
      %mul3A_57 = arith.muli %scan3A_33, %mul3A_56 : i32
      %add3A_58 = arith.constant 16 : i32
      %add3A_59 = arith.addi %mul3A_57, %add3A_58 : i32
      %get3A_60 = arith.index_cast %add3A_59 : i32 to index
      %get3A_61 = tpu.vector_load %arg6[%get3A_60] {strides = array<i32>} : memref<32768xi32, #tpu.memory_space<vmem>>, vector<16xi32>,
      %sub3A_62 = arith.constant 897581056 : i32
      %sub3A_63 = vector.broadcast %sub3A_62 : i32 to vector<16xi32>
      %sub3A_64 = arith.subi %get3A_61, %sub3A_63 : vector<16xi32>
      %max3A_65 = arith.constant 0 : i32
      %max3A_66 = vector.broadcast %max3A_65 : i32 to vector<16xi32>
      %max3A_67 = arith.maxsi %sub3A_64, %max3A_66 : vector<16xi32>
      %min3A_68 = arith.constant 268435455 : i32
      %min3A_69 = vector.broadcast %min3A_68 : i32 to vector<16xi32>
      %min3A_70 = arith.minsi %max3A_67, %min3A_69 : vector<16xi32>
      %gt3A_71 = arith.constant 0 : i32
      %gt3A_72 = vector.broadcast %gt3A_71 : i32 to vector<16xi32>
      %gt3A_73 = arith.cmpi sgt, %get3A_61, %gt3A_72 : vector<16xi32>
      %shift_right_arithmetic3A_74 = arith.constant 19 : i32
      %shift_right_arithmetic3A_75 = vector.broadcast %shift_right_arithmetic3A_74 : i32 to vector<16xi32>
      %shift_right_arithmetic3A_76 = arith.shrsi %min3A_70, %shift_right_arithmetic3A_75 : vector<16xi32>
      %and3A_77 = arith.constant 511 : i32
      %and3A_78 = vector.broadcast %and3A_77 : i32 to vector<16xi32>
      %and3A_79 = arith.andi %shift_right_arithmetic3A_76, %and3A_78 : vector<16xi32>
      %mul3A_80 = arith.constant 512 : i32
      %mul3A_81 = vector.broadcast %mul3A_80 : i32 to vector<16xi32>
      %mul3A_82 = arith.muli %iota3A, %mul3A_81 : vector<16xi32>
      %add3A_83 = arith.addi %mul3A_82, %and3A_79 : vector<16xi32>
      tpu.vector_store_idx %arg8[%add3A_83], %broadcast_in_dim3A_1 masked %gt3A_73 {add = true} : memref<8192xi32, #tpu.memory_space<vmem>>[vector<16xi32>], vector<16xi32>, vector<16xi1>
      %bitcast3A_84 = vector.bitcast %get3A_61 : vector<16xi32> to vector<16xf32>
      tpu.vector_store_idx %arg9[%add3A_83], %bitcast3A_84 masked %gt3A_73 {add = true} : memref<8192xf32, #tpu.memory_space<vmem>>[vector<16xi32>], vector<16xf32>, vector<16xi1>
      %mul3A_85 = arith.constant 64 : i32
      %mul3A_86 = arith.muli %scan3A_33, %mul3A_85 : i32
      %add3A_87 = arith.constant 32 : i32
      %add3A_88 = arith.addi %mul3A_86, %add3A_87 : i32
      %get3A_89 = arith.index_cast %add3A_88 : i32 to index
      %get3A_90 = tpu.vector_load %arg6[%get3A_89] {strides = array<i32>} : memref<32768xi32, #tpu.memory_space<vmem>>, vector<16xi32>,
      %sub3A_91 = arith.constant 897581056 : i32
      %sub3A_92 = vector.broadcast %sub3A_91 : i32 to vector<16xi32>
      %sub3A_93 = arith.subi %get3A_90, %sub3A_92 : vector<16xi32>
      %max3A_94 = arith.constant 0 : i32
      %max3A_95 = vector.broadcast %max3A_94 : i32 to vector<16xi32>
      %max3A_96 = arith.maxsi %sub3A_93, %max3A_95 : vector<16xi32>
      %min3A_97 = arith.constant 268435455 : i32
      %min3A_98 = vector.broadcast %min3A_97 : i32 to vector<16xi32>
      %min3A_99 = arith.minsi %max3A_96, %min3A_98 : vector<16xi32>
      %gt3A_100 = arith.constant 0 : i32
      %gt3A_101 = vector.broadcast %gt3A_100 : i32 to vector<16xi32>
      %gt3A_102 = arith.cmpi sgt, %get3A_90, %gt3A_101 : vector<16xi32>
      %shift_right_arithmetic3A_103 = arith.constant 19 : i32
      %shift_right_arithmetic3A_104 = vector.broadcast %shift_right_arithmetic3A_103 : i32 to vector<16xi32>
      %shift_right_arithmetic3A_105 = arith.shrsi %min3A_99, %shift_right_arithmetic3A_104 : vector<16xi32>
      %and3A_106 = arith.constant 511 : i32
      %and3A_107 = vector.broadcast %and3A_106 : i32 to vector<16xi32>
      %and3A_108 = arith.andi %shift_right_arithmetic3A_105, %and3A_107 : vector<16xi32>
      %mul3A_109 = arith.constant 512 : i32
      %mul3A_110 = vector.broadcast %mul3A_109 : i32 to vector<16xi32>
      %mul3A_111 = arith.muli %iota3A, %mul3A_110 : vector<16xi32>
      %add3A_112 = arith.addi %mul3A_111, %and3A_108 : vector<16xi32>
      tpu.vector_store_idx %arg8[%add3A_112], %broadcast_in_dim3A_1 masked %gt3A_102 {add = true} : memref<8192xi32, #tpu.memory_space<vmem>>[vector<16xi32>], vector<16xi32>, vector<16xi1>
      %bitcast3A_113 = vector.bitcast %get3A_90 : vector<16xi32> to vector<16xf32>
      tpu.vector_store_idx %arg9[%add3A_112], %bitcast3A_113 masked %gt3A_102 {add = true} : memref<8192xf32, #tpu.memory_space<vmem>>[vector<16xi32>], vector<16xf32>, vector<16xi1>
      %mul3A_114 = arith.constant 64 : i32
      %mul3A_115 = arith.muli %scan3A_33, %mul3A_114 : i32
      %add3A_116 = arith.constant 48 : i32
      %add3A_117 = arith.addi %mul3A_115, %add3A_116 : i32
      %get3A_118 = arith.index_cast %add3A_117 : i32 to index
      %get3A_119 = tpu.vector_load %arg6[%get3A_118] {strides = array<i32>} : memref<32768xi32, #tpu.memory_space<vmem>>, vector<16xi32>,
      %sub3A_120 = arith.constant 897581056 : i32
      %sub3A_121 = vector.broadcast %sub3A_120 : i32 to vector<16xi32>
      %sub3A_122 = arith.subi %get3A_119, %sub3A_121 : vector<16xi32>
      %max3A_123 = arith.constant 0 : i32
      %max3A_124 = vector.broadcast %max3A_123 : i32 to vector<16xi32>
      %max3A_125 = arith.maxsi %sub3A_122, %max3A_124 : vector<16xi32>
      %min3A_126 = arith.constant 268435455 : i32
      %min3A_127 = vector.broadcast %min3A_126 : i32 to vector<16xi32>
      %min3A_128 = arith.minsi %max3A_125, %min3A_127 : vector<16xi32>
      %gt3A_129 = arith.constant 0 : i32
      %gt3A_130 = vector.broadcast %gt3A_129 : i32 to vector<16xi32>
      %gt3A_131 = arith.cmpi sgt, %get3A_119, %gt3A_130 : vector<16xi32>
      %shift_right_arithmetic3A_132 = arith.constant 19 : i32
      %shift_right_arithmetic3A_133 = vector.broadcast %shift_right_arithmetic3A_132 : i32 to vector<16xi32>
      %shift_right_arithmetic3A_134 = arith.shrsi %min3A_128, %shift_right_arithmetic3A_133 : vector<16xi32>
      %and3A_135 = arith.constant 511 : i32
      %and3A_136 = vector.broadcast %and3A_135 : i32 to vector<16xi32>
      %and3A_137 = arith.andi %shift_right_arithmetic3A_134, %and3A_136 : vector<16xi32>
      %mul3A_138 = arith.constant 512 : i32
      %mul3A_139 = vector.broadcast %mul3A_138 : i32 to vector<16xi32>
      %mul3A_140 = arith.muli %iota3A, %mul3A_139 : vector<16xi32>
      %add3A_141 = arith.addi %mul3A_140, %and3A_137 : vector<16xi32>
      tpu.vector_store_idx %arg8[%add3A_141], %broadcast_in_dim3A_1 masked %gt3A_131 {add = true} : memref<8192xi32, #tpu.memory_space<vmem>>[vector<16xi32>], vector<16xi32>, vector<16xi1>
      %bitcast3A_142 = vector.bitcast %get3A_119 : vector<16xi32> to vector<16xf32>
      tpu.vector_store_idx %arg9[%add3A_141], %bitcast3A_142 masked %gt3A_131 {add = true} : memref<8192xf32, #tpu.memory_space<vmem>>[vector<16xi32>], vector<16xf32>, vector<16xi1>
    }
    %scan3A_26 = arith.constant 512 : i32
    %scan3A_27 = arith.constant 0 : i32
    %scan3A_28 = arith.constant 0 : i32
    %scan3A_29 = arith.constant 32 : i32
    %scan3A_30 = arith.addi %scan3A_28, %scan3A_29 : i32
    %scan3A_31 = arith.constant 1 : i32
    scf.for %scan3A_33 = %scan3A_28 to %scan3A_30 step %scan3A_31  : i32 {
      %mul3A_34 = arith.constant 16 : i32
      %mul3A_35 = arith.muli %scan3A_33, %mul3A_34 : i32
      %add3A_36 = arith.constant 0 : i32
      %add3A_37 = arith.addi %add3A_36, %mul3A_35 : i32
      %get3A_38 = arith.index_cast %add3A_37 : i32 to index
      %get3A_39 = tpu.vector_load %arg8[%get3A_38] {strides = array<i32>} : memref<8192xi32, #tpu.memory_space<vmem>>, vector<16xi32>,
      %add3A_40 = arith.addi %broadcast_in_dim3A_3, %get3A_39 : vector<16xi32>
      %mul3A_41 = arith.constant 16 : i32
      %mul3A_42 = arith.muli %scan3A_33, %mul3A_41 : i32
      %add3A_43 = arith.constant 0 : i32
      %add3A_44 = arith.addi %add3A_43, %mul3A_42 : i32
      %get3A_45 = arith.index_cast %add3A_44 : i32 to index
      %get3A_46 = tpu.vector_load %arg9[%get3A_45] {strides = array<i32>} : memref<8192xf32, #tpu.memory_space<vmem>>, vector<16xf32>,
      %add3A_47 = arith.addf %broadcast_in_dim3A_5, %get3A_46 : vector<16xf32>
      %mul3A_48 = arith.constant 16 : i32
      %mul3A_49 = arith.muli %scan3A_33, %mul3A_48 : i32
      %add3A_50 = arith.constant 512 : i32
      %add3A_51 = arith.addi %add3A_50, %mul3A_49 : i32
      %get3A_52 = arith.index_cast %add3A_51 : i32 to index
      %get3A_53 = tpu.vector_load %arg8[%get3A_52] {strides = array<i32>} : memref<8192xi32, #tpu.memory_space<vmem>>, vector<16xi32>,
      %add3A_54 = arith.addi %add3A_40, %get3A_53 : vector<16xi32>
      %mul3A_55 = arith.constant 16 : i32
      %mul3A_56 = arith.muli %scan3A_33, %mul3A_55 : i32
      %add3A_57 = arith.constant 512 : i32
      %add3A_58 = arith.addi %add3A_57, %mul3A_56 : i32
      %get3A_59 = arith.index_cast %add3A_58 : i32 to index
      %get3A_60 = tpu.vector_load %arg9[%get3A_59] {strides = array<i32>} : memref<8192xf32, #tpu.memory_space<vmem>>, vector<16xf32>,
      %add3A_61 = arith.addf %add3A_47, %get3A_60 : vector<16xf32>
      %mul3A_62 = arith.constant 16 : i32
      %mul3A_63 = arith.muli %scan3A_33, %mul3A_62 : i32
      %add3A_64 = arith.constant 1024 : i32
      %add3A_65 = arith.addi %add3A_64, %mul3A_63 : i32
      %get3A_66 = arith.index_cast %add3A_65 : i32 to index
      %get3A_67 = tpu.vector_load %arg8[%get3A_66] {strides = array<i32>} : memref<8192xi32, #tpu.memory_space<vmem>>, vector<16xi32>,
      %add3A_68 = arith.addi %add3A_54, %get3A_67 : vector<16xi32>
      %mul3A_69 = arith.constant 16 : i32
      %mul3A_70 = arith.muli %scan3A_33, %mul3A_69 : i32
      %add3A_71 = arith.constant 1024 : i32
      %add3A_72 = arith.addi %add3A_71, %mul3A_70 : i32
      %get3A_73 = arith.index_cast %add3A_72 : i32 to index
      %get3A_74 = tpu.vector_load %arg9[%get3A_73] {strides = array<i32>} : memref<8192xf32, #tpu.memory_space<vmem>>, vector<16xf32>,
      %add3A_75 = arith.addf %add3A_61, %get3A_74 : vector<16xf32>
      %mul3A_76 = arith.constant 16 : i32
      %mul3A_77 = arith.muli %scan3A_33, %mul3A_76 : i32
      %add3A_78 = arith.constant 1536 : i32
      %add3A_79 = arith.addi %add3A_78, %mul3A_77 : i32
      %get3A_80 = arith.index_cast %add3A_79 : i32 to index
      %get3A_81 = tpu.vector_load %arg8[%get3A_80] {strides = array<i32>} : memref<8192xi32, #tpu.memory_space<vmem>>, vector<16xi32>,
      %add3A_82 = arith.addi %add3A_68, %get3A_81 : vector<16xi32>
      %mul3A_83 = arith.constant 16 : i32
      %mul3A_84 = arith.muli %scan3A_33, %mul3A_83 : i32
      %add3A_85 = arith.constant 1536 : i32
      %add3A_86 = arith.addi %add3A_85, %mul3A_84 : i32
      %get3A_87 = arith.index_cast %add3A_86 : i32 to index
      %get3A_88 = tpu.vector_load %arg9[%get3A_87] {strides = array<i32>} : memref<8192xf32, #tpu.memory_space<vmem>>, vector<16xf32>,
      %add3A_89 = arith.addf %add3A_75, %get3A_88 : vector<16xf32>
      %mul3A_90 = arith.constant 16 : i32
      %mul3A_91 = arith.muli %scan3A_33, %mul3A_90 : i32
      %add3A_92 = arith.constant 2048 : i32
      %add3A_93 = arith.addi %add3A_92, %mul3A_91 : i32
      %get3A_94 = arith.index_cast %add3A_93 : i32 to index
      %get3A_95 = tpu.vector_load %arg8[%get3A_94] {strides = array<i32>} : memref<8192xi32, #tpu.memory_space<vmem>>, vector<16xi32>,
      %add3A_96 = arith.addi %add3A_82, %get3A_95 : vector<16xi32>
      %mul3A_97 = arith.constant 16 : i32
      %mul3A_98 = arith.muli %scan3A_33, %mul3A_97 : i32
      %add3A_99 = arith.constant 2048 : i32
      %add3A_100 = arith.addi %add3A_99, %mul3A_98 : i32
      %get3A_101 = arith.index_cast %add3A_100 : i32 to index
      %get3A_102 = tpu.vector_load %arg9[%get3A_101] {strides = array<i32>} : memref<8192xf32, #tpu.memory_space<vmem>>, vector<16xf32>,
      %add3A_103 = arith.addf %add3A_89, %get3A_102 : vector<16xf32>
      %mul3A_104 = arith.constant 16 : i32
      %mul3A_105 = arith.muli %scan3A_33, %mul3A_104 : i32
      %add3A_106 = arith.constant 2560 : i32
      %add3A_107 = arith.addi %add3A_106, %mul3A_105 : i32
      %get3A_108 = arith.index_cast %add3A_107 : i32 to index
      %get3A_109 = tpu.vector_load %arg8[%get3A_108] {strides = array<i32>} : memref<8192xi32, #tpu.memory_space<vmem>>, vector<16xi32>,
      %add3A_110 = arith.addi %add3A_96, %get3A_109 : vector<16xi32>
      %mul3A_111 = arith.constant 16 : i32
      %mul3A_112 = arith.muli %scan3A_33, %mul3A_111 : i32
      %add3A_113 = arith.constant 2560 : i32
      %add3A_114 = arith.addi %add3A_113, %mul3A_112 : i32
      %get3A_115 = arith.index_cast %add3A_114 : i32 to index
      %get3A_116 = tpu.vector_load %arg9[%get3A_115] {strides = array<i32>} : memref<8192xf32, #tpu.memory_space<vmem>>, vector<16xf32>,
      %add3A_117 = arith.addf %add3A_103, %get3A_116 : vector<16xf32>
      %mul3A_118 = arith.constant 16 : i32
      %mul3A_119 = arith.muli %scan3A_33, %mul3A_118 : i32
      %add3A_120 = arith.constant 3072 : i32
      %add3A_121 = arith.addi %add3A_120, %mul3A_119 : i32
      %get3A_122 = arith.index_cast %add3A_121 : i32 to index
      %get3A_123 = tpu.vector_load %arg8[%get3A_122] {strides = array<i32>} : memref<8192xi32, #tpu.memory_space<vmem>>, vector<16xi32>,
      %add3A_124 = arith.addi %add3A_110, %get3A_123 : vector<16xi32>
      %mul3A_125 = arith.constant 16 : i32
      %mul3A_126 = arith.muli %scan3A_33, %mul3A_125 : i32
      %add3A_127 = arith.constant 3072 : i32
      %add3A_128 = arith.addi %add3A_127, %mul3A_126 : i32
      %get3A_129 = arith.index_cast %add3A_128 : i32 to index
      %get3A_130 = tpu.vector_load %arg9[%get3A_129] {strides = array<i32>} : memref<8192xf32, #tpu.memory_space<vmem>>, vector<16xf32>,
      %add3A_131 = arith.addf %add3A_117, %get3A_130 : vector<16xf32>
      %mul3A_132 = arith.constant 16 : i32
      %mul3A_133 = arith.muli %scan3A_33, %mul3A_132 : i32
      %add3A_134 = arith.constant 3584 : i32
      %add3A_135 = arith.addi %add3A_134, %mul3A_133 : i32
      %get3A_136 = arith.index_cast %add3A_135 : i32 to index
      %get3A_137 = tpu.vector_load %arg8[%get3A_136] {strides = array<i32>} : memref<8192xi32, #tpu.memory_space<vmem>>, vector<16xi32>,
      %add3A_138 = arith.addi %add3A_124, %get3A_137 : vector<16xi32>
      %mul3A_139 = arith.constant 16 : i32
      %mul3A_140 = arith.muli %scan3A_33, %mul3A_139 : i32
      %add3A_141 = arith.constant 3584 : i32
      %add3A_142 = arith.addi %add3A_141, %mul3A_140 : i32
      %get3A_143 = arith.index_cast %add3A_142 : i32 to index
      %get3A_144 = tpu.vector_load %arg9[%get3A_143] {strides = array<i32>} : memref<8192xf32, #tpu.memory_space<vmem>>, vector<16xf32>,
      %add3A_145 = arith.addf %add3A_131, %get3A_144 : vector<16xf32>
      %mul3A_146 = arith.constant 16 : i32
      %mul3A_147 = arith.muli %scan3A_33, %mul3A_146 : i32
      %add3A_148 = arith.constant 4096 : i32
      %add3A_149 = arith.addi %add3A_148, %mul3A_147 : i32
      %get3A_150 = arith.index_cast %add3A_149 : i32 to index
      %get3A_151 = tpu.vector_load %arg8[%get3A_150] {strides = array<i32>} : memref<8192xi32, #tpu.memory_space<vmem>>, vector<16xi32>,
      %add3A_152 = arith.addi %add3A_138, %get3A_151 : vector<16xi32>
      %mul3A_153 = arith.constant 16 : i32
      %mul3A_154 = arith.muli %scan3A_33, %mul3A_153 : i32
      %add3A_155 = arith.constant 4096 : i32
      %add3A_156 = arith.addi %add3A_155, %mul3A_154 : i32
      %get3A_157 = arith.index_cast %add3A_156 : i32 to index
      %get3A_158 = tpu.vector_load %arg9[%get3A_157] {strides = array<i32>} : memref<8192xf32, #tpu.memory_space<vmem>>, vector<16xf32>,
      %add3A_159 = arith.addf %add3A_145, %get3A_158 : vector<16xf32>
      %mul3A_160 = arith.constant 16 : i32
      %mul3A_161 = arith.muli %scan3A_33, %mul3A_160 : i32
      %add3A_162 = arith.constant 4608 : i32
      %add3A_163 = arith.addi %add3A_162, %mul3A_161 : i32
      %get3A_164 = arith.index_cast %add3A_163 : i32 to index
      %get3A_165 = tpu.vector_load %arg8[%get3A_164] {strides = array<i32>} : memref<8192xi32, #tpu.memory_space<vmem>>, vector<16xi32>,
      %add3A_166 = arith.addi %add3A_152, %get3A_165 : vector<16xi32>
      %mul3A_167 = arith.constant 16 : i32
      %mul3A_168 = arith.muli %scan3A_33, %mul3A_167 : i32
      %add3A_169 = arith.constant 4608 : i32
      %add3A_170 = arith.addi %add3A_169, %mul3A_168 : i32
      %get3A_171 = arith.index_cast %add3A_170 : i32 to index
      %get3A_172 = tpu.vector_load %arg9[%get3A_171] {strides = array<i32>} : memref<8192xf32, #tpu.memory_space<vmem>>, vector<16xf32>,
      %add3A_173 = arith.addf %add3A_159, %get3A_172 : vector<16xf32>
      %mul3A_174 = arith.constant 16 : i32
      %mul3A_175 = arith.muli %scan3A_33, %mul3A_174 : i32
      %add3A_176 = arith.constant 5120 : i32
      %add3A_177 = arith.addi %add3A_176, %mul3A_175 : i32
      %get3A_178 = arith.index_cast %add3A_177 : i32 to index
      %get3A_179 = tpu.vector_load %arg8[%get3A_178] {strides = array<i32>} : memref<8192xi32, #tpu.memory_space<vmem>>, vector<16xi32>,
      %add3A_180 = arith.addi %add3A_166, %get3A_179 : vector<16xi32>
      %mul3A_181 = arith.constant 16 : i32
      %mul3A_182 = arith.muli %scan3A_33, %mul3A_181 : i32
      %add3A_183 = arith.constant 5120 : i32
      %add3A_184 = arith.addi %add3A_183, %mul3A_182 : i32
      %get3A_185 = arith.index_cast %add3A_184 : i32 to index
      %get3A_186 = tpu.vector_load %arg9[%get3A_185] {strides = array<i32>} : memref<8192xf32, #tpu.memory_space<vmem>>, vector<16xf32>,
      %add3A_187 = arith.addf %add3A_173, %get3A_186 : vector<16xf32>
      %mul3A_188 = arith.constant 16 : i32
      %mul3A_189 = arith.muli %scan3A_33, %mul3A_188 : i32
      %add3A_190 = arith.constant 5632 : i32
      %add3A_191 = arith.addi %add3A_190, %mul3A_189 : i32
      %get3A_192 = arith.index_cast %add3A_191 : i32 to index
      %get3A_193 = tpu.vector_load %arg8[%get3A_192] {strides = array<i32>} : memref<8192xi32, #tpu.memory_space<vmem>>, vector<16xi32>,
      %add3A_194 = arith.addi %add3A_180, %get3A_193 : vector<16xi32>
      %mul3A_195 = arith.constant 16 : i32
      %mul3A_196 = arith.muli %scan3A_33, %mul3A_195 : i32
      %add3A_197 = arith.constant 5632 : i32
      %add3A_198 = arith.addi %add3A_197, %mul3A_196 : i32
      %get3A_199 = arith.index_cast %add3A_198 : i32 to index
      %get3A_200 = tpu.vector_load %arg9[%get3A_199] {strides = array<i32>} : memref<8192xf32, #tpu.memory_space<vmem>>, vector<16xf32>,
      %add3A_201 = arith.addf %add3A_187, %get3A_200 : vector<16xf32>
      %mul3A_202 = arith.constant 16 : i32
      %mul3A_203 = arith.muli %scan3A_33, %mul3A_202 : i32
      %add3A_204 = arith.constant 6144 : i32
      %add3A_205 = arith.addi %add3A_204, %mul3A_203 : i32
      %get3A_206 = arith.index_cast %add3A_205 : i32 to index
      %get3A_207 = tpu.vector_load %arg8[%get3A_206] {strides = array<i32>} : memref<8192xi32, #tpu.memory_space<vmem>>, vector<16xi32>,
      %add3A_208 = arith.addi %add3A_194, %get3A_207 : vector<16xi32>
      %mul3A_209 = arith.constant 16 : i32
      %mul3A_210 = arith.muli %scan3A_33, %mul3A_209 : i32
      %add3A_211 = arith.constant 6144 : i32
      %add3A_212 = arith.addi %add3A_211, %mul3A_210 : i32
      %get3A_213 = arith.index_cast %add3A_212 : i32 to index
      %get3A_214 = tpu.vector_load %arg9[%get3A_213] {strides = array<i32>} : memref<8192xf32, #tpu.memory_space<vmem>>, vector<16xf32>,
      %add3A_215 = arith.addf %add3A_201, %get3A_214 : vector<16xf32>
      %mul3A_216 = arith.constant 16 : i32
      %mul3A_217 = arith.muli %scan3A_33, %mul3A_216 : i32
      %add3A_218 = arith.constant 6656 : i32
      %add3A_219 = arith.addi %add3A_218, %mul3A_217 : i32
      %get3A_220 = arith.index_cast %add3A_219 : i32 to index
      %get3A_221 = tpu.vector_load %arg8[%get3A_220] {strides = array<i32>} : memref<8192xi32, #tpu.memory_space<vmem>>, vector<16xi32>,
      %add3A_222 = arith.addi %add3A_208, %get3A_221 : vector<16xi32>
      %mul3A_223 = arith.constant 16 : i32
      %mul3A_224 = arith.muli %scan3A_33, %mul3A_223 : i32
      %add3A_225 = arith.constant 6656 : i32
      %add3A_226 = arith.addi %add3A_225, %mul3A_224 : i32
      %get3A_227 = arith.index_cast %add3A_226 : i32 to index
      %get3A_228 = tpu.vector_load %arg9[%get3A_227] {strides = array<i32>} : memref<8192xf32, #tpu.memory_space<vmem>>, vector<16xf32>,
      %add3A_229 = arith.addf %add3A_215, %get3A_228 : vector<16xf32>
      %mul3A_230 = arith.constant 16 : i32
      %mul3A_231 = arith.muli %scan3A_33, %mul3A_230 : i32
      %add3A_232 = arith.constant 7168 : i32
      %add3A_233 = arith.addi %add3A_232, %mul3A_231 : i32
      %get3A_234 = arith.index_cast %add3A_233 : i32 to index
      %get3A_235 = tpu.vector_load %arg8[%get3A_234] {strides = array<i32>} : memref<8192xi32, #tpu.memory_space<vmem>>, vector<16xi32>,
      %add3A_236 = arith.addi %add3A_222, %get3A_235 : vector<16xi32>
      %mul3A_237 = arith.constant 16 : i32
      %mul3A_238 = arith.muli %scan3A_33, %mul3A_237 : i32
      %add3A_239 = arith.constant 7168 : i32
      %add3A_240 = arith.addi %add3A_239, %mul3A_238 : i32
      %get3A_241 = arith.index_cast %add3A_240 : i32 to index
      %get3A_242 = tpu.vector_load %arg9[%get3A_241] {strides = array<i32>} : memref<8192xf32, #tpu.memory_space<vmem>>, vector<16xf32>,
      %add3A_243 = arith.addf %add3A_229, %get3A_242 : vector<16xf32>
      %mul3A_244 = arith.constant 16 : i32
      %mul3A_245 = arith.muli %scan3A_33, %mul3A_244 : i32
      %add3A_246 = arith.constant 7680 : i32
      %add3A_247 = arith.addi %add3A_246, %mul3A_245 : i32
      %get3A_248 = arith.index_cast %add3A_247 : i32 to index
      %get3A_249 = tpu.vector_load %arg8[%get3A_248] {strides = array<i32>} : memref<8192xi32, #tpu.memory_space<vmem>>, vector<16xi32>,
      %add3A_250 = arith.addi %add3A_236, %get3A_249 : vector<16xi32>
      %mul3A_251 = arith.constant 16 : i32
      %mul3A_252 = arith.muli %scan3A_33, %mul3A_251 : i32
      %add3A_253 = arith.constant 7680 : i32
      %add3A_254 = arith.addi %add3A_253, %mul3A_252 : i32
      %get3A_255 = arith.index_cast %add3A_254 : i32 to index
      %get3A_256 = tpu.vector_load %arg9[%get3A_255] {strides = array<i32>} : memref<8192xf32, #tpu.memory_space<vmem>>, vector<16xf32>,
      %add3A_257 = arith.addf %add3A_243, %get3A_256 : vector<16xf32>
      %swap3A = arith.index_cast %scan3A_33 : i32 to index
      %swap3A_258 = arith.constant 0 : index
      %swap3A_259 = tpu.vector_load %arg10[%swap3A, %swap3A_258] {strides = array<i32>} : memref<32x16xi32, #tpu.memory_space<vmem>>, vector<16xi32>,
      tpu.vector_store %arg10[%swap3A, %swap3A_258], %add3A_250 {strides = array<i32>} : memref<32x16xi32, #tpu.memory_space<vmem>>, vector<16xi32>,
      %swap3A_260 = arith.index_cast %scan3A_33 : i32 to index
      %swap3A_261 = arith.constant 0 : index
      %swap3A_262 = tpu.vector_load %arg11[%swap3A_260, %swap3A_261] {strides = array<i32>} : memref<32x16xf32, #tpu.memory_space<vmem>>, vector<16xf32>,
      tpu.vector_store %arg11[%swap3A_260, %swap3A_261], %add3A_257 {strides = array<i32>} : memref<32x16xf32, #tpu.memory_space<vmem>>, vector<16xf32>,
    }
    %scan3A_32 = arith.constant 32 : i32
    "tpu.region"() ({
      %run_scoped3A = tpu.sem_alloc : memref<!tpu.dma_semaphore, #tpu.memory_space<semaphore_mem>>
      %dma_start3A = arith.constant 0 : i32
      %dma_start3A_33 = arith.constant 0 : i32
      %dma_start3A_34 = tpu.memref_slice %arg4[%add3A, %dma_start3A, %dma_start3A_33] : memref<32x32x16xi32, #tpu.memory_space<hbm>> -> memref<1x32x16xi32, #tpu.memory_space<hbm>>
      %dma_start3A_35 = tpu.memref_squeeze %dma_start3A_34 : memref<1x32x16xi32, #tpu.memory_space<hbm>> -> memref<32x16xi32, #tpu.memory_space<hbm>>
      %dma_start3A_36 = arith.constant 0 : i32
      %dma_start3A_37 = arith.constant 0 : i32
      %dma_start3A_38 = tpu.memref_slice %arg4[%add3A, %dma_start3A_36, %dma_start3A_37] : memref<32x32x16xi32, #tpu.memory_space<hbm>> -> memref<1x32x16xi32, #tpu.memory_space<hbm>>
      %dma_start3A_39 = tpu.memref_squeeze %dma_start3A_38 : memref<1x32x16xi32, #tpu.memory_space<hbm>> -> memref<32x16xi32, #tpu.memory_space<hbm>>
      tpu.enqueue_dma source(%arg10 : memref<32x16xi32, #tpu.memory_space<vmem>>) target(%dma_start3A_39 : memref<32x16xi32, #tpu.memory_space<hbm>>) target_semaphore(%run_scoped3A : memref<!tpu.dma_semaphore, #tpu.memory_space<semaphore_mem>>)
      %dma_wait3A = arith.constant 0 : i32
      %dma_wait3A_40 = arith.constant 0 : i32
      %dma_wait3A_41 = tpu.memref_slice %arg4[%add3A, %dma_wait3A, %dma_wait3A_40] : memref<32x32x16xi32, #tpu.memory_space<hbm>> -> memref<1x32x16xi32, #tpu.memory_space<hbm>>
      %dma_wait3A_42 = tpu.memref_squeeze %dma_wait3A_41 : memref<1x32x16xi32, #tpu.memory_space<hbm>> -> memref<32x16xi32, #tpu.memory_space<hbm>>
      %dma_wait3A_43 = arith.constant 0 : i32
      %dma_wait3A_44 = arith.constant 0 : i32
      %dma_wait3A_45 = tpu.memref_slice %arg4[%add3A, %dma_wait3A_43, %dma_wait3A_44] : memref<32x32x16xi32, #tpu.memory_space<hbm>> -> memref<1x32x16xi32, #tpu.memory_space<hbm>>
      %dma_wait3A_46 = tpu.memref_squeeze %dma_wait3A_45 : memref<1x32x16xi32, #tpu.memory_space<hbm>> -> memref<32x16xi32, #tpu.memory_space<hbm>>
      tpu.wait_dma2 semaphore(%run_scoped3A : memref<!tpu.dma_semaphore, #tpu.memory_space<semaphore_mem>>) src(%arg10 : memref<32x16xi32, #tpu.memory_space<vmem>>) dst(%dma_wait3A_46 : memref<32x16xi32, #tpu.memory_space<hbm>>)
      tpu.yield
    }) : () -> ()
    "tpu.region"() ({
      %run_scoped3A = tpu.sem_alloc : memref<!tpu.dma_semaphore, #tpu.memory_space<semaphore_mem>>
      %dma_start3A = arith.constant 0 : i32
      %dma_start3A_33 = arith.constant 0 : i32
      %dma_start3A_34 = tpu.memref_slice %arg5[%add3A, %dma_start3A, %dma_start3A_33] : memref<32x32x16xf32, #tpu.memory_space<hbm>> -> memref<1x32x16xf32, #tpu.memory_space<hbm>>
      %dma_start3A_35 = tpu.memref_squeeze %dma_start3A_34 : memref<1x32x16xf32, #tpu.memory_space<hbm>> -> memref<32x16xf32, #tpu.memory_space<hbm>>
      %dma_start3A_36 = arith.constant 0 : i32
      %dma_start3A_37 = arith.constant 0 : i32
      %dma_start3A_38 = tpu.memref_slice %arg5[%add3A, %dma_start3A_36, %dma_start3A_37] : memref<32x32x16xf32, #tpu.memory_space<hbm>> -> memref<1x32x16xf32, #tpu.memory_space<hbm>>
      %dma_start3A_39 = tpu.memref_squeeze %dma_start3A_38 : memref<1x32x16xf32, #tpu.memory_space<hbm>> -> memref<32x16xf32, #tpu.memory_space<hbm>>
      tpu.enqueue_dma source(%arg11 : memref<32x16xf32, #tpu.memory_space<vmem>>) target(%dma_start3A_39 : memref<32x16xf32, #tpu.memory_space<hbm>>) target_semaphore(%run_scoped3A : memref<!tpu.dma_semaphore, #tpu.memory_space<semaphore_mem>>)
      %dma_wait3A = arith.constant 0 : i32
      %dma_wait3A_40 = arith.constant 0 : i32
      %dma_wait3A_41 = tpu.memref_slice %arg5[%add3A, %dma_wait3A, %dma_wait3A_40] : memref<32x32x16xf32, #tpu.memory_space<hbm>> -> memref<1x32x16xf32, #tpu.memory_space<hbm>>
      %dma_wait3A_42 = tpu.memref_squeeze %dma_wait3A_41 : memref<1x32x16xf32, #tpu.memory_space<hbm>> -> memref<32x16xf32, #tpu.memory_space<hbm>>
      %dma_wait3A_43 = arith.constant 0 : i32
      %dma_wait3A_44 = arith.constant 0 : i32
      %dma_wait3A_45 = tpu.memref_slice %arg5[%add3A, %dma_wait3A_43, %dma_wait3A_44] : memref<32x32x16xf32, #tpu.memory_space<hbm>> -> memref<1x32x16xf32, #tpu.memory_space<hbm>>
      %dma_wait3A_46 = tpu.memref_squeeze %dma_wait3A_45 : memref<1x32x16xf32, #tpu.memory_space<hbm>> -> memref<32x16xf32, #tpu.memory_space<hbm>>
      tpu.wait_dma2 semaphore(%run_scoped3A : memref<!tpu.dma_semaphore, #tpu.memory_space<semaphore_mem>>) src(%arg11 : memref<32x16xf32, #tpu.memory_space<vmem>>) dst(%dma_wait3A_46 : memref<32x16xf32, #tpu.memory_space<hbm>>)
      tpu.yield
    }) : () -> ()
    return
  }
}

#map = affine_map<(d0, d1) -> (0)>
#map1 = affine_map<(d0, d1) -> (0, 0, 0)>
module attributes {stable_mosaic.version = 14 : i64} {
  func.func @body(%arg0: i32, %arg1: i32, %arg2: memref<1048576xi32, #tpu.memory_space<hbm>>, %arg3: memref<16xi32, #tpu.memory_space<hbm>>, %arg4: memref<32x32x16xi32, #tpu.memory_space<hbm>>, %arg5: memref<32x32x16xf32, #tpu.memory_space<hbm>>, %arg6: memref<32768xi32, #tpu.memory_space<vmem>>, %arg7: memref<16xi32, #tpu.memory_space<vmem>>, %arg8: memref<8192xi32, #tpu.memory_space<vmem>>, %arg9: memref<8192xf32, #tpu.memory_space<vmem>>, %arg10: memref<32x16xi32, #tpu.memory_space<vmem>>, %arg11: memref<32x16xf32, #tpu.memory_space<vmem>>) attributes {dimension_semantics = [#tpu.dimension_semantics<core_parallel>, #tpu.dimension_semantics<subcore_parallel>], iteration_bounds = array<i64: 2, 16>, scalar_prefetch = 0 : i64, scratch_operands = 6 : i64, tpu.core_type = #tpu.core_type<sc_vector_subcore>, window_params = [{transform_indices = #map}, {transform_indices = #map}, {transform_indices = #map1}, {transform_indices = #map1}]} {
    %mul3A = arith.constant 2 : i32
    %mul3A_0 = arith.muli %arg1, %mul3A : i32
    %add3A = arith.addi %mul3A_0, %arg0 : i32
    %iota3A = tpu.iota {dimensions = array<i32: 0>} : vector<16xi32>
    %broadcast_in_dim3A = arith.constant 1 : i32
    %broadcast_in_dim3A_1 = vector.broadcast %broadcast_in_dim3A : i32 to vector<16xi32>
    %broadcast_in_dim3A_2 = arith.constant 0 : i32
    %broadcast_in_dim3A_3 = vector.broadcast %broadcast_in_dim3A_2 : i32 to vector<16xi32>
    %broadcast_in_dim3A_4 = arith.constant 0.000000e+00 : f32
    %broadcast_in_dim3A_5 = vector.broadcast %broadcast_in_dim3A_4 : f32 to vector<16xf32>
    %mul3A_6 = arith.constant 32768 : i32
    %mul3A_7 = arith.muli %add3A, %mul3A_6 : i32
    "tpu.region"() ({
      %run_scoped3A = tpu.sem_alloc : memref<!tpu.dma_semaphore, #tpu.memory_space<semaphore_mem>>
      %dma_start3A = tpu.memref_slice %arg2[%mul3A_7] : memref<1048576xi32, #tpu.memory_space<hbm>> -> memref<32768xi32, #tpu.memory_space<hbm>>
      %dma_start3A_33 = tpu.memref_slice %arg2[%mul3A_7] : memref<1048576xi32, #tpu.memory_space<hbm>> -> memref<32768xi32, #tpu.memory_space<hbm>>
      tpu.enqueue_dma source(%dma_start3A_33 : memref<32768xi32, #tpu.memory_space<hbm>>) target(%arg6 : memref<32768xi32, #tpu.memory_space<vmem>>) target_semaphore(%run_scoped3A : memref<!tpu.dma_semaphore, #tpu.memory_space<semaphore_mem>>)
      %dma_wait3A = tpu.memref_slice %arg2[%mul3A_7] : memref<1048576xi32, #tpu.memory_space<hbm>> -> memref<32768xi32, #tpu.memory_space<hbm>>
      %dma_wait3A_34 = tpu.memref_slice %arg2[%mul3A_7] : memref<1048576xi32, #tpu.memory_space<hbm>> -> memref<32768xi32, #tpu.memory_space<hbm>>
      tpu.wait_dma2 semaphore(%run_scoped3A : memref<!tpu.dma_semaphore, #tpu.memory_space<semaphore_mem>>) src(%dma_wait3A_34 : memref<32768xi32, #tpu.memory_space<hbm>>) dst(%arg6 : memref<32768xi32, #tpu.memory_space<vmem>>)
      tpu.yield
    }) : () -> ()
    "tpu.region"() ({
      %run_scoped3A = tpu.sem_alloc : memref<!tpu.dma_semaphore, #tpu.memory_space<semaphore_mem>>
      tpu.enqueue_dma source(%arg3 : memref<16xi32, #tpu.memory_space<hbm>>) target(%arg7 : memref<16xi32, #tpu.memory_space<vmem>>) target_semaphore(%run_scoped3A : memref<!tpu.dma_semaphore, #tpu.memory_space<semaphore_mem>>)
      tpu.wait_dma2 semaphore(%run_scoped3A : memref<!tpu.dma_semaphore, #tpu.memory_space<semaphore_mem>>) src(%arg3 : memref<16xi32, #tpu.memory_space<hbm>>) dst(%arg7 : memref<16xi32, #tpu.memory_space<vmem>>)
      tpu.yield
    }) : () -> ()
    %get3A = arith.constant 0 : index
    %get3A_8 = tpu.vector_load %arg7[%get3A] {strides = array<i32>} : memref<16xi32, #tpu.memory_space<vmem>>, vector<16xi32>,
    %eq3A = arith.constant 0 : i32
    %eq3A_9 = vector.broadcast %eq3A : i32 to vector<16xi32>
    %eq3A_10 = arith.cmpi eq, %iota3A, %eq3A_9 : vector<16xi32>
    %broadcast_in_dim3A_11 = arith.constant 0 : i32
    %broadcast_in_dim3A_12 = vector.broadcast %broadcast_in_dim3A_11 : i32 to vector<16xi32>
    %select_n3A = arith.select %eq3A_10, %get3A_8, %broadcast_in_dim3A_12 : vector<16xi1>, vector<16xi32>
    %reduce_sum3A = arith.constant true
    %reduce_sum3A_13 = vector.broadcast %reduce_sum3A : i1 to vector<16xi1>
    %reduce_sum3A_14 = tpu.scan <sum>, %select_n3A masked %reduce_sum3A_13 : vector<16xi32>, vector<16xi1> -> vector<16xi32>
    %reduce_sum3A_15 = vector.extract %reduce_sum3A_14[15] : i32 from vector<16xi32>
    %scan3A = arith.constant 0 : i32
    %scan3A_16 = arith.constant 0 : i32
    %scan3A_17 = arith.constant 512 : i32
    %scan3A_18 = arith.addi %scan3A_16, %scan3A_17 : i32
    %scan3A_19 = arith.constant 1 : i32
    scf.for %scan3A_33 = %scan3A_16 to %scan3A_18 step %scan3A_19  : i32 {
      %mul3A_34 = arith.constant 16 : i32
      %mul3A_35 = arith.muli %scan3A_33, %mul3A_34 : i32
      %swap3A = arith.index_cast %mul3A_35 : i32 to index
      %swap3A_36 = tpu.vector_load %arg8[%swap3A] {strides = array<i32>} : memref<8192xi32, #tpu.memory_space<vmem>>, vector<16xi32>,
      tpu.vector_store %arg8[%swap3A], %broadcast_in_dim3A_3 {strides = array<i32>} : memref<8192xi32, #tpu.memory_space<vmem>>, vector<16xi32>,
      %mul3A_37 = arith.constant 16 : i32
      %mul3A_38 = arith.muli %scan3A_33, %mul3A_37 : i32
      %swap3A_39 = arith.index_cast %mul3A_38 : i32 to index
      %swap3A_40 = tpu.vector_load %arg9[%swap3A_39] {strides = array<i32>} : memref<8192xf32, #tpu.memory_space<vmem>>, vector<16xf32>,
      tpu.vector_store %arg9[%swap3A_39], %broadcast_in_dim3A_5 {strides = array<i32>} : memref<8192xf32, #tpu.memory_space<vmem>>, vector<16xf32>,
    }
    %scan3A_20 = arith.constant 512 : i32
    %scan3A_21 = arith.constant 0 : i32
    %scan3A_22 = arith.constant 0 : i32
    %scan3A_23 = arith.constant 512 : i32
    %scan3A_24 = arith.addi %scan3A_22, %scan3A_23 : i32
    %scan3A_25 = arith.constant 1 : i32
    scf.for %scan3A_33 = %scan3A_22 to %scan3A_24 step %scan3A_25  : i32 {
      %mul3A_34 = arith.constant 64 : i32
      %mul3A_35 = arith.muli %scan3A_33, %mul3A_34 : i32
      %add3A_36 = arith.constant 0 : i32
      %add3A_37 = arith.addi %mul3A_35, %add3A_36 : i32
      %get3A_38 = arith.index_cast %add3A_37 : i32 to index
      %get3A_39 = tpu.vector_load %arg6[%get3A_38] {strides = array<i32>} : memref<32768xi32, #tpu.memory_space<vmem>>, vector<16xi32>,
      %sub3A = arith.constant 897581056 : i32
      %sub3A_40 = vector.broadcast %sub3A : i32 to vector<16xi32>
      %sub3A_41 = arith.subi %get3A_39, %sub3A_40 : vector<16xi32>
      %max3A = arith.constant 0 : i32
      %max3A_42 = vector.broadcast %max3A : i32 to vector<16xi32>
      %max3A_43 = arith.maxsi %sub3A_41, %max3A_42 : vector<16xi32>
      %min3A = arith.constant 268435455 : i32
      %min3A_44 = vector.broadcast %min3A : i32 to vector<16xi32>
      %min3A_45 = arith.minsi %max3A_43, %min3A_44 : vector<16xi32>
      %gt3A = arith.constant 0 : i32
      %gt3A_46 = vector.broadcast %gt3A : i32 to vector<16xi32>
      %gt3A_47 = arith.cmpi sgt, %get3A_39, %gt3A_46 : vector<16xi32>
      %shift_right_arithmetic3A = arith.constant 19 : i32
      %shift_right_arithmetic3A_48 = vector.broadcast %shift_right_arithmetic3A : i32 to vector<16xi32>
      %shift_right_arithmetic3A_49 = arith.shrsi %min3A_45, %shift_right_arithmetic3A_48 : vector<16xi32>
      %eq3A_50 = vector.broadcast %reduce_sum3A_15 : i32 to vector<16xi32>
      %eq3A_51 = arith.cmpi eq, %shift_right_arithmetic3A_49, %eq3A_50 : vector<16xi32>
      %and3A = arith.andi %gt3A_47, %eq3A_51 : vector<16xi1>
      %shift_right_arithmetic3A_52 = arith.constant 10 : i32
      %shift_right_arithmetic3A_53 = vector.broadcast %shift_right_arithmetic3A_52 : i32 to vector<16xi32>
      %shift_right_arithmetic3A_54 = arith.shrsi %min3A_45, %shift_right_arithmetic3A_53 : vector<16xi32>
      %and3A_55 = arith.constant 511 : i32
      %and3A_56 = vector.broadcast %and3A_55 : i32 to vector<16xi32>
      %and3A_57 = arith.andi %shift_right_arithmetic3A_54, %and3A_56 : vector<16xi32>
      %mul3A_58 = arith.constant 512 : i32
      %mul3A_59 = vector.broadcast %mul3A_58 : i32 to vector<16xi32>
      %mul3A_60 = arith.muli %iota3A, %mul3A_59 : vector<16xi32>
      %add3A_61 = arith.addi %mul3A_60, %and3A_57 : vector<16xi32>
      tpu.vector_store_idx %arg8[%add3A_61], %broadcast_in_dim3A_1 masked %and3A {add = true} : memref<8192xi32, #tpu.memory_space<vmem>>[vector<16xi32>], vector<16xi32>, vector<16xi1>
      %bitcast3A = vector.bitcast %get3A_39 : vector<16xi32> to vector<16xf32>
      tpu.vector_store_idx %arg9[%add3A_61], %bitcast3A masked %and3A {add = true} : memref<8192xf32, #tpu.memory_space<vmem>>[vector<16xi32>], vector<16xf32>, vector<16xi1>
      %mul3A_62 = arith.constant 64 : i32
      %mul3A_63 = arith.muli %scan3A_33, %mul3A_62 : i32
      %add3A_64 = arith.constant 16 : i32
      %add3A_65 = arith.addi %mul3A_63, %add3A_64 : i32
      %get3A_66 = arith.index_cast %add3A_65 : i32 to index
      %get3A_67 = tpu.vector_load %arg6[%get3A_66] {strides = array<i32>} : memref<32768xi32, #tpu.memory_space<vmem>>, vector<16xi32>,
      %sub3A_68 = arith.constant 897581056 : i32
      %sub3A_69 = vector.broadcast %sub3A_68 : i32 to vector<16xi32>
      %sub3A_70 = arith.subi %get3A_67, %sub3A_69 : vector<16xi32>
      %max3A_71 = arith.constant 0 : i32
      %max3A_72 = vector.broadcast %max3A_71 : i32 to vector<16xi32>
      %max3A_73 = arith.maxsi %sub3A_70, %max3A_72 : vector<16xi32>
      %min3A_74 = arith.constant 268435455 : i32
      %min3A_75 = vector.broadcast %min3A_74 : i32 to vector<16xi32>
      %min3A_76 = arith.minsi %max3A_73, %min3A_75 : vector<16xi32>
      %gt3A_77 = arith.constant 0 : i32
      %gt3A_78 = vector.broadcast %gt3A_77 : i32 to vector<16xi32>
      %gt3A_79 = arith.cmpi sgt, %get3A_67, %gt3A_78 : vector<16xi32>
      %shift_right_arithmetic3A_80 = arith.constant 19 : i32
      %shift_right_arithmetic3A_81 = vector.broadcast %shift_right_arithmetic3A_80 : i32 to vector<16xi32>
      %shift_right_arithmetic3A_82 = arith.shrsi %min3A_76, %shift_right_arithmetic3A_81 : vector<16xi32>
      %eq3A_83 = vector.broadcast %reduce_sum3A_15 : i32 to vector<16xi32>
      %eq3A_84 = arith.cmpi eq, %shift_right_arithmetic3A_82, %eq3A_83 : vector<16xi32>
      %and3A_85 = arith.andi %gt3A_79, %eq3A_84 : vector<16xi1>
      %shift_right_arithmetic3A_86 = arith.constant 10 : i32
      %shift_right_arithmetic3A_87 = vector.broadcast %shift_right_arithmetic3A_86 : i32 to vector<16xi32>
      %shift_right_arithmetic3A_88 = arith.shrsi %min3A_76, %shift_right_arithmetic3A_87 : vector<16xi32>
      %and3A_89 = arith.constant 511 : i32
      %and3A_90 = vector.broadcast %and3A_89 : i32 to vector<16xi32>
      %and3A_91 = arith.andi %shift_right_arithmetic3A_88, %and3A_90 : vector<16xi32>
      %mul3A_92 = arith.constant 512 : i32
      %mul3A_93 = vector.broadcast %mul3A_92 : i32 to vector<16xi32>
      %mul3A_94 = arith.muli %iota3A, %mul3A_93 : vector<16xi32>
      %add3A_95 = arith.addi %mul3A_94, %and3A_91 : vector<16xi32>
      tpu.vector_store_idx %arg8[%add3A_95], %broadcast_in_dim3A_1 masked %and3A_85 {add = true} : memref<8192xi32, #tpu.memory_space<vmem>>[vector<16xi32>], vector<16xi32>, vector<16xi1>
      %bitcast3A_96 = vector.bitcast %get3A_67 : vector<16xi32> to vector<16xf32>
      tpu.vector_store_idx %arg9[%add3A_95], %bitcast3A_96 masked %and3A_85 {add = true} : memref<8192xf32, #tpu.memory_space<vmem>>[vector<16xi32>], vector<16xf32>, vector<16xi1>
      %mul3A_97 = arith.constant 64 : i32
      %mul3A_98 = arith.muli %scan3A_33, %mul3A_97 : i32
      %add3A_99 = arith.constant 32 : i32
      %add3A_100 = arith.addi %mul3A_98, %add3A_99 : i32
      %get3A_101 = arith.index_cast %add3A_100 : i32 to index
      %get3A_102 = tpu.vector_load %arg6[%get3A_101] {strides = array<i32>} : memref<32768xi32, #tpu.memory_space<vmem>>, vector<16xi32>,
      %sub3A_103 = arith.constant 897581056 : i32
      %sub3A_104 = vector.broadcast %sub3A_103 : i32 to vector<16xi32>
      %sub3A_105 = arith.subi %get3A_102, %sub3A_104 : vector<16xi32>
      %max3A_106 = arith.constant 0 : i32
      %max3A_107 = vector.broadcast %max3A_106 : i32 to vector<16xi32>
      %max3A_108 = arith.maxsi %sub3A_105, %max3A_107 : vector<16xi32>
      %min3A_109 = arith.constant 268435455 : i32
      %min3A_110 = vector.broadcast %min3A_109 : i32 to vector<16xi32>
      %min3A_111 = arith.minsi %max3A_108, %min3A_110 : vector<16xi32>
      %gt3A_112 = arith.constant 0 : i32
      %gt3A_113 = vector.broadcast %gt3A_112 : i32 to vector<16xi32>
      %gt3A_114 = arith.cmpi sgt, %get3A_102, %gt3A_113 : vector<16xi32>
      %shift_right_arithmetic3A_115 = arith.constant 19 : i32
      %shift_right_arithmetic3A_116 = vector.broadcast %shift_right_arithmetic3A_115 : i32 to vector<16xi32>
      %shift_right_arithmetic3A_117 = arith.shrsi %min3A_111, %shift_right_arithmetic3A_116 : vector<16xi32>
      %eq3A_118 = vector.broadcast %reduce_sum3A_15 : i32 to vector<16xi32>
      %eq3A_119 = arith.cmpi eq, %shift_right_arithmetic3A_117, %eq3A_118 : vector<16xi32>
      %and3A_120 = arith.andi %gt3A_114, %eq3A_119 : vector<16xi1>
      %shift_right_arithmetic3A_121 = arith.constant 10 : i32
      %shift_right_arithmetic3A_122 = vector.broadcast %shift_right_arithmetic3A_121 : i32 to vector<16xi32>
      %shift_right_arithmetic3A_123 = arith.shrsi %min3A_111, %shift_right_arithmetic3A_122 : vector<16xi32>
      %and3A_124 = arith.constant 511 : i32
      %and3A_125 = vector.broadcast %and3A_124 : i32 to vector<16xi32>
      %and3A_126 = arith.andi %shift_right_arithmetic3A_123, %and3A_125 : vector<16xi32>
      %mul3A_127 = arith.constant 512 : i32
      %mul3A_128 = vector.broadcast %mul3A_127 : i32 to vector<16xi32>
      %mul3A_129 = arith.muli %iota3A, %mul3A_128 : vector<16xi32>
      %add3A_130 = arith.addi %mul3A_129, %and3A_126 : vector<16xi32>
      tpu.vector_store_idx %arg8[%add3A_130], %broadcast_in_dim3A_1 masked %and3A_120 {add = true} : memref<8192xi32, #tpu.memory_space<vmem>>[vector<16xi32>], vector<16xi32>, vector<16xi1>
      %bitcast3A_131 = vector.bitcast %get3A_102 : vector<16xi32> to vector<16xf32>
      tpu.vector_store_idx %arg9[%add3A_130], %bitcast3A_131 masked %and3A_120 {add = true} : memref<8192xf32, #tpu.memory_space<vmem>>[vector<16xi32>], vector<16xf32>, vector<16xi1>
      %mul3A_132 = arith.constant 64 : i32
      %mul3A_133 = arith.muli %scan3A_33, %mul3A_132 : i32
      %add3A_134 = arith.constant 48 : i32
      %add3A_135 = arith.addi %mul3A_133, %add3A_134 : i32
      %get3A_136 = arith.index_cast %add3A_135 : i32 to index
      %get3A_137 = tpu.vector_load %arg6[%get3A_136] {strides = array<i32>} : memref<32768xi32, #tpu.memory_space<vmem>>, vector<16xi32>,
      %sub3A_138 = arith.constant 897581056 : i32
      %sub3A_139 = vector.broadcast %sub3A_138 : i32 to vector<16xi32>
      %sub3A_140 = arith.subi %get3A_137, %sub3A_139 : vector<16xi32>
      %max3A_141 = arith.constant 0 : i32
      %max3A_142 = vector.broadcast %max3A_141 : i32 to vector<16xi32>
      %max3A_143 = arith.maxsi %sub3A_140, %max3A_142 : vector<16xi32>
      %min3A_144 = arith.constant 268435455 : i32
      %min3A_145 = vector.broadcast %min3A_144 : i32 to vector<16xi32>
      %min3A_146 = arith.minsi %max3A_143, %min3A_145 : vector<16xi32>
      %gt3A_147 = arith.constant 0 : i32
      %gt3A_148 = vector.broadcast %gt3A_147 : i32 to vector<16xi32>
      %gt3A_149 = arith.cmpi sgt, %get3A_137, %gt3A_148 : vector<16xi32>
      %shift_right_arithmetic3A_150 = arith.constant 19 : i32
      %shift_right_arithmetic3A_151 = vector.broadcast %shift_right_arithmetic3A_150 : i32 to vector<16xi32>
      %shift_right_arithmetic3A_152 = arith.shrsi %min3A_146, %shift_right_arithmetic3A_151 : vector<16xi32>
      %eq3A_153 = vector.broadcast %reduce_sum3A_15 : i32 to vector<16xi32>
      %eq3A_154 = arith.cmpi eq, %shift_right_arithmetic3A_152, %eq3A_153 : vector<16xi32>
      %and3A_155 = arith.andi %gt3A_149, %eq3A_154 : vector<16xi1>
      %shift_right_arithmetic3A_156 = arith.constant 10 : i32
      %shift_right_arithmetic3A_157 = vector.broadcast %shift_right_arithmetic3A_156 : i32 to vector<16xi32>
      %shift_right_arithmetic3A_158 = arith.shrsi %min3A_146, %shift_right_arithmetic3A_157 : vector<16xi32>
      %and3A_159 = arith.constant 511 : i32
      %and3A_160 = vector.broadcast %and3A_159 : i32 to vector<16xi32>
      %and3A_161 = arith.andi %shift_right_arithmetic3A_158, %and3A_160 : vector<16xi32>
      %mul3A_162 = arith.constant 512 : i32
      %mul3A_163 = vector.broadcast %mul3A_162 : i32 to vector<16xi32>
      %mul3A_164 = arith.muli %iota3A, %mul3A_163 : vector<16xi32>
      %add3A_165 = arith.addi %mul3A_164, %and3A_161 : vector<16xi32>
      tpu.vector_store_idx %arg8[%add3A_165], %broadcast_in_dim3A_1 masked %and3A_155 {add = true} : memref<8192xi32, #tpu.memory_space<vmem>>[vector<16xi32>], vector<16xi32>, vector<16xi1>
      %bitcast3A_166 = vector.bitcast %get3A_137 : vector<16xi32> to vector<16xf32>
      tpu.vector_store_idx %arg9[%add3A_165], %bitcast3A_166 masked %and3A_155 {add = true} : memref<8192xf32, #tpu.memory_space<vmem>>[vector<16xi32>], vector<16xf32>, vector<16xi1>
    }
    %scan3A_26 = arith.constant 512 : i32
    %scan3A_27 = arith.constant 0 : i32
    %scan3A_28 = arith.constant 0 : i32
    %scan3A_29 = arith.constant 32 : i32
    %scan3A_30 = arith.addi %scan3A_28, %scan3A_29 : i32
    %scan3A_31 = arith.constant 1 : i32
    scf.for %scan3A_33 = %scan3A_28 to %scan3A_30 step %scan3A_31  : i32 {
      %mul3A_34 = arith.constant 16 : i32
      %mul3A_35 = arith.muli %scan3A_33, %mul3A_34 : i32
      %add3A_36 = arith.constant 0 : i32
      %add3A_37 = arith.addi %add3A_36, %mul3A_35 : i32
      %get3A_38 = arith.index_cast %add3A_37 : i32 to index
      %get3A_39 = tpu.vector_load %arg8[%get3A_38] {strides = array<i32>} : memref<8192xi32, #tpu.memory_space<vmem>>, vector<16xi32>,
      %add3A_40 = arith.addi %broadcast_in_dim3A_3, %get3A_39 : vector<16xi32>
      %mul3A_41 = arith.constant 16 : i32
      %mul3A_42 = arith.muli %scan3A_33, %mul3A_41 : i32
      %add3A_43 = arith.constant 0 : i32
      %add3A_44 = arith.addi %add3A_43, %mul3A_42 : i32
      %get3A_45 = arith.index_cast %add3A_44 : i32 to index
      %get3A_46 = tpu.vector_load %arg9[%get3A_45] {strides = array<i32>} : memref<8192xf32, #tpu.memory_space<vmem>>, vector<16xf32>,
      %add3A_47 = arith.addf %broadcast_in_dim3A_5, %get3A_46 : vector<16xf32>
      %mul3A_48 = arith.constant 16 : i32
      %mul3A_49 = arith.muli %scan3A_33, %mul3A_48 : i32
      %add3A_50 = arith.constant 512 : i32
      %add3A_51 = arith.addi %add3A_50, %mul3A_49 : i32
      %get3A_52 = arith.index_cast %add3A_51 : i32 to index
      %get3A_53 = tpu.vector_load %arg8[%get3A_52] {strides = array<i32>} : memref<8192xi32, #tpu.memory_space<vmem>>, vector<16xi32>,
      %add3A_54 = arith.addi %add3A_40, %get3A_53 : vector<16xi32>
      %mul3A_55 = arith.constant 16 : i32
      %mul3A_56 = arith.muli %scan3A_33, %mul3A_55 : i32
      %add3A_57 = arith.constant 512 : i32
      %add3A_58 = arith.addi %add3A_57, %mul3A_56 : i32
      %get3A_59 = arith.index_cast %add3A_58 : i32 to index
      %get3A_60 = tpu.vector_load %arg9[%get3A_59] {strides = array<i32>} : memref<8192xf32, #tpu.memory_space<vmem>>, vector<16xf32>,
      %add3A_61 = arith.addf %add3A_47, %get3A_60 : vector<16xf32>
      %mul3A_62 = arith.constant 16 : i32
      %mul3A_63 = arith.muli %scan3A_33, %mul3A_62 : i32
      %add3A_64 = arith.constant 1024 : i32
      %add3A_65 = arith.addi %add3A_64, %mul3A_63 : i32
      %get3A_66 = arith.index_cast %add3A_65 : i32 to index
      %get3A_67 = tpu.vector_load %arg8[%get3A_66] {strides = array<i32>} : memref<8192xi32, #tpu.memory_space<vmem>>, vector<16xi32>,
      %add3A_68 = arith.addi %add3A_54, %get3A_67 : vector<16xi32>
      %mul3A_69 = arith.constant 16 : i32
      %mul3A_70 = arith.muli %scan3A_33, %mul3A_69 : i32
      %add3A_71 = arith.constant 1024 : i32
      %add3A_72 = arith.addi %add3A_71, %mul3A_70 : i32
      %get3A_73 = arith.index_cast %add3A_72 : i32 to index
      %get3A_74 = tpu.vector_load %arg9[%get3A_73] {strides = array<i32>} : memref<8192xf32, #tpu.memory_space<vmem>>, vector<16xf32>,
      %add3A_75 = arith.addf %add3A_61, %get3A_74 : vector<16xf32>
      %mul3A_76 = arith.constant 16 : i32
      %mul3A_77 = arith.muli %scan3A_33, %mul3A_76 : i32
      %add3A_78 = arith.constant 1536 : i32
      %add3A_79 = arith.addi %add3A_78, %mul3A_77 : i32
      %get3A_80 = arith.index_cast %add3A_79 : i32 to index
      %get3A_81 = tpu.vector_load %arg8[%get3A_80] {strides = array<i32>} : memref<8192xi32, #tpu.memory_space<vmem>>, vector<16xi32>,
      %add3A_82 = arith.addi %add3A_68, %get3A_81 : vector<16xi32>
      %mul3A_83 = arith.constant 16 : i32
      %mul3A_84 = arith.muli %scan3A_33, %mul3A_83 : i32
      %add3A_85 = arith.constant 1536 : i32
      %add3A_86 = arith.addi %add3A_85, %mul3A_84 : i32
      %get3A_87 = arith.index_cast %add3A_86 : i32 to index
      %get3A_88 = tpu.vector_load %arg9[%get3A_87] {strides = array<i32>} : memref<8192xf32, #tpu.memory_space<vmem>>, vector<16xf32>,
      %add3A_89 = arith.addf %add3A_75, %get3A_88 : vector<16xf32>
      %mul3A_90 = arith.constant 16 : i32
      %mul3A_91 = arith.muli %scan3A_33, %mul3A_90 : i32
      %add3A_92 = arith.constant 2048 : i32
      %add3A_93 = arith.addi %add3A_92, %mul3A_91 : i32
      %get3A_94 = arith.index_cast %add3A_93 : i32 to index
      %get3A_95 = tpu.vector_load %arg8[%get3A_94] {strides = array<i32>} : memref<8192xi32, #tpu.memory_space<vmem>>, vector<16xi32>,
      %add3A_96 = arith.addi %add3A_82, %get3A_95 : vector<16xi32>
      %mul3A_97 = arith.constant 16 : i32
      %mul3A_98 = arith.muli %scan3A_33, %mul3A_97 : i32
      %add3A_99 = arith.constant 2048 : i32
      %add3A_100 = arith.addi %add3A_99, %mul3A_98 : i32
      %get3A_101 = arith.index_cast %add3A_100 : i32 to index
      %get3A_102 = tpu.vector_load %arg9[%get3A_101] {strides = array<i32>} : memref<8192xf32, #tpu.memory_space<vmem>>, vector<16xf32>,
      %add3A_103 = arith.addf %add3A_89, %get3A_102 : vector<16xf32>
      %mul3A_104 = arith.constant 16 : i32
      %mul3A_105 = arith.muli %scan3A_33, %mul3A_104 : i32
      %add3A_106 = arith.constant 2560 : i32
      %add3A_107 = arith.addi %add3A_106, %mul3A_105 : i32
      %get3A_108 = arith.index_cast %add3A_107 : i32 to index
      %get3A_109 = tpu.vector_load %arg8[%get3A_108] {strides = array<i32>} : memref<8192xi32, #tpu.memory_space<vmem>>, vector<16xi32>,
      %add3A_110 = arith.addi %add3A_96, %get3A_109 : vector<16xi32>
      %mul3A_111 = arith.constant 16 : i32
      %mul3A_112 = arith.muli %scan3A_33, %mul3A_111 : i32
      %add3A_113 = arith.constant 2560 : i32
      %add3A_114 = arith.addi %add3A_113, %mul3A_112 : i32
      %get3A_115 = arith.index_cast %add3A_114 : i32 to index
      %get3A_116 = tpu.vector_load %arg9[%get3A_115] {strides = array<i32>} : memref<8192xf32, #tpu.memory_space<vmem>>, vector<16xf32>,
      %add3A_117 = arith.addf %add3A_103, %get3A_116 : vector<16xf32>
      %mul3A_118 = arith.constant 16 : i32
      %mul3A_119 = arith.muli %scan3A_33, %mul3A_118 : i32
      %add3A_120 = arith.constant 3072 : i32
      %add3A_121 = arith.addi %add3A_120, %mul3A_119 : i32
      %get3A_122 = arith.index_cast %add3A_121 : i32 to index
      %get3A_123 = tpu.vector_load %arg8[%get3A_122] {strides = array<i32>} : memref<8192xi32, #tpu.memory_space<vmem>>, vector<16xi32>,
      %add3A_124 = arith.addi %add3A_110, %get3A_123 : vector<16xi32>
      %mul3A_125 = arith.constant 16 : i32
      %mul3A_126 = arith.muli %scan3A_33, %mul3A_125 : i32
      %add3A_127 = arith.constant 3072 : i32
      %add3A_128 = arith.addi %add3A_127, %mul3A_126 : i32
      %get3A_129 = arith.index_cast %add3A_128 : i32 to index
      %get3A_130 = tpu.vector_load %arg9[%get3A_129] {strides = array<i32>} : memref<8192xf32, #tpu.memory_space<vmem>>, vector<16xf32>,
      %add3A_131 = arith.addf %add3A_117, %get3A_130 : vector<16xf32>
      %mul3A_132 = arith.constant 16 : i32
      %mul3A_133 = arith.muli %scan3A_33, %mul3A_132 : i32
      %add3A_134 = arith.constant 3584 : i32
      %add3A_135 = arith.addi %add3A_134, %mul3A_133 : i32
      %get3A_136 = arith.index_cast %add3A_135 : i32 to index
      %get3A_137 = tpu.vector_load %arg8[%get3A_136] {strides = array<i32>} : memref<8192xi32, #tpu.memory_space<vmem>>, vector<16xi32>,
      %add3A_138 = arith.addi %add3A_124, %get3A_137 : vector<16xi32>
      %mul3A_139 = arith.constant 16 : i32
      %mul3A_140 = arith.muli %scan3A_33, %mul3A_139 : i32
      %add3A_141 = arith.constant 3584 : i32
      %add3A_142 = arith.addi %add3A_141, %mul3A_140 : i32
      %get3A_143 = arith.index_cast %add3A_142 : i32 to index
      %get3A_144 = tpu.vector_load %arg9[%get3A_143] {strides = array<i32>} : memref<8192xf32, #tpu.memory_space<vmem>>, vector<16xf32>,
      %add3A_145 = arith.addf %add3A_131, %get3A_144 : vector<16xf32>
      %mul3A_146 = arith.constant 16 : i32
      %mul3A_147 = arith.muli %scan3A_33, %mul3A_146 : i32
      %add3A_148 = arith.constant 4096 : i32
      %add3A_149 = arith.addi %add3A_148, %mul3A_147 : i32
      %get3A_150 = arith.index_cast %add3A_149 : i32 to index
      %get3A_151 = tpu.vector_load %arg8[%get3A_150] {strides = array<i32>} : memref<8192xi32, #tpu.memory_space<vmem>>, vector<16xi32>,
      %add3A_152 = arith.addi %add3A_138, %get3A_151 : vector<16xi32>
      %mul3A_153 = arith.constant 16 : i32
      %mul3A_154 = arith.muli %scan3A_33, %mul3A_153 : i32
      %add3A_155 = arith.constant 4096 : i32
      %add3A_156 = arith.addi %add3A_155, %mul3A_154 : i32
      %get3A_157 = arith.index_cast %add3A_156 : i32 to index
      %get3A_158 = tpu.vector_load %arg9[%get3A_157] {strides = array<i32>} : memref<8192xf32, #tpu.memory_space<vmem>>, vector<16xf32>,
      %add3A_159 = arith.addf %add3A_145, %get3A_158 : vector<16xf32>
      %mul3A_160 = arith.constant 16 : i32
      %mul3A_161 = arith.muli %scan3A_33, %mul3A_160 : i32
      %add3A_162 = arith.constant 4608 : i32
      %add3A_163 = arith.addi %add3A_162, %mul3A_161 : i32
      %get3A_164 = arith.index_cast %add3A_163 : i32 to index
      %get3A_165 = tpu.vector_load %arg8[%get3A_164] {strides = array<i32>} : memref<8192xi32, #tpu.memory_space<vmem>>, vector<16xi32>,
      %add3A_166 = arith.addi %add3A_152, %get3A_165 : vector<16xi32>
      %mul3A_167 = arith.constant 16 : i32
      %mul3A_168 = arith.muli %scan3A_33, %mul3A_167 : i32
      %add3A_169 = arith.constant 4608 : i32
      %add3A_170 = arith.addi %add3A_169, %mul3A_168 : i32
      %get3A_171 = arith.index_cast %add3A_170 : i32 to index
      %get3A_172 = tpu.vector_load %arg9[%get3A_171] {strides = array<i32>} : memref<8192xf32, #tpu.memory_space<vmem>>, vector<16xf32>,
      %add3A_173 = arith.addf %add3A_159, %get3A_172 : vector<16xf32>
      %mul3A_174 = arith.constant 16 : i32
      %mul3A_175 = arith.muli %scan3A_33, %mul3A_174 : i32
      %add3A_176 = arith.constant 5120 : i32
      %add3A_177 = arith.addi %add3A_176, %mul3A_175 : i32
      %get3A_178 = arith.index_cast %add3A_177 : i32 to index
      %get3A_179 = tpu.vector_load %arg8[%get3A_178] {strides = array<i32>} : memref<8192xi32, #tpu.memory_space<vmem>>, vector<16xi32>,
      %add3A_180 = arith.addi %add3A_166, %get3A_179 : vector<16xi32>
      %mul3A_181 = arith.constant 16 : i32
      %mul3A_182 = arith.muli %scan3A_33, %mul3A_181 : i32
      %add3A_183 = arith.constant 5120 : i32
      %add3A_184 = arith.addi %add3A_183, %mul3A_182 : i32
      %get3A_185 = arith.index_cast %add3A_184 : i32 to index
      %get3A_186 = tpu.vector_load %arg9[%get3A_185] {strides = array<i32>} : memref<8192xf32, #tpu.memory_space<vmem>>, vector<16xf32>,
      %add3A_187 = arith.addf %add3A_173, %get3A_186 : vector<16xf32>
      %mul3A_188 = arith.constant 16 : i32
      %mul3A_189 = arith.muli %scan3A_33, %mul3A_188 : i32
      %add3A_190 = arith.constant 5632 : i32
      %add3A_191 = arith.addi %add3A_190, %mul3A_189 : i32
      %get3A_192 = arith.index_cast %add3A_191 : i32 to index
      %get3A_193 = tpu.vector_load %arg8[%get3A_192] {strides = array<i32>} : memref<8192xi32, #tpu.memory_space<vmem>>, vector<16xi32>,
      %add3A_194 = arith.addi %add3A_180, %get3A_193 : vector<16xi32>
      %mul3A_195 = arith.constant 16 : i32
      %mul3A_196 = arith.muli %scan3A_33, %mul3A_195 : i32
      %add3A_197 = arith.constant 5632 : i32
      %add3A_198 = arith.addi %add3A_197, %mul3A_196 : i32
      %get3A_199 = arith.index_cast %add3A_198 : i32 to index
      %get3A_200 = tpu.vector_load %arg9[%get3A_199] {strides = array<i32>} : memref<8192xf32, #tpu.memory_space<vmem>>, vector<16xf32>,
      %add3A_201 = arith.addf %add3A_187, %get3A_200 : vector<16xf32>
      %mul3A_202 = arith.constant 16 : i32
      %mul3A_203 = arith.muli %scan3A_33, %mul3A_202 : i32
      %add3A_204 = arith.constant 6144 : i32
      %add3A_205 = arith.addi %add3A_204, %mul3A_203 : i32
      %get3A_206 = arith.index_cast %add3A_205 : i32 to index
      %get3A_207 = tpu.vector_load %arg8[%get3A_206] {strides = array<i32>} : memref<8192xi32, #tpu.memory_space<vmem>>, vector<16xi32>,
      %add3A_208 = arith.addi %add3A_194, %get3A_207 : vector<16xi32>
      %mul3A_209 = arith.constant 16 : i32
      %mul3A_210 = arith.muli %scan3A_33, %mul3A_209 : i32
      %add3A_211 = arith.constant 6144 : i32
      %add3A_212 = arith.addi %add3A_211, %mul3A_210 : i32
      %get3A_213 = arith.index_cast %add3A_212 : i32 to index
      %get3A_214 = tpu.vector_load %arg9[%get3A_213] {strides = array<i32>} : memref<8192xf32, #tpu.memory_space<vmem>>, vector<16xf32>,
      %add3A_215 = arith.addf %add3A_201, %get3A_214 : vector<16xf32>
      %mul3A_216 = arith.constant 16 : i32
      %mul3A_217 = arith.muli %scan3A_33, %mul3A_216 : i32
      %add3A_218 = arith.constant 6656 : i32
      %add3A_219 = arith.addi %add3A_218, %mul3A_217 : i32
      %get3A_220 = arith.index_cast %add3A_219 : i32 to index
      %get3A_221 = tpu.vector_load %arg8[%get3A_220] {strides = array<i32>} : memref<8192xi32, #tpu.memory_space<vmem>>, vector<16xi32>,
      %add3A_222 = arith.addi %add3A_208, %get3A_221 : vector<16xi32>
      %mul3A_223 = arith.constant 16 : i32
      %mul3A_224 = arith.muli %scan3A_33, %mul3A_223 : i32
      %add3A_225 = arith.constant 6656 : i32
      %add3A_226 = arith.addi %add3A_225, %mul3A_224 : i32
      %get3A_227 = arith.index_cast %add3A_226 : i32 to index
      %get3A_228 = tpu.vector_load %arg9[%get3A_227] {strides = array<i32>} : memref<8192xf32, #tpu.memory_space<vmem>>, vector<16xf32>,
      %add3A_229 = arith.addf %add3A_215, %get3A_228 : vector<16xf32>
      %mul3A_230 = arith.constant 16 : i32
      %mul3A_231 = arith.muli %scan3A_33, %mul3A_230 : i32
      %add3A_232 = arith.constant 7168 : i32
      %add3A_233 = arith.addi %add3A_232, %mul3A_231 : i32
      %get3A_234 = arith.index_cast %add3A_233 : i32 to index
      %get3A_235 = tpu.vector_load %arg8[%get3A_234] {strides = array<i32>} : memref<8192xi32, #tpu.memory_space<vmem>>, vector<16xi32>,
      %add3A_236 = arith.addi %add3A_222, %get3A_235 : vector<16xi32>
      %mul3A_237 = arith.constant 16 : i32
      %mul3A_238 = arith.muli %scan3A_33, %mul3A_237 : i32
      %add3A_239 = arith.constant 7168 : i32
      %add3A_240 = arith.addi %add3A_239, %mul3A_238 : i32
      %get3A_241 = arith.index_cast %add3A_240 : i32 to index
      %get3A_242 = tpu.vector_load %arg9[%get3A_241] {strides = array<i32>} : memref<8192xf32, #tpu.memory_space<vmem>>, vector<16xf32>,
      %add3A_243 = arith.addf %add3A_229, %get3A_242 : vector<16xf32>
      %mul3A_244 = arith.constant 16 : i32
      %mul3A_245 = arith.muli %scan3A_33, %mul3A_244 : i32
      %add3A_246 = arith.constant 7680 : i32
      %add3A_247 = arith.addi %add3A_246, %mul3A_245 : i32
      %get3A_248 = arith.index_cast %add3A_247 : i32 to index
      %get3A_249 = tpu.vector_load %arg8[%get3A_248] {strides = array<i32>} : memref<8192xi32, #tpu.memory_space<vmem>>, vector<16xi32>,
      %add3A_250 = arith.addi %add3A_236, %get3A_249 : vector<16xi32>
      %mul3A_251 = arith.constant 16 : i32
      %mul3A_252 = arith.muli %scan3A_33, %mul3A_251 : i32
      %add3A_253 = arith.constant 7680 : i32
      %add3A_254 = arith.addi %add3A_253, %mul3A_252 : i32
      %get3A_255 = arith.index_cast %add3A_254 : i32 to index
      %get3A_256 = tpu.vector_load %arg9[%get3A_255] {strides = array<i32>} : memref<8192xf32, #tpu.memory_space<vmem>>, vector<16xf32>,
      %add3A_257 = arith.addf %add3A_243, %get3A_256 : vector<16xf32>
      %swap3A = arith.index_cast %scan3A_33 : i32 to index
      %swap3A_258 = arith.constant 0 : index
      %swap3A_259 = tpu.vector_load %arg10[%swap3A, %swap3A_258] {strides = array<i32>} : memref<32x16xi32, #tpu.memory_space<vmem>>, vector<16xi32>,
      tpu.vector_store %arg10[%swap3A, %swap3A_258], %add3A_250 {strides = array<i32>} : memref<32x16xi32, #tpu.memory_space<vmem>>, vector<16xi32>,
      %swap3A_260 = arith.index_cast %scan3A_33 : i32 to index
      %swap3A_261 = arith.constant 0 : index
      %swap3A_262 = tpu.vector_load %arg11[%swap3A_260, %swap3A_261] {strides = array<i32>} : memref<32x16xf32, #tpu.memory_space<vmem>>, vector<16xf32>,
      tpu.vector_store %arg11[%swap3A_260, %swap3A_261], %add3A_257 {strides = array<i32>} : memref<32x16xf32, #tpu.memory_space<vmem>>, vector<16xf32>,
    }
    %scan3A_32 = arith.constant 32 : i32
    "tpu.region"() ({
      %run_scoped3A = tpu.sem_alloc : memref<!tpu.dma_semaphore, #tpu.memory_space<semaphore_mem>>
      %dma_start3A = arith.constant 0 : i32
      %dma_start3A_33 = arith.constant 0 : i32
      %dma_start3A_34 = tpu.memref_slice %arg4[%add3A, %dma_start3A, %dma_start3A_33] : memref<32x32x16xi32, #tpu.memory_space<hbm>> -> memref<1x32x16xi32, #tpu.memory_space<hbm>>
      %dma_start3A_35 = tpu.memref_squeeze %dma_start3A_34 : memref<1x32x16xi32, #tpu.memory_space<hbm>> -> memref<32x16xi32, #tpu.memory_space<hbm>>
      %dma_start3A_36 = arith.constant 0 : i32
      %dma_start3A_37 = arith.constant 0 : i32
      %dma_start3A_38 = tpu.memref_slice %arg4[%add3A, %dma_start3A_36, %dma_start3A_37] : memref<32x32x16xi32, #tpu.memory_space<hbm>> -> memref<1x32x16xi32, #tpu.memory_space<hbm>>
      %dma_start3A_39 = tpu.memref_squeeze %dma_start3A_38 : memref<1x32x16xi32, #tpu.memory_space<hbm>> -> memref<32x16xi32, #tpu.memory_space<hbm>>
      tpu.enqueue_dma source(%arg10 : memref<32x16xi32, #tpu.memory_space<vmem>>) target(%dma_start3A_39 : memref<32x16xi32, #tpu.memory_space<hbm>>) target_semaphore(%run_scoped3A : memref<!tpu.dma_semaphore, #tpu.memory_space<semaphore_mem>>)
      %dma_wait3A = arith.constant 0 : i32
      %dma_wait3A_40 = arith.constant 0 : i32
      %dma_wait3A_41 = tpu.memref_slice %arg4[%add3A, %dma_wait3A, %dma_wait3A_40] : memref<32x32x16xi32, #tpu.memory_space<hbm>> -> memref<1x32x16xi32, #tpu.memory_space<hbm>>
      %dma_wait3A_42 = tpu.memref_squeeze %dma_wait3A_41 : memref<1x32x16xi32, #tpu.memory_space<hbm>> -> memref<32x16xi32, #tpu.memory_space<hbm>>
      %dma_wait3A_43 = arith.constant 0 : i32
      %dma_wait3A_44 = arith.constant 0 : i32
      %dma_wait3A_45 = tpu.memref_slice %arg4[%add3A, %dma_wait3A_43, %dma_wait3A_44] : memref<32x32x16xi32, #tpu.memory_space<hbm>> -> memref<1x32x16xi32, #tpu.memory_space<hbm>>
      %dma_wait3A_46 = tpu.memref_squeeze %dma_wait3A_45 : memref<1x32x16xi32, #tpu.memory_space<hbm>> -> memref<32x16xi32, #tpu.memory_space<hbm>>
      tpu.wait_dma2 semaphore(%run_scoped3A : memref<!tpu.dma_semaphore, #tpu.memory_space<semaphore_mem>>) src(%arg10 : memref<32x16xi32, #tpu.memory_space<vmem>>) dst(%dma_wait3A_46 : memref<32x16xi32, #tpu.memory_space<hbm>>)
      tpu.yield
    }) : () -> ()
    "tpu.region"() ({
      %run_scoped3A = tpu.sem_alloc : memref<!tpu.dma_semaphore, #tpu.memory_space<semaphore_mem>>
      %dma_start3A = arith.constant 0 : i32
      %dma_start3A_33 = arith.constant 0 : i32
      %dma_start3A_34 = tpu.memref_slice %arg5[%add3A, %dma_start3A, %dma_start3A_33] : memref<32x32x16xf32, #tpu.memory_space<hbm>> -> memref<1x32x16xf32, #tpu.memory_space<hbm>>
      %dma_start3A_35 = tpu.memref_squeeze %dma_start3A_34 : memref<1x32x16xf32, #tpu.memory_space<hbm>> -> memref<32x16xf32, #tpu.memory_space<hbm>>
      %dma_start3A_36 = arith.constant 0 : i32
      %dma_start3A_37 = arith.constant 0 : i32
      %dma_start3A_38 = tpu.memref_slice %arg5[%add3A, %dma_start3A_36, %dma_start3A_37] : memref<32x32x16xf32, #tpu.memory_space<hbm>> -> memref<1x32x16xf32, #tpu.memory_space<hbm>>
      %dma_start3A_39 = tpu.memref_squeeze %dma_start3A_38 : memref<1x32x16xf32, #tpu.memory_space<hbm>> -> memref<32x16xf32, #tpu.memory_space<hbm>>
      tpu.enqueue_dma source(%arg11 : memref<32x16xf32, #tpu.memory_space<vmem>>) target(%dma_start3A_39 : memref<32x16xf32, #tpu.memory_space<hbm>>) target_semaphore(%run_scoped3A : memref<!tpu.dma_semaphore, #tpu.memory_space<semaphore_mem>>)
      %dma_wait3A = arith.constant 0 : i32
      %dma_wait3A_40 = arith.constant 0 : i32
      %dma_wait3A_41 = tpu.memref_slice %arg5[%add3A, %dma_wait3A, %dma_wait3A_40] : memref<32x32x16xf32, #tpu.memory_space<hbm>> -> memref<1x32x16xf32, #tpu.memory_space<hbm>>
      %dma_wait3A_42 = tpu.memref_squeeze %dma_wait3A_41 : memref<1x32x16xf32, #tpu.memory_space<hbm>> -> memref<32x16xf32, #tpu.memory_space<hbm>>
      %dma_wait3A_43 = arith.constant 0 : i32
      %dma_wait3A_44 = arith.constant 0 : i32
      %dma_wait3A_45 = tpu.memref_slice %arg5[%add3A, %dma_wait3A_43, %dma_wait3A_44] : memref<32x32x16xf32, #tpu.memory_space<hbm>> -> memref<1x32x16xf32, #tpu.memory_space<hbm>>
      %dma_wait3A_46 = tpu.memref_squeeze %dma_wait3A_45 : memref<1x32x16xf32, #tpu.memory_space<hbm>> -> memref<32x16xf32, #tpu.memory_space<hbm>>
      tpu.wait_dma2 semaphore(%run_scoped3A : memref<!tpu.dma_semaphore, #tpu.memory_space<semaphore_mem>>) src(%arg11 : memref<32x16xf32, #tpu.memory_space<vmem>>) dst(%dma_wait3A_46 : memref<32x16xf32, #tpu.memory_space<hbm>>)
      tpu.yield
    }) : () -> ()
    return
  }
}

module attributes {stable_mosaic.version = 14 : i64} {
  func.func @_prep_body(%arg0: memref<32x1xf32, #tpu.memory_space<vmem>>, %arg1: memref<32x1xf32, #tpu.memory_space<vmem>>, %arg2: memref<32x32768xf32, #tpu.memory_space<vmem>>, %arg3: memref<32x32768xf32, #tpu.memory_space<vmem>>, %arg4: memref<32x32768xi32, #tpu.memory_space<vmem>>, %arg5: memref<8xf32, #tpu.memory_space<smem>>) attributes {dimension_semantics = [], scalar_prefetch = 0 : i64, scratch_operands = 0 : i64, tpu.core_type = #tpu.core_type<tc>} {
    %get3A = arith.constant 0 : index
    %get3A_0 = arith.constant 0 : index
    %get3A_1 = vector.load %arg2[%get3A, %get3A_0] : memref<32x32768xf32, #tpu.memory_space<vmem>>, vector<32x32768xf32>
    %get3A_2 = arith.constant 0 : index
    %get3A_3 = arith.constant 0 : index
    %get3A_4 = vector.load %arg3[%get3A_2, %get3A_3] : memref<32x32768xf32, #tpu.memory_space<vmem>>, vector<32x32768xf32>
    %eq3A = arith.constant 1.000000e+00 : f32
    %eq3A_5 = vector.broadcast %eq3A : f32 to vector<32x32768xf32>
    %eq3A_6 = arith.cmpf oeq, %get3A_4, %eq3A_5 : vector<32x32768xf32>
    %eq3A_7 = arith.constant 0.000000e+00 : f32
    %eq3A_8 = vector.broadcast %eq3A_7 : f32 to vector<32x32768xf32>
    %eq3A_9 = arith.cmpf oeq, %get3A_4, %eq3A_8 : vector<32x32768xf32>
    %sub3A = arith.constant 1.000000e+00 : f32
    %sub3A_10 = vector.broadcast %sub3A : f32 to vector<32x32768xf32>
    %sub3A_11 = arith.subf %sub3A_10, %get3A_1 : vector<32x32768xf32>
    %select_n3A = arith.select %eq3A_6, %get3A_1, %sub3A_11 : vector<32x32768xi1>, vector<32x32768xf32>
    %log3A = math.log %select_n3A : vector<32x32768xf32>
    %neg3A = arith.constant 0.000000e+00 : f32
    %neg3A_12 = vector.broadcast %neg3A : f32 to vector<32x32768xf32>
    %neg3A_13 = arith.subf %neg3A_12, %log3A : vector<32x32768xf32>
    %bitcast_convert_type3A = tpu.bitcast %neg3A_13 : vector<32x32768xf32> -> vector<32x32768xi32>
    %jit3A = arith.constant 0 : i32
    %broadcast_in_dim3A = vector.broadcast %jit3A : i32 to vector<32x32768xi32>
    %select_n3A_14 = arith.select %eq3A_9, %bitcast_convert_type3A, %broadcast_in_dim3A : vector<32x32768xi1>, vector<32x32768xi32>
    %swap3A = arith.constant 0 : index
    %swap3A_15 = arith.constant 0 : index
    %swap3A_16 = vector.load %arg4[%swap3A, %swap3A_15] : memref<32x32768xi32, #tpu.memory_space<vmem>>, vector<32x32768xi32>
    tpu.vector_store %arg4[%swap3A, %swap3A_15], %select_n3A_14 {strides = array<i32>} : memref<32x32768xi32, #tpu.memory_space<vmem>>, vector<32x32768xi32>,
    %jit3A_17 = arith.constant 0.000000e+00 : f32
    %broadcast_in_dim3A_18 = vector.broadcast %jit3A_17 : f32 to vector<32x32768xf32>
    %select_n3A_19 = arith.select %eq3A_6, %neg3A_13, %broadcast_in_dim3A_18 : vector<32x32768xi1>, vector<32x32768xf32>
    %reduce_sum3A = vector.shape_cast %select_n3A_19 : vector<32x32768xf32> to vector<1x32x32768xf32>
    %reduce_sum3A_20 = arith.constant dense<0.000000e+00> : vector<1xf32>
    %reduce_sum3A_21 = vector.multi_reduction <add>, %reduce_sum3A, %reduce_sum3A_20 [1, 2] : vector<1x32x32768xf32> to vector<1xf32>
    %reduce_sum3A_22 = vector.shape_cast %reduce_sum3A_21 : vector<1xf32> to vector<1x1x1xf32>
    %reduce_sum3A_23 = vector.extract %reduce_sum3A_22[0, 0, 0] : f32 from vector<1x1x1xf32>
    %swap3A_24 = arith.constant 0 : index
    %swap3A_25 = memref.load %arg5[%swap3A_24] : memref<8xf32, #tpu.memory_space<smem>>
    memref.store %reduce_sum3A_23, %arg5[%swap3A_24] : memref<8xf32, #tpu.memory_space<smem>>
    %jit3A_26 = arith.constant 1.000000e+00 : f32
    %jit3A_27 = arith.constant 0.000000e+00 : f32
    %broadcast_in_dim3A_28 = vector.broadcast %jit3A_26 : f32 to vector<32x32768xf32>
    %broadcast_in_dim3A_29 = vector.broadcast %jit3A_27 : f32 to vector<32x32768xf32>
    %select_n3A_30 = arith.select %eq3A_6, %broadcast_in_dim3A_28, %broadcast_in_dim3A_29 : vector<32x32768xi1>, vector<32x32768xf32>
    %reduce_sum3A_31 = vector.shape_cast %select_n3A_30 : vector<32x32768xf32> to vector<1x32x32768xf32>
    %reduce_sum3A_32 = arith.constant dense<0.000000e+00> : vector<1xf32>
    %reduce_sum3A_33 = vector.multi_reduction <add>, %reduce_sum3A_31, %reduce_sum3A_32 [1, 2] : vector<1x32x32768xf32> to vector<1xf32>
    %reduce_sum3A_34 = vector.shape_cast %reduce_sum3A_33 : vector<1xf32> to vector<1x1x1xf32>
    %reduce_sum3A_35 = vector.extract %reduce_sum3A_34[0, 0, 0] : f32 from vector<1x1x1xf32>
    %swap3A_36 = arith.constant 1 : index
    %swap3A_37 = memref.load %arg5[%swap3A_36] : memref<8xf32, #tpu.memory_space<smem>>
    memref.store %reduce_sum3A_35, %arg5[%swap3A_36] : memref<8xf32, #tpu.memory_space<smem>>
    %jit3A_38 = arith.constant 1.000000e+00 : f32
    %jit3A_39 = arith.constant 0.000000e+00 : f32
    %broadcast_in_dim3A_40 = vector.broadcast %jit3A_38 : f32 to vector<32x32768xf32>
    %broadcast_in_dim3A_41 = vector.broadcast %jit3A_39 : f32 to vector<32x32768xf32>
    %select_n3A_42 = arith.select %eq3A_9, %broadcast_in_dim3A_40, %broadcast_in_dim3A_41 : vector<32x32768xi1>, vector<32x32768xf32>
    %reduce_sum3A_43 = vector.shape_cast %select_n3A_42 : vector<32x32768xf32> to vector<1x32x32768xf32>
    %reduce_sum3A_44 = arith.constant dense<0.000000e+00> : vector<1xf32>
    %reduce_sum3A_45 = vector.multi_reduction <add>, %reduce_sum3A_43, %reduce_sum3A_44 [1, 2] : vector<1x32x32768xf32> to vector<1xf32>
    %reduce_sum3A_46 = vector.shape_cast %reduce_sum3A_45 : vector<1xf32> to vector<1x1x1xf32>
    %reduce_sum3A_47 = vector.extract %reduce_sum3A_46[0, 0, 0] : f32 from vector<1x1x1xf32>
    %swap3A_48 = arith.constant 2 : index
    %swap3A_49 = memref.load %arg5[%swap3A_48] : memref<8xf32, #tpu.memory_space<smem>>
    memref.store %reduce_sum3A_47, %arg5[%swap3A_48] : memref<8xf32, #tpu.memory_space<smem>>
    %get3A_50 = arith.constant 0 : index
    %get3A_51 = arith.constant 0 : index
    %get3A_52 = vector.load %arg0[%get3A_50, %get3A_51] : memref<32x1xf32, #tpu.memory_space<vmem>>, vector<32x1xf32>
    %get3A_53 = arith.constant 0 : index
    %get3A_54 = arith.constant 0 : index
    %get3A_55 = vector.load %arg1[%get3A_53, %get3A_54] : memref<32x1xf32, #tpu.memory_space<vmem>>, vector<32x1xf32>
    %sub3A_56 = arith.subf %get3A_52, %get3A_55 : vector<32x1xf32>
    %integer_pow3A = arith.mulf %sub3A_56, %sub3A_56 : vector<32x1xf32>
    %reduce_sum3A_57 = vector.shape_cast %integer_pow3A : vector<32x1xf32> to vector<1x32x1xf32>
    %reduce_sum3A_58 = arith.constant dense<0.000000e+00> : vector<1xf32>
    %reduce_sum3A_59 = vector.multi_reduction <add>, %reduce_sum3A_57, %reduce_sum3A_58 [1, 2] : vector<1x32x1xf32> to vector<1xf32>
    %reduce_sum3A_60 = vector.shape_cast %reduce_sum3A_59 : vector<1xf32> to vector<1x1x1xf32>
    %reduce_sum3A_61 = vector.extract %reduce_sum3A_60[0, 0, 0] : f32 from vector<1x1x1xf32>
    %div3A = arith.constant 3.200000e+01 : f32
    %div3A_62 = arith.divf %reduce_sum3A_61, %div3A : f32
    %swap3A_63 = arith.constant 3 : index
    %swap3A_64 = memref.load %arg5[%swap3A_63] : memref<8xf32, #tpu.memory_space<smem>>
    memref.store %div3A_62, %arg5[%swap3A_63] : memref<8xf32, #tpu.memory_space<smem>>
    return
  }
}

module attributes {stable_mosaic.version = 14 : i64} {
  func.func @_choose1_body(%arg0: memref<32x512xi32, #tpu.memory_space<vmem>>, %arg1: memref<32x512xf32, #tpu.memory_space<vmem>>, %arg2: memref<8xf32, #tpu.memory_space<smem>>, %arg3: memref<8xf32, #tpu.memory_space<smem>>) attributes {dimension_semantics = [], scalar_prefetch = 0 : i64, scratch_operands = 0 : i64, tpu.core_type = #tpu.core_type<tc>} {
    %get3A = arith.constant 2 : index
    %get3A_0 = memref.load %arg2[%get3A] : memref<8xf32, #tpu.memory_space<smem>>
    %mul3A = arith.constant 0.699999988 : f32
    %mul3A_1 = arith.mulf %mul3A, %get3A_0 : f32
    %floor3A = math.floor %mul3A_1 : f32
    %convert_element_type3A = arith.fptosi %floor3A : f32 to i32
    %get3A_2 = arith.constant 0 : index
    %get3A_3 = arith.constant 0 : index
    %get3A_4 = vector.load %arg0[%get3A_2, %get3A_3] : memref<32x512xi32, #tpu.memory_space<vmem>>, vector<32x512xi32>
    %get3A_5 = arith.constant 0 : index
    %get3A_6 = arith.constant 0 : index
    %get3A_7 = vector.load %arg1[%get3A_5, %get3A_6] : memref<32x512xf32, #tpu.memory_space<vmem>>, vector<32x512xf32>
    %convert_element_type3A_8 = arith.sitofp %get3A_4 : vector<32x512xi32> to vector<32x512xf32>
    %reduce_sum3A = arith.constant dense<0.000000e+00> : vector<512xf32>
    %reduce_sum3A_9 = vector.multi_reduction <add>, %convert_element_type3A_8, %reduce_sum3A [0] : vector<32x512xf32> to vector<512xf32>
    %broadcast_in_dim3A = vector.shape_cast %reduce_sum3A_9 : vector<512xf32> to vector<1x512xf32>
    %reduce_sum3A_10 = arith.constant dense<0.000000e+00> : vector<512xf32>
    %reduce_sum3A_11 = vector.multi_reduction <add>, %get3A_7, %reduce_sum3A_10 [0] : vector<32x512xf32> to vector<512xf32>
    %broadcast_in_dim3A_12 = vector.shape_cast %reduce_sum3A_11 : vector<512xf32> to vector<1x512xf32>
    %iota3A = tpu.iota {dimensions = array<i32: 1>} : vector<1x512xi32>
    %add3A = arith.constant 0 : i32
    %add3A_13 = arith.constant 512 : i32
    %add3A_14 = arith.addi %add3A, %add3A_13 : i32
    %jit3A = arith.constant 2 : i32
    %div3A = arith.divsi %add3A_14, %jit3A : i32
    %sign3A = arith.constant 0 : i32
    %sign3A_15 = arith.cmpi sgt, %add3A_14, %sign3A : i32
    %sign3A_16 = arith.extui %sign3A_15 : i1 to i32
    %sign3A_17 = arith.constant 0 : i32
    %sign3A_18 = arith.cmpi slt, %add3A_14, %sign3A_17 : i32
    %sign3A_19 = arith.extui %sign3A_18 : i1 to i32
    %sign3A_20 = arith.subi %sign3A_16, %sign3A_19 : i32
    %sign3A_21 = arith.constant 0 : i32
    %sign3A_22 = arith.cmpi sgt, %jit3A, %sign3A_21 : i32
    %sign3A_23 = arith.extui %sign3A_22 : i1 to i32
    %sign3A_24 = arith.constant 0 : i32
    %sign3A_25 = arith.cmpi slt, %jit3A, %sign3A_24 : i32
    %sign3A_26 = arith.extui %sign3A_25 : i1 to i32
    %sign3A_27 = arith.subi %sign3A_23, %sign3A_26 : i32
    %ne3A = arith.cmpi ne, %sign3A_20, %sign3A_27 : i32
    %rem3A = arith.remsi %add3A_14, %jit3A : i32
    %ne3A_28 = arith.constant 0 : i32
    %ne3A_29 = arith.cmpi ne, %rem3A, %ne3A_28 : i32
    %and3A = arith.andi %ne3A, %ne3A_29 : i1
    %sub3A = arith.constant 1 : i32
    %sub3A_30 = arith.subi %div3A, %sub3A : i32
    %select_n3A = arith.select %and3A, %sub3A_30, %div3A : i32
    %ge3A = vector.broadcast %select_n3A : i32 to vector<1x512xi32>
    %ge3A_31 = arith.cmpi sge, %iota3A, %ge3A : vector<1x512xi32>
    %jit3A_32 = arith.constant 0.000000e+00 : f32
    %broadcast_in_dim3A_33 = vector.broadcast %jit3A_32 : f32 to vector<1x512xf32>
    %select_n3A_34 = arith.select %ge3A_31, %broadcast_in_dim3A, %broadcast_in_dim3A_33 : vector<1x512xi1>, vector<1x512xf32>
    %reduce_sum3A_35 = vector.shape_cast %select_n3A_34 : vector<1x512xf32> to vector<1x1x512xf32>
    %reduce_sum3A_36 = arith.constant dense<0.000000e+00> : vector<1xf32>
    %reduce_sum3A_37 = vector.multi_reduction <add>, %reduce_sum3A_35, %reduce_sum3A_36 [1, 2] : vector<1x1x512xf32> to vector<1xf32>
    %reduce_sum3A_38 = vector.shape_cast %reduce_sum3A_37 : vector<1xf32> to vector<1x1x1xf32>
    %reduce_sum3A_39 = vector.extract %reduce_sum3A_38[0, 0, 0] : f32 from vector<1x1x1xf32>
    %ge3A_40 = vector.broadcast %select_n3A : i32 to vector<1x512xi32>
    %ge3A_41 = arith.cmpi sge, %iota3A, %ge3A_40 : vector<1x512xi32>
    %jit3A_42 = arith.constant 0.000000e+00 : f32
    %broadcast_in_dim3A_43 = vector.broadcast %jit3A_42 : f32 to vector<1x512xf32>
    %select_n3A_44 = arith.select %ge3A_41, %broadcast_in_dim3A_12, %broadcast_in_dim3A_43 : vector<1x512xi1>, vector<1x512xf32>
    %reduce_sum3A_45 = vector.shape_cast %select_n3A_44 : vector<1x512xf32> to vector<1x1x512xf32>
    %reduce_sum3A_46 = arith.constant dense<0.000000e+00> : vector<1xf32>
    %reduce_sum3A_47 = vector.multi_reduction <add>, %reduce_sum3A_45, %reduce_sum3A_46 [1, 2] : vector<1x1x512xf32> to vector<1xf32>
    %reduce_sum3A_48 = vector.shape_cast %reduce_sum3A_47 : vector<1xf32> to vector<1x1x1xf32>
    %reduce_sum3A_49 = vector.extract %reduce_sum3A_48[0, 0, 0] : f32 from vector<1x1x1xf32>
    %convert_element_type3A_50 = arith.sitofp %convert_element_type3A : i32 to f32
    %ge3A_51 = arith.cmpf oge, %reduce_sum3A_39, %convert_element_type3A_50 : f32
    %jit3A_52 = arith.constant 0 : i32
    %select_n3A_53 = arith.select %ge3A_51, %select_n3A, %jit3A_52 : i32
    %jit3A_54 = arith.constant 512 : i32
    %select_n3A_55 = arith.select %ge3A_51, %jit3A_54, %select_n3A : i32
    %jit3A_56 = arith.constant 0.000000e+00 : f32
    %select_n3A_57 = arith.select %ge3A_51, %jit3A_56, %reduce_sum3A_39 : f32
    %jit3A_58 = arith.constant 0.000000e+00 : f32
    %select_n3A_59 = arith.select %ge3A_51, %jit3A_58, %reduce_sum3A_49 : f32
    %add3A_60 = arith.addi %select_n3A_53, %select_n3A_55 : i32
    %jit3A_61 = arith.constant 2 : i32
    %div3A_62 = arith.divsi %add3A_60, %jit3A_61 : i32
    %sign3A_63 = arith.constant 0 : i32
    %sign3A_64 = arith.cmpi sgt, %add3A_60, %sign3A_63 : i32
    %sign3A_65 = arith.extui %sign3A_64 : i1 to i32
    %sign3A_66 = arith.constant 0 : i32
    %sign3A_67 = arith.cmpi slt, %add3A_60, %sign3A_66 : i32
    %sign3A_68 = arith.extui %sign3A_67 : i1 to i32
    %sign3A_69 = arith.subi %sign3A_65, %sign3A_68 : i32
    %sign3A_70 = arith.constant 0 : i32
    %sign3A_71 = arith.cmpi sgt, %jit3A_61, %sign3A_70 : i32
    %sign3A_72 = arith.extui %sign3A_71 : i1 to i32
    %sign3A_73 = arith.constant 0 : i32
    %sign3A_74 = arith.cmpi slt, %jit3A_61, %sign3A_73 : i32
    %sign3A_75 = arith.extui %sign3A_74 : i1 to i32
    %sign3A_76 = arith.subi %sign3A_72, %sign3A_75 : i32
    %ne3A_77 = arith.cmpi ne, %sign3A_69, %sign3A_76 : i32
    %rem3A_78 = arith.remsi %add3A_60, %jit3A_61 : i32
    %ne3A_79 = arith.constant 0 : i32
    %ne3A_80 = arith.cmpi ne, %rem3A_78, %ne3A_79 : i32
    %and3A_81 = arith.andi %ne3A_77, %ne3A_80 : i1
    %sub3A_82 = arith.constant 1 : i32
    %sub3A_83 = arith.subi %div3A_62, %sub3A_82 : i32
    %select_n3A_84 = arith.select %and3A_81, %sub3A_83, %div3A_62 : i32
    %ge3A_85 = vector.broadcast %select_n3A_84 : i32 to vector<1x512xi32>
    %ge3A_86 = arith.cmpi sge, %iota3A, %ge3A_85 : vector<1x512xi32>
    %jit3A_87 = arith.constant 0.000000e+00 : f32
    %broadcast_in_dim3A_88 = vector.broadcast %jit3A_87 : f32 to vector<1x512xf32>
    %select_n3A_89 = arith.select %ge3A_86, %broadcast_in_dim3A, %broadcast_in_dim3A_88 : vector<1x512xi1>, vector<1x512xf32>
    %reduce_sum3A_90 = vector.shape_cast %select_n3A_89 : vector<1x512xf32> to vector<1x1x512xf32>
    %reduce_sum3A_91 = arith.constant dense<0.000000e+00> : vector<1xf32>
    %reduce_sum3A_92 = vector.multi_reduction <add>, %reduce_sum3A_90, %reduce_sum3A_91 [1, 2] : vector<1x1x512xf32> to vector<1xf32>
    %reduce_sum3A_93 = vector.shape_cast %reduce_sum3A_92 : vector<1xf32> to vector<1x1x1xf32>
    %reduce_sum3A_94 = vector.extract %reduce_sum3A_93[0, 0, 0] : f32 from vector<1x1x1xf32>
    %ge3A_95 = vector.broadcast %select_n3A_84 : i32 to vector<1x512xi32>
    %ge3A_96 = arith.cmpi sge, %iota3A, %ge3A_95 : vector<1x512xi32>
    %jit3A_97 = arith.constant 0.000000e+00 : f32
    %broadcast_in_dim3A_98 = vector.broadcast %jit3A_97 : f32 to vector<1x512xf32>
    %select_n3A_99 = arith.select %ge3A_96, %broadcast_in_dim3A_12, %broadcast_in_dim3A_98 : vector<1x512xi1>, vector<1x512xf32>
    %reduce_sum3A_100 = vector.shape_cast %select_n3A_99 : vector<1x512xf32> to vector<1x1x512xf32>
    %reduce_sum3A_101 = arith.constant dense<0.000000e+00> : vector<1xf32>
    %reduce_sum3A_102 = vector.multi_reduction <add>, %reduce_sum3A_100, %reduce_sum3A_101 [1, 2] : vector<1x1x512xf32> to vector<1xf32>
    %reduce_sum3A_103 = vector.shape_cast %reduce_sum3A_102 : vector<1xf32> to vector<1x1x1xf32>
    %reduce_sum3A_104 = vector.extract %reduce_sum3A_103[0, 0, 0] : f32 from vector<1x1x1xf32>
    %convert_element_type3A_105 = arith.sitofp %convert_element_type3A : i32 to f32
    %ge3A_106 = arith.cmpf oge, %reduce_sum3A_94, %convert_element_type3A_105 : f32
    %select_n3A_107 = arith.select %ge3A_106, %select_n3A_84, %select_n3A_53 : i32
    %select_n3A_108 = arith.select %ge3A_106, %select_n3A_55, %select_n3A_84 : i32
    %select_n3A_109 = arith.select %ge3A_106, %select_n3A_57, %reduce_sum3A_94 : f32
    %select_n3A_110 = arith.select %ge3A_106, %select_n3A_59, %reduce_sum3A_104 : f32
    %add3A_111 = arith.addi %select_n3A_107, %select_n3A_108 : i32
    %jit3A_112 = arith.constant 2 : i32
    %div3A_113 = arith.divsi %add3A_111, %jit3A_112 : i32
    %sign3A_114 = arith.constant 0 : i32
    %sign3A_115 = arith.cmpi sgt, %add3A_111, %sign3A_114 : i32
    %sign3A_116 = arith.extui %sign3A_115 : i1 to i32
    %sign3A_117 = arith.constant 0 : i32
    %sign3A_118 = arith.cmpi slt, %add3A_111, %sign3A_117 : i32
    %sign3A_119 = arith.extui %sign3A_118 : i1 to i32
    %sign3A_120 = arith.subi %sign3A_116, %sign3A_119 : i32
    %sign3A_121 = arith.constant 0 : i32
    %sign3A_122 = arith.cmpi sgt, %jit3A_112, %sign3A_121 : i32
    %sign3A_123 = arith.extui %sign3A_122 : i1 to i32
    %sign3A_124 = arith.constant 0 : i32
    %sign3A_125 = arith.cmpi slt, %jit3A_112, %sign3A_124 : i32
    %sign3A_126 = arith.extui %sign3A_125 : i1 to i32
    %sign3A_127 = arith.subi %sign3A_123, %sign3A_126 : i32
    %ne3A_128 = arith.cmpi ne, %sign3A_120, %sign3A_127 : i32
    %rem3A_129 = arith.remsi %add3A_111, %jit3A_112 : i32
    %ne3A_130 = arith.constant 0 : i32
    %ne3A_131 = arith.cmpi ne, %rem3A_129, %ne3A_130 : i32
    %and3A_132 = arith.andi %ne3A_128, %ne3A_131 : i1
    %sub3A_133 = arith.constant 1 : i32
    %sub3A_134 = arith.subi %div3A_113, %sub3A_133 : i32
    %select_n3A_135 = arith.select %and3A_132, %sub3A_134, %div3A_113 : i32
    %ge3A_136 = vector.broadcast %select_n3A_135 : i32 to vector<1x512xi32>
    %ge3A_137 = arith.cmpi sge, %iota3A, %ge3A_136 : vector<1x512xi32>
    %jit3A_138 = arith.constant 0.000000e+00 : f32
    %broadcast_in_dim3A_139 = vector.broadcast %jit3A_138 : f32 to vector<1x512xf32>
    %select_n3A_140 = arith.select %ge3A_137, %broadcast_in_dim3A, %broadcast_in_dim3A_139 : vector<1x512xi1>, vector<1x512xf32>
    %reduce_sum3A_141 = vector.shape_cast %select_n3A_140 : vector<1x512xf32> to vector<1x1x512xf32>
    %reduce_sum3A_142 = arith.constant dense<0.000000e+00> : vector<1xf32>
    %reduce_sum3A_143 = vector.multi_reduction <add>, %reduce_sum3A_141, %reduce_sum3A_142 [1, 2] : vector<1x1x512xf32> to vector<1xf32>
    %reduce_sum3A_144 = vector.shape_cast %reduce_sum3A_143 : vector<1xf32> to vector<1x1x1xf32>
    %reduce_sum3A_145 = vector.extract %reduce_sum3A_144[0, 0, 0] : f32 from vector<1x1x1xf32>
    %ge3A_146 = vector.broadcast %select_n3A_135 : i32 to vector<1x512xi32>
    %ge3A_147 = arith.cmpi sge, %iota3A, %ge3A_146 : vector<1x512xi32>
    %jit3A_148 = arith.constant 0.000000e+00 : f32
    %broadcast_in_dim3A_149 = vector.broadcast %jit3A_148 : f32 to vector<1x512xf32>
    %select_n3A_150 = arith.select %ge3A_147, %broadcast_in_dim3A_12, %broadcast_in_dim3A_149 : vector<1x512xi1>, vector<1x512xf32>
    %reduce_sum3A_151 = vector.shape_cast %select_n3A_150 : vector<1x512xf32> to vector<1x1x512xf32>
    %reduce_sum3A_152 = arith.constant dense<0.000000e+00> : vector<1xf32>
    %reduce_sum3A_153 = vector.multi_reduction <add>, %reduce_sum3A_151, %reduce_sum3A_152 [1, 2] : vector<1x1x512xf32> to vector<1xf32>
    %reduce_sum3A_154 = vector.shape_cast %reduce_sum3A_153 : vector<1xf32> to vector<1x1x1xf32>
    %reduce_sum3A_155 = vector.extract %reduce_sum3A_154[0, 0, 0] : f32 from vector<1x1x1xf32>
    %convert_element_type3A_156 = arith.sitofp %convert_element_type3A : i32 to f32
    %ge3A_157 = arith.cmpf oge, %reduce_sum3A_145, %convert_element_type3A_156 : f32
    %select_n3A_158 = arith.select %ge3A_157, %select_n3A_135, %select_n3A_107 : i32
    %select_n3A_159 = arith.select %ge3A_157, %select_n3A_108, %select_n3A_135 : i32
    %select_n3A_160 = arith.select %ge3A_157, %select_n3A_109, %reduce_sum3A_145 : f32
    %select_n3A_161 = arith.select %ge3A_157, %select_n3A_110, %reduce_sum3A_155 : f32
    %add3A_162 = arith.addi %select_n3A_158, %select_n3A_159 : i32
    %jit3A_163 = arith.constant 2 : i32
    %div3A_164 = arith.divsi %add3A_162, %jit3A_163 : i32
    %sign3A_165 = arith.constant 0 : i32
    %sign3A_166 = arith.cmpi sgt, %add3A_162, %sign3A_165 : i32
    %sign3A_167 = arith.extui %sign3A_166 : i1 to i32
    %sign3A_168 = arith.constant 0 : i32
    %sign3A_169 = arith.cmpi slt, %add3A_162, %sign3A_168 : i32
    %sign3A_170 = arith.extui %sign3A_169 : i1 to i32
    %sign3A_171 = arith.subi %sign3A_167, %sign3A_170 : i32
    %sign3A_172 = arith.constant 0 : i32
    %sign3A_173 = arith.cmpi sgt, %jit3A_163, %sign3A_172 : i32
    %sign3A_174 = arith.extui %sign3A_173 : i1 to i32
    %sign3A_175 = arith.constant 0 : i32
    %sign3A_176 = arith.cmpi slt, %jit3A_163, %sign3A_175 : i32
    %sign3A_177 = arith.extui %sign3A_176 : i1 to i32
    %sign3A_178 = arith.subi %sign3A_174, %sign3A_177 : i32
    %ne3A_179 = arith.cmpi ne, %sign3A_171, %sign3A_178 : i32
    %rem3A_180 = arith.remsi %add3A_162, %jit3A_163 : i32
    %ne3A_181 = arith.constant 0 : i32
    %ne3A_182 = arith.cmpi ne, %rem3A_180, %ne3A_181 : i32
    %and3A_183 = arith.andi %ne3A_179, %ne3A_182 : i1
    %sub3A_184 = arith.constant 1 : i32
    %sub3A_185 = arith.subi %div3A_164, %sub3A_184 : i32
    %select_n3A_186 = arith.select %and3A_183, %sub3A_185, %div3A_164 : i32
    %ge3A_187 = vector.broadcast %select_n3A_186 : i32 to vector<1x512xi32>
    %ge3A_188 = arith.cmpi sge, %iota3A, %ge3A_187 : vector<1x512xi32>
    %jit3A_189 = arith.constant 0.000000e+00 : f32
    %broadcast_in_dim3A_190 = vector.broadcast %jit3A_189 : f32 to vector<1x512xf32>
    %select_n3A_191 = arith.select %ge3A_188, %broadcast_in_dim3A, %broadcast_in_dim3A_190 : vector<1x512xi1>, vector<1x512xf32>
    %reduce_sum3A_192 = vector.shape_cast %select_n3A_191 : vector<1x512xf32> to vector<1x1x512xf32>
    %reduce_sum3A_193 = arith.constant dense<0.000000e+00> : vector<1xf32>
    %reduce_sum3A_194 = vector.multi_reduction <add>, %reduce_sum3A_192, %reduce_sum3A_193 [1, 2] : vector<1x1x512xf32> to vector<1xf32>
    %reduce_sum3A_195 = vector.shape_cast %reduce_sum3A_194 : vector<1xf32> to vector<1x1x1xf32>
    %reduce_sum3A_196 = vector.extract %reduce_sum3A_195[0, 0, 0] : f32 from vector<1x1x1xf32>
    %ge3A_197 = vector.broadcast %select_n3A_186 : i32 to vector<1x512xi32>
    %ge3A_198 = arith.cmpi sge, %iota3A, %ge3A_197 : vector<1x512xi32>
    %jit3A_199 = arith.constant 0.000000e+00 : f32
    %broadcast_in_dim3A_200 = vector.broadcast %jit3A_199 : f32 to vector<1x512xf32>
    %select_n3A_201 = arith.select %ge3A_198, %broadcast_in_dim3A_12, %broadcast_in_dim3A_200 : vector<1x512xi1>, vector<1x512xf32>
    %reduce_sum3A_202 = vector.shape_cast %select_n3A_201 : vector<1x512xf32> to vector<1x1x512xf32>
    %reduce_sum3A_203 = arith.constant dense<0.000000e+00> : vector<1xf32>
    %reduce_sum3A_204 = vector.multi_reduction <add>, %reduce_sum3A_202, %reduce_sum3A_203 [1, 2] : vector<1x1x512xf32> to vector<1xf32>
    %reduce_sum3A_205 = vector.shape_cast %reduce_sum3A_204 : vector<1xf32> to vector<1x1x1xf32>
    %reduce_sum3A_206 = vector.extract %reduce_sum3A_205[0, 0, 0] : f32 from vector<1x1x1xf32>
    %convert_element_type3A_207 = arith.sitofp %convert_element_type3A : i32 to f32
    %ge3A_208 = arith.cmpf oge, %reduce_sum3A_196, %convert_element_type3A_207 : f32
    %select_n3A_209 = arith.select %ge3A_208, %select_n3A_186, %select_n3A_158 : i32
    %select_n3A_210 = arith.select %ge3A_208, %select_n3A_159, %select_n3A_186 : i32
    %select_n3A_211 = arith.select %ge3A_208, %select_n3A_160, %reduce_sum3A_196 : f32
    %select_n3A_212 = arith.select %ge3A_208, %select_n3A_161, %reduce_sum3A_206 : f32
    %add3A_213 = arith.addi %select_n3A_209, %select_n3A_210 : i32
    %jit3A_214 = arith.constant 2 : i32
    %div3A_215 = arith.divsi %add3A_213, %jit3A_214 : i32
    %sign3A_216 = arith.constant 0 : i32
    %sign3A_217 = arith.cmpi sgt, %add3A_213, %sign3A_216 : i32
    %sign3A_218 = arith.extui %sign3A_217 : i1 to i32
    %sign3A_219 = arith.constant 0 : i32
    %sign3A_220 = arith.cmpi slt, %add3A_213, %sign3A_219 : i32
    %sign3A_221 = arith.extui %sign3A_220 : i1 to i32
    %sign3A_222 = arith.subi %sign3A_218, %sign3A_221 : i32
    %sign3A_223 = arith.constant 0 : i32
    %sign3A_224 = arith.cmpi sgt, %jit3A_214, %sign3A_223 : i32
    %sign3A_225 = arith.extui %sign3A_224 : i1 to i32
    %sign3A_226 = arith.constant 0 : i32
    %sign3A_227 = arith.cmpi slt, %jit3A_214, %sign3A_226 : i32
    %sign3A_228 = arith.extui %sign3A_227 : i1 to i32
    %sign3A_229 = arith.subi %sign3A_225, %sign3A_228 : i32
    %ne3A_230 = arith.cmpi ne, %sign3A_222, %sign3A_229 : i32
    %rem3A_231 = arith.remsi %add3A_213, %jit3A_214 : i32
    %ne3A_232 = arith.constant 0 : i32
    %ne3A_233 = arith.cmpi ne, %rem3A_231, %ne3A_232 : i32
    %and3A_234 = arith.andi %ne3A_230, %ne3A_233 : i1
    %sub3A_235 = arith.constant 1 : i32
    %sub3A_236 = arith.subi %div3A_215, %sub3A_235 : i32
    %select_n3A_237 = arith.select %and3A_234, %sub3A_236, %div3A_215 : i32
    %ge3A_238 = vector.broadcast %select_n3A_237 : i32 to vector<1x512xi32>
    %ge3A_239 = arith.cmpi sge, %iota3A, %ge3A_238 : vector<1x512xi32>
    %jit3A_240 = arith.constant 0.000000e+00 : f32
    %broadcast_in_dim3A_241 = vector.broadcast %jit3A_240 : f32 to vector<1x512xf32>
    %select_n3A_242 = arith.select %ge3A_239, %broadcast_in_dim3A, %broadcast_in_dim3A_241 : vector<1x512xi1>, vector<1x512xf32>
    %reduce_sum3A_243 = vector.shape_cast %select_n3A_242 : vector<1x512xf32> to vector<1x1x512xf32>
    %reduce_sum3A_244 = arith.constant dense<0.000000e+00> : vector<1xf32>
    %reduce_sum3A_245 = vector.multi_reduction <add>, %reduce_sum3A_243, %reduce_sum3A_244 [1, 2] : vector<1x1x512xf32> to vector<1xf32>
    %reduce_sum3A_246 = vector.shape_cast %reduce_sum3A_245 : vector<1xf32> to vector<1x1x1xf32>
    %reduce_sum3A_247 = vector.extract %reduce_sum3A_246[0, 0, 0] : f32 from vector<1x1x1xf32>
    %ge3A_248 = vector.broadcast %select_n3A_237 : i32 to vector<1x512xi32>
    %ge3A_249 = arith.cmpi sge, %iota3A, %ge3A_248 : vector<1x512xi32>
    %jit3A_250 = arith.constant 0.000000e+00 : f32
    %broadcast_in_dim3A_251 = vector.broadcast %jit3A_250 : f32 to vector<1x512xf32>
    %select_n3A_252 = arith.select %ge3A_249, %broadcast_in_dim3A_12, %broadcast_in_dim3A_251 : vector<1x512xi1>, vector<1x512xf32>
    %reduce_sum3A_253 = vector.shape_cast %select_n3A_252 : vector<1x512xf32> to vector<1x1x512xf32>
    %reduce_sum3A_254 = arith.constant dense<0.000000e+00> : vector<1xf32>
    %reduce_sum3A_255 = vector.multi_reduction <add>, %reduce_sum3A_253, %reduce_sum3A_254 [1, 2] : vector<1x1x512xf32> to vector<1xf32>
    %reduce_sum3A_256 = vector.shape_cast %reduce_sum3A_255 : vector<1xf32> to vector<1x1x1xf32>
    %reduce_sum3A_257 = vector.extract %reduce_sum3A_256[0, 0, 0] : f32 from vector<1x1x1xf32>
    %convert_element_type3A_258 = arith.sitofp %convert_element_type3A : i32 to f32
    %ge3A_259 = arith.cmpf oge, %reduce_sum3A_247, %convert_element_type3A_258 : f32
    %select_n3A_260 = arith.select %ge3A_259, %select_n3A_237, %select_n3A_209 : i32
    %select_n3A_261 = arith.select %ge3A_259, %select_n3A_210, %select_n3A_237 : i32
    %select_n3A_262 = arith.select %ge3A_259, %select_n3A_211, %reduce_sum3A_247 : f32
    %select_n3A_263 = arith.select %ge3A_259, %select_n3A_212, %reduce_sum3A_257 : f32
    %add3A_264 = arith.addi %select_n3A_260, %select_n3A_261 : i32
    %jit3A_265 = arith.constant 2 : i32
    %div3A_266 = arith.divsi %add3A_264, %jit3A_265 : i32
    %sign3A_267 = arith.constant 0 : i32
    %sign3A_268 = arith.cmpi sgt, %add3A_264, %sign3A_267 : i32
    %sign3A_269 = arith.extui %sign3A_268 : i1 to i32
    %sign3A_270 = arith.constant 0 : i32
    %sign3A_271 = arith.cmpi slt, %add3A_264, %sign3A_270 : i32
    %sign3A_272 = arith.extui %sign3A_271 : i1 to i32
    %sign3A_273 = arith.subi %sign3A_269, %sign3A_272 : i32
    %sign3A_274 = arith.constant 0 : i32
    %sign3A_275 = arith.cmpi sgt, %jit3A_265, %sign3A_274 : i32
    %sign3A_276 = arith.extui %sign3A_275 : i1 to i32
    %sign3A_277 = arith.constant 0 : i32
    %sign3A_278 = arith.cmpi slt, %jit3A_265, %sign3A_277 : i32
    %sign3A_279 = arith.extui %sign3A_278 : i1 to i32
    %sign3A_280 = arith.subi %sign3A_276, %sign3A_279 : i32
    %ne3A_281 = arith.cmpi ne, %sign3A_273, %sign3A_280 : i32
    %rem3A_282 = arith.remsi %add3A_264, %jit3A_265 : i32
    %ne3A_283 = arith.constant 0 : i32
    %ne3A_284 = arith.cmpi ne, %rem3A_282, %ne3A_283 : i32
    %and3A_285 = arith.andi %ne3A_281, %ne3A_284 : i1
    %sub3A_286 = arith.constant 1 : i32
    %sub3A_287 = arith.subi %div3A_266, %sub3A_286 : i32
    %select_n3A_288 = arith.select %and3A_285, %sub3A_287, %div3A_266 : i32
    %ge3A_289 = vector.broadcast %select_n3A_288 : i32 to vector<1x512xi32>
    %ge3A_290 = arith.cmpi sge, %iota3A, %ge3A_289 : vector<1x512xi32>
    %jit3A_291 = arith.constant 0.000000e+00 : f32
    %broadcast_in_dim3A_292 = vector.broadcast %jit3A_291 : f32 to vector<1x512xf32>
    %select_n3A_293 = arith.select %ge3A_290, %broadcast_in_dim3A, %broadcast_in_dim3A_292 : vector<1x512xi1>, vector<1x512xf32>
    %reduce_sum3A_294 = vector.shape_cast %select_n3A_293 : vector<1x512xf32> to vector<1x1x512xf32>
    %reduce_sum3A_295 = arith.constant dense<0.000000e+00> : vector<1xf32>
    %reduce_sum3A_296 = vector.multi_reduction <add>, %reduce_sum3A_294, %reduce_sum3A_295 [1, 2] : vector<1x1x512xf32> to vector<1xf32>
    %reduce_sum3A_297 = vector.shape_cast %reduce_sum3A_296 : vector<1xf32> to vector<1x1x1xf32>
    %reduce_sum3A_298 = vector.extract %reduce_sum3A_297[0, 0, 0] : f32 from vector<1x1x1xf32>
    %ge3A_299 = vector.broadcast %select_n3A_288 : i32 to vector<1x512xi32>
    %ge3A_300 = arith.cmpi sge, %iota3A, %ge3A_299 : vector<1x512xi32>
    %jit3A_301 = arith.constant 0.000000e+00 : f32
    %broadcast_in_dim3A_302 = vector.broadcast %jit3A_301 : f32 to vector<1x512xf32>
    %select_n3A_303 = arith.select %ge3A_300, %broadcast_in_dim3A_12, %broadcast_in_dim3A_302 : vector<1x512xi1>, vector<1x512xf32>
    %reduce_sum3A_304 = vector.shape_cast %select_n3A_303 : vector<1x512xf32> to vector<1x1x512xf32>
    %reduce_sum3A_305 = arith.constant dense<0.000000e+00> : vector<1xf32>
    %reduce_sum3A_306 = vector.multi_reduction <add>, %reduce_sum3A_304, %reduce_sum3A_305 [1, 2] : vector<1x1x512xf32> to vector<1xf32>
    %reduce_sum3A_307 = vector.shape_cast %reduce_sum3A_306 : vector<1xf32> to vector<1x1x1xf32>
    %reduce_sum3A_308 = vector.extract %reduce_sum3A_307[0, 0, 0] : f32 from vector<1x1x1xf32>
    %convert_element_type3A_309 = arith.sitofp %convert_element_type3A : i32 to f32
    %ge3A_310 = arith.cmpf oge, %reduce_sum3A_298, %convert_element_type3A_309 : f32
    %select_n3A_311 = arith.select %ge3A_310, %select_n3A_288, %select_n3A_260 : i32
    %select_n3A_312 = arith.select %ge3A_310, %select_n3A_261, %select_n3A_288 : i32
    %select_n3A_313 = arith.select %ge3A_310, %select_n3A_262, %reduce_sum3A_298 : f32
    %select_n3A_314 = arith.select %ge3A_310, %select_n3A_263, %reduce_sum3A_308 : f32
    %add3A_315 = arith.addi %select_n3A_311, %select_n3A_312 : i32
    %jit3A_316 = arith.constant 2 : i32
    %div3A_317 = arith.divsi %add3A_315, %jit3A_316 : i32
    %sign3A_318 = arith.constant 0 : i32
    %sign3A_319 = arith.cmpi sgt, %add3A_315, %sign3A_318 : i32
    %sign3A_320 = arith.extui %sign3A_319 : i1 to i32
    %sign3A_321 = arith.constant 0 : i32
    %sign3A_322 = arith.cmpi slt, %add3A_315, %sign3A_321 : i32
    %sign3A_323 = arith.extui %sign3A_322 : i1 to i32
    %sign3A_324 = arith.subi %sign3A_320, %sign3A_323 : i32
    %sign3A_325 = arith.constant 0 : i32
    %sign3A_326 = arith.cmpi sgt, %jit3A_316, %sign3A_325 : i32
    %sign3A_327 = arith.extui %sign3A_326 : i1 to i32
    %sign3A_328 = arith.constant 0 : i32
    %sign3A_329 = arith.cmpi slt, %jit3A_316, %sign3A_328 : i32
    %sign3A_330 = arith.extui %sign3A_329 : i1 to i32
    %sign3A_331 = arith.subi %sign3A_327, %sign3A_330 : i32
    %ne3A_332 = arith.cmpi ne, %sign3A_324, %sign3A_331 : i32
    %rem3A_333 = arith.remsi %add3A_315, %jit3A_316 : i32
    %ne3A_334 = arith.constant 0 : i32
    %ne3A_335 = arith.cmpi ne, %rem3A_333, %ne3A_334 : i32
    %and3A_336 = arith.andi %ne3A_332, %ne3A_335 : i1
    %sub3A_337 = arith.constant 1 : i32
    %sub3A_338 = arith.subi %div3A_317, %sub3A_337 : i32
    %select_n3A_339 = arith.select %and3A_336, %sub3A_338, %div3A_317 : i32
    %ge3A_340 = vector.broadcast %select_n3A_339 : i32 to vector<1x512xi32>
    %ge3A_341 = arith.cmpi sge, %iota3A, %ge3A_340 : vector<1x512xi32>
    %jit3A_342 = arith.constant 0.000000e+00 : f32
    %broadcast_in_dim3A_343 = vector.broadcast %jit3A_342 : f32 to vector<1x512xf32>
    %select_n3A_344 = arith.select %ge3A_341, %broadcast_in_dim3A, %broadcast_in_dim3A_343 : vector<1x512xi1>, vector<1x512xf32>
    %reduce_sum3A_345 = vector.shape_cast %select_n3A_344 : vector<1x512xf32> to vector<1x1x512xf32>
    %reduce_sum3A_346 = arith.constant dense<0.000000e+00> : vector<1xf32>
    %reduce_sum3A_347 = vector.multi_reduction <add>, %reduce_sum3A_345, %reduce_sum3A_346 [1, 2] : vector<1x1x512xf32> to vector<1xf32>
    %reduce_sum3A_348 = vector.shape_cast %reduce_sum3A_347 : vector<1xf32> to vector<1x1x1xf32>
    %reduce_sum3A_349 = vector.extract %reduce_sum3A_348[0, 0, 0] : f32 from vector<1x1x1xf32>
    %ge3A_350 = vector.broadcast %select_n3A_339 : i32 to vector<1x512xi32>
    %ge3A_351 = arith.cmpi sge, %iota3A, %ge3A_350 : vector<1x512xi32>
    %jit3A_352 = arith.constant 0.000000e+00 : f32
    %broadcast_in_dim3A_353 = vector.broadcast %jit3A_352 : f32 to vector<1x512xf32>
    %select_n3A_354 = arith.select %ge3A_351, %broadcast_in_dim3A_12, %broadcast_in_dim3A_353 : vector<1x512xi1>, vector<1x512xf32>
    %reduce_sum3A_355 = vector.shape_cast %select_n3A_354 : vector<1x512xf32> to vector<1x1x512xf32>
    %reduce_sum3A_356 = arith.constant dense<0.000000e+00> : vector<1xf32>
    %reduce_sum3A_357 = vector.multi_reduction <add>, %reduce_sum3A_355, %reduce_sum3A_356 [1, 2] : vector<1x1x512xf32> to vector<1xf32>
    %reduce_sum3A_358 = vector.shape_cast %reduce_sum3A_357 : vector<1xf32> to vector<1x1x1xf32>
    %reduce_sum3A_359 = vector.extract %reduce_sum3A_358[0, 0, 0] : f32 from vector<1x1x1xf32>
    %convert_element_type3A_360 = arith.sitofp %convert_element_type3A : i32 to f32
    %ge3A_361 = arith.cmpf oge, %reduce_sum3A_349, %convert_element_type3A_360 : f32
    %select_n3A_362 = arith.select %ge3A_361, %select_n3A_339, %select_n3A_311 : i32
    %select_n3A_363 = arith.select %ge3A_361, %select_n3A_312, %select_n3A_339 : i32
    %select_n3A_364 = arith.select %ge3A_361, %select_n3A_313, %reduce_sum3A_349 : f32
    %select_n3A_365 = arith.select %ge3A_361, %select_n3A_314, %reduce_sum3A_359 : f32
    %add3A_366 = arith.addi %select_n3A_362, %select_n3A_363 : i32
    %jit3A_367 = arith.constant 2 : i32
    %div3A_368 = arith.divsi %add3A_366, %jit3A_367 : i32
    %sign3A_369 = arith.constant 0 : i32
    %sign3A_370 = arith.cmpi sgt, %add3A_366, %sign3A_369 : i32
    %sign3A_371 = arith.extui %sign3A_370 : i1 to i32
    %sign3A_372 = arith.constant 0 : i32
    %sign3A_373 = arith.cmpi slt, %add3A_366, %sign3A_372 : i32
    %sign3A_374 = arith.extui %sign3A_373 : i1 to i32
    %sign3A_375 = arith.subi %sign3A_371, %sign3A_374 : i32
    %sign3A_376 = arith.constant 0 : i32
    %sign3A_377 = arith.cmpi sgt, %jit3A_367, %sign3A_376 : i32
    %sign3A_378 = arith.extui %sign3A_377 : i1 to i32
    %sign3A_379 = arith.constant 0 : i32
    %sign3A_380 = arith.cmpi slt, %jit3A_367, %sign3A_379 : i32
    %sign3A_381 = arith.extui %sign3A_380 : i1 to i32
    %sign3A_382 = arith.subi %sign3A_378, %sign3A_381 : i32
    %ne3A_383 = arith.cmpi ne, %sign3A_375, %sign3A_382 : i32
    %rem3A_384 = arith.remsi %add3A_366, %jit3A_367 : i32
    %ne3A_385 = arith.constant 0 : i32
    %ne3A_386 = arith.cmpi ne, %rem3A_384, %ne3A_385 : i32
    %and3A_387 = arith.andi %ne3A_383, %ne3A_386 : i1
    %sub3A_388 = arith.constant 1 : i32
    %sub3A_389 = arith.subi %div3A_368, %sub3A_388 : i32
    %select_n3A_390 = arith.select %and3A_387, %sub3A_389, %div3A_368 : i32
    %ge3A_391 = vector.broadcast %select_n3A_390 : i32 to vector<1x512xi32>
    %ge3A_392 = arith.cmpi sge, %iota3A, %ge3A_391 : vector<1x512xi32>
    %jit3A_393 = arith.constant 0.000000e+00 : f32
    %broadcast_in_dim3A_394 = vector.broadcast %jit3A_393 : f32 to vector<1x512xf32>
    %select_n3A_395 = arith.select %ge3A_392, %broadcast_in_dim3A, %broadcast_in_dim3A_394 : vector<1x512xi1>, vector<1x512xf32>
    %reduce_sum3A_396 = vector.shape_cast %select_n3A_395 : vector<1x512xf32> to vector<1x1x512xf32>
    %reduce_sum3A_397 = arith.constant dense<0.000000e+00> : vector<1xf32>
    %reduce_sum3A_398 = vector.multi_reduction <add>, %reduce_sum3A_396, %reduce_sum3A_397 [1, 2] : vector<1x1x512xf32> to vector<1xf32>
    %reduce_sum3A_399 = vector.shape_cast %reduce_sum3A_398 : vector<1xf32> to vector<1x1x1xf32>
    %reduce_sum3A_400 = vector.extract %reduce_sum3A_399[0, 0, 0] : f32 from vector<1x1x1xf32>
    %ge3A_401 = vector.broadcast %select_n3A_390 : i32 to vector<1x512xi32>
    %ge3A_402 = arith.cmpi sge, %iota3A, %ge3A_401 : vector<1x512xi32>
    %jit3A_403 = arith.constant 0.000000e+00 : f32
    %broadcast_in_dim3A_404 = vector.broadcast %jit3A_403 : f32 to vector<1x512xf32>
    %select_n3A_405 = arith.select %ge3A_402, %broadcast_in_dim3A_12, %broadcast_in_dim3A_404 : vector<1x512xi1>, vector<1x512xf32>
    %reduce_sum3A_406 = vector.shape_cast %select_n3A_405 : vector<1x512xf32> to vector<1x1x512xf32>
    %reduce_sum3A_407 = arith.constant dense<0.000000e+00> : vector<1xf32>
    %reduce_sum3A_408 = vector.multi_reduction <add>, %reduce_sum3A_406, %reduce_sum3A_407 [1, 2] : vector<1x1x512xf32> to vector<1xf32>
    %reduce_sum3A_409 = vector.shape_cast %reduce_sum3A_408 : vector<1xf32> to vector<1x1x1xf32>
    %reduce_sum3A_410 = vector.extract %reduce_sum3A_409[0, 0, 0] : f32 from vector<1x1x1xf32>
    %convert_element_type3A_411 = arith.sitofp %convert_element_type3A : i32 to f32
    %ge3A_412 = arith.cmpf oge, %reduce_sum3A_400, %convert_element_type3A_411 : f32
    %select_n3A_413 = arith.select %ge3A_412, %select_n3A_390, %select_n3A_362 : i32
    %select_n3A_414 = arith.select %ge3A_412, %select_n3A_363, %select_n3A_390 : i32
    %select_n3A_415 = arith.select %ge3A_412, %select_n3A_364, %reduce_sum3A_400 : f32
    %select_n3A_416 = arith.select %ge3A_412, %select_n3A_365, %reduce_sum3A_410 : f32
    %add3A_417 = arith.addi %select_n3A_413, %select_n3A_414 : i32
    %jit3A_418 = arith.constant 2 : i32
    %div3A_419 = arith.divsi %add3A_417, %jit3A_418 : i32
    %sign3A_420 = arith.constant 0 : i32
    %sign3A_421 = arith.cmpi sgt, %add3A_417, %sign3A_420 : i32
    %sign3A_422 = arith.extui %sign3A_421 : i1 to i32
    %sign3A_423 = arith.constant 0 : i32
    %sign3A_424 = arith.cmpi slt, %add3A_417, %sign3A_423 : i32
    %sign3A_425 = arith.extui %sign3A_424 : i1 to i32
    %sign3A_426 = arith.subi %sign3A_422, %sign3A_425 : i32
    %sign3A_427 = arith.constant 0 : i32
    %sign3A_428 = arith.cmpi sgt, %jit3A_418, %sign3A_427 : i32
    %sign3A_429 = arith.extui %sign3A_428 : i1 to i32
    %sign3A_430 = arith.constant 0 : i32
    %sign3A_431 = arith.cmpi slt, %jit3A_418, %sign3A_430 : i32
    %sign3A_432 = arith.extui %sign3A_431 : i1 to i32
    %sign3A_433 = arith.subi %sign3A_429, %sign3A_432 : i32
    %ne3A_434 = arith.cmpi ne, %sign3A_426, %sign3A_433 : i32
    %rem3A_435 = arith.remsi %add3A_417, %jit3A_418 : i32
    %ne3A_436 = arith.constant 0 : i32
    %ne3A_437 = arith.cmpi ne, %rem3A_435, %ne3A_436 : i32
    %and3A_438 = arith.andi %ne3A_434, %ne3A_437 : i1
    %sub3A_439 = arith.constant 1 : i32
    %sub3A_440 = arith.subi %div3A_419, %sub3A_439 : i32
    %select_n3A_441 = arith.select %and3A_438, %sub3A_440, %div3A_419 : i32
    %ge3A_442 = vector.broadcast %select_n3A_441 : i32 to vector<1x512xi32>
    %ge3A_443 = arith.cmpi sge, %iota3A, %ge3A_442 : vector<1x512xi32>
    %jit3A_444 = arith.constant 0.000000e+00 : f32
    %broadcast_in_dim3A_445 = vector.broadcast %jit3A_444 : f32 to vector<1x512xf32>
    %select_n3A_446 = arith.select %ge3A_443, %broadcast_in_dim3A, %broadcast_in_dim3A_445 : vector<1x512xi1>, vector<1x512xf32>
    %reduce_sum3A_447 = vector.shape_cast %select_n3A_446 : vector<1x512xf32> to vector<1x1x512xf32>
    %reduce_sum3A_448 = arith.constant dense<0.000000e+00> : vector<1xf32>
    %reduce_sum3A_449 = vector.multi_reduction <add>, %reduce_sum3A_447, %reduce_sum3A_448 [1, 2] : vector<1x1x512xf32> to vector<1xf32>
    %reduce_sum3A_450 = vector.shape_cast %reduce_sum3A_449 : vector<1xf32> to vector<1x1x1xf32>
    %reduce_sum3A_451 = vector.extract %reduce_sum3A_450[0, 0, 0] : f32 from vector<1x1x1xf32>
    %ge3A_452 = vector.broadcast %select_n3A_441 : i32 to vector<1x512xi32>
    %ge3A_453 = arith.cmpi sge, %iota3A, %ge3A_452 : vector<1x512xi32>
    %jit3A_454 = arith.constant 0.000000e+00 : f32
    %broadcast_in_dim3A_455 = vector.broadcast %jit3A_454 : f32 to vector<1x512xf32>
    %select_n3A_456 = arith.select %ge3A_453, %broadcast_in_dim3A_12, %broadcast_in_dim3A_455 : vector<1x512xi1>, vector<1x512xf32>
    %reduce_sum3A_457 = vector.shape_cast %select_n3A_456 : vector<1x512xf32> to vector<1x1x512xf32>
    %reduce_sum3A_458 = arith.constant dense<0.000000e+00> : vector<1xf32>
    %reduce_sum3A_459 = vector.multi_reduction <add>, %reduce_sum3A_457, %reduce_sum3A_458 [1, 2] : vector<1x1x512xf32> to vector<1xf32>
    %reduce_sum3A_460 = vector.shape_cast %reduce_sum3A_459 : vector<1xf32> to vector<1x1x1xf32>
    %reduce_sum3A_461 = vector.extract %reduce_sum3A_460[0, 0, 0] : f32 from vector<1x1x1xf32>
    %convert_element_type3A_462 = arith.sitofp %convert_element_type3A : i32 to f32
    %ge3A_463 = arith.cmpf oge, %reduce_sum3A_451, %convert_element_type3A_462 : f32
    %select_n3A_464 = arith.select %ge3A_463, %select_n3A_441, %select_n3A_413 : i32
    %select_n3A_465 = arith.select %ge3A_463, %select_n3A_415, %reduce_sum3A_451 : f32
    %select_n3A_466 = arith.select %ge3A_463, %select_n3A_416, %reduce_sum3A_461 : f32
    %convert_element_type3A_467 = arith.fptosi %select_n3A_465 : f32 to i32
    %convert_element_type3A_468 = arith.sitofp %select_n3A_464 : i32 to f32
    %swap3A = arith.constant 0 : index
    %swap3A_469 = memref.load %arg3[%swap3A] : memref<8xf32, #tpu.memory_space<smem>>
    memref.store %convert_element_type3A_468, %arg3[%swap3A] : memref<8xf32, #tpu.memory_space<smem>>
    %sub3A_470 = arith.subi %convert_element_type3A, %convert_element_type3A_467 : i32
    %convert_element_type3A_471 = arith.sitofp %sub3A_470 : i32 to f32
    %swap3A_472 = arith.constant 1 : index
    %swap3A_473 = memref.load %arg3[%swap3A_472] : memref<8xf32, #tpu.memory_space<smem>>
    memref.store %convert_element_type3A_471, %arg3[%swap3A_472] : memref<8xf32, #tpu.memory_space<smem>>
    %swap3A_474 = arith.constant 2 : index
    %swap3A_475 = memref.load %arg3[%swap3A_474] : memref<8xf32, #tpu.memory_space<smem>>
    memref.store %select_n3A_466, %arg3[%swap3A_474] : memref<8xf32, #tpu.memory_space<smem>>
    %convert_element_type3A_476 = arith.sitofp %convert_element_type3A : i32 to f32
    %swap3A_477 = arith.constant 3 : index
    %swap3A_478 = memref.load %arg3[%swap3A_477] : memref<8xf32, #tpu.memory_space<smem>>
    memref.store %convert_element_type3A_476, %arg3[%swap3A_477] : memref<8xf32, #tpu.memory_space<smem>>
    return
  }
}

module attributes {stable_mosaic.version = 14 : i64} {
  func.func @_final_body(%arg0: memref<32x512xi32, #tpu.memory_space<vmem>>, %arg1: memref<32x512xf32, #tpu.memory_space<vmem>>, %arg2: memref<8xf32, #tpu.memory_space<smem>>, %arg3: memref<8xf32, #tpu.memory_space<smem>>, %arg4: memref<1x1xf32, #tpu.memory_space<smem>>) attributes {dimension_semantics = [], scalar_prefetch = 0 : i64, scratch_operands = 0 : i64, tpu.core_type = #tpu.core_type<tc>} {
    %get3A = arith.constant 0 : index
    %get3A_0 = memref.load %arg3[%get3A] : memref<8xf32, #tpu.memory_space<smem>>
    %convert_element_type3A = arith.fptosi %get3A_0 : f32 to i32
    %get3A_1 = arith.constant 1 : index
    %get3A_2 = memref.load %arg3[%get3A_1] : memref<8xf32, #tpu.memory_space<smem>>
    %convert_element_type3A_3 = arith.fptosi %get3A_2 : f32 to i32
    %get3A_4 = arith.constant 2 : index
    %get3A_5 = memref.load %arg3[%get3A_4] : memref<8xf32, #tpu.memory_space<smem>>
    %get3A_6 = arith.constant 3 : index
    %get3A_7 = memref.load %arg3[%get3A_6] : memref<8xf32, #tpu.memory_space<smem>>
    %get3A_8 = arith.constant 0 : index
    %get3A_9 = arith.constant 0 : index
    %get3A_10 = vector.load %arg0[%get3A_8, %get3A_9] : memref<32x512xi32, #tpu.memory_space<vmem>>, vector<32x512xi32>
    %get3A_11 = arith.constant 0 : index
    %get3A_12 = arith.constant 0 : index
    %get3A_13 = vector.load %arg1[%get3A_11, %get3A_12] : memref<32x512xf32, #tpu.memory_space<vmem>>, vector<32x512xf32>
    %convert_element_type3A_14 = arith.sitofp %get3A_10 : vector<32x512xi32> to vector<32x512xf32>
    %reduce_sum3A = arith.constant dense<0.000000e+00> : vector<512xf32>
    %reduce_sum3A_15 = vector.multi_reduction <add>, %convert_element_type3A_14, %reduce_sum3A [0] : vector<32x512xf32> to vector<512xf32>
    %broadcast_in_dim3A = vector.shape_cast %reduce_sum3A_15 : vector<512xf32> to vector<1x512xf32>
    %reduce_sum3A_16 = arith.constant dense<0.000000e+00> : vector<512xf32>
    %reduce_sum3A_17 = vector.multi_reduction <add>, %get3A_13, %reduce_sum3A_16 [0] : vector<32x512xf32> to vector<512xf32>
    %broadcast_in_dim3A_18 = vector.shape_cast %reduce_sum3A_17 : vector<512xf32> to vector<1x512xf32>
    %iota3A = tpu.iota {dimensions = array<i32: 1>} : vector<1x512xi32>
    %add3A = arith.constant 0 : i32
    %add3A_19 = arith.constant 512 : i32
    %add3A_20 = arith.addi %add3A, %add3A_19 : i32
    %jit3A = arith.constant 2 : i32
    %div3A = arith.divsi %add3A_20, %jit3A : i32
    %sign3A = arith.constant 0 : i32
    %sign3A_21 = arith.cmpi sgt, %add3A_20, %sign3A : i32
    %sign3A_22 = arith.extui %sign3A_21 : i1 to i32
    %sign3A_23 = arith.constant 0 : i32
    %sign3A_24 = arith.cmpi slt, %add3A_20, %sign3A_23 : i32
    %sign3A_25 = arith.extui %sign3A_24 : i1 to i32
    %sign3A_26 = arith.subi %sign3A_22, %sign3A_25 : i32
    %sign3A_27 = arith.constant 0 : i32
    %sign3A_28 = arith.cmpi sgt, %jit3A, %sign3A_27 : i32
    %sign3A_29 = arith.extui %sign3A_28 : i1 to i32
    %sign3A_30 = arith.constant 0 : i32
    %sign3A_31 = arith.cmpi slt, %jit3A, %sign3A_30 : i32
    %sign3A_32 = arith.extui %sign3A_31 : i1 to i32
    %sign3A_33 = arith.subi %sign3A_29, %sign3A_32 : i32
    %ne3A = arith.cmpi ne, %sign3A_26, %sign3A_33 : i32
    %rem3A = arith.remsi %add3A_20, %jit3A : i32
    %ne3A_34 = arith.constant 0 : i32
    %ne3A_35 = arith.cmpi ne, %rem3A, %ne3A_34 : i32
    %and3A = arith.andi %ne3A, %ne3A_35 : i1
    %sub3A = arith.constant 1 : i32
    %sub3A_36 = arith.subi %div3A, %sub3A : i32
    %select_n3A = arith.select %and3A, %sub3A_36, %div3A : i32
    %ge3A = vector.broadcast %select_n3A : i32 to vector<1x512xi32>
    %ge3A_37 = arith.cmpi sge, %iota3A, %ge3A : vector<1x512xi32>
    %jit3A_38 = arith.constant 0.000000e+00 : f32
    %broadcast_in_dim3A_39 = vector.broadcast %jit3A_38 : f32 to vector<1x512xf32>
    %select_n3A_40 = arith.select %ge3A_37, %broadcast_in_dim3A, %broadcast_in_dim3A_39 : vector<1x512xi1>, vector<1x512xf32>
    %reduce_sum3A_41 = vector.shape_cast %select_n3A_40 : vector<1x512xf32> to vector<1x1x512xf32>
    %reduce_sum3A_42 = arith.constant dense<0.000000e+00> : vector<1xf32>
    %reduce_sum3A_43 = vector.multi_reduction <add>, %reduce_sum3A_41, %reduce_sum3A_42 [1, 2] : vector<1x1x512xf32> to vector<1xf32>
    %reduce_sum3A_44 = vector.shape_cast %reduce_sum3A_43 : vector<1xf32> to vector<1x1x1xf32>
    %reduce_sum3A_45 = vector.extract %reduce_sum3A_44[0, 0, 0] : f32 from vector<1x1x1xf32>
    %ge3A_46 = vector.broadcast %select_n3A : i32 to vector<1x512xi32>
    %ge3A_47 = arith.cmpi sge, %iota3A, %ge3A_46 : vector<1x512xi32>
    %jit3A_48 = arith.constant 0.000000e+00 : f32
    %broadcast_in_dim3A_49 = vector.broadcast %jit3A_48 : f32 to vector<1x512xf32>
    %select_n3A_50 = arith.select %ge3A_47, %broadcast_in_dim3A_18, %broadcast_in_dim3A_49 : vector<1x512xi1>, vector<1x512xf32>
    %reduce_sum3A_51 = vector.shape_cast %select_n3A_50 : vector<1x512xf32> to vector<1x1x512xf32>
    %reduce_sum3A_52 = arith.constant dense<0.000000e+00> : vector<1xf32>
    %reduce_sum3A_53 = vector.multi_reduction <add>, %reduce_sum3A_51, %reduce_sum3A_52 [1, 2] : vector<1x1x512xf32> to vector<1xf32>
    %reduce_sum3A_54 = vector.shape_cast %reduce_sum3A_53 : vector<1xf32> to vector<1x1x1xf32>
    %reduce_sum3A_55 = vector.extract %reduce_sum3A_54[0, 0, 0] : f32 from vector<1x1x1xf32>
    %convert_element_type3A_56 = arith.sitofp %convert_element_type3A_3 : i32 to f32
    %ge3A_57 = arith.cmpf oge, %reduce_sum3A_45, %convert_element_type3A_56 : f32
    %jit3A_58 = arith.constant 0 : i32
    %select_n3A_59 = arith.select %ge3A_57, %select_n3A, %jit3A_58 : i32
    %jit3A_60 = arith.constant 512 : i32
    %select_n3A_61 = arith.select %ge3A_57, %jit3A_60, %select_n3A : i32
    %jit3A_62 = arith.constant 0.000000e+00 : f32
    %select_n3A_63 = arith.select %ge3A_57, %jit3A_62, %reduce_sum3A_45 : f32
    %jit3A_64 = arith.constant 0.000000e+00 : f32
    %select_n3A_65 = arith.select %ge3A_57, %jit3A_64, %reduce_sum3A_55 : f32
    %add3A_66 = arith.addi %select_n3A_59, %select_n3A_61 : i32
    %jit3A_67 = arith.constant 2 : i32
    %div3A_68 = arith.divsi %add3A_66, %jit3A_67 : i32
    %sign3A_69 = arith.constant 0 : i32
    %sign3A_70 = arith.cmpi sgt, %add3A_66, %sign3A_69 : i32
    %sign3A_71 = arith.extui %sign3A_70 : i1 to i32
    %sign3A_72 = arith.constant 0 : i32
    %sign3A_73 = arith.cmpi slt, %add3A_66, %sign3A_72 : i32
    %sign3A_74 = arith.extui %sign3A_73 : i1 to i32
    %sign3A_75 = arith.subi %sign3A_71, %sign3A_74 : i32
    %sign3A_76 = arith.constant 0 : i32
    %sign3A_77 = arith.cmpi sgt, %jit3A_67, %sign3A_76 : i32
    %sign3A_78 = arith.extui %sign3A_77 : i1 to i32
    %sign3A_79 = arith.constant 0 : i32
    %sign3A_80 = arith.cmpi slt, %jit3A_67, %sign3A_79 : i32
    %sign3A_81 = arith.extui %sign3A_80 : i1 to i32
    %sign3A_82 = arith.subi %sign3A_78, %sign3A_81 : i32
    %ne3A_83 = arith.cmpi ne, %sign3A_75, %sign3A_82 : i32
    %rem3A_84 = arith.remsi %add3A_66, %jit3A_67 : i32
    %ne3A_85 = arith.constant 0 : i32
    %ne3A_86 = arith.cmpi ne, %rem3A_84, %ne3A_85 : i32
    %and3A_87 = arith.andi %ne3A_83, %ne3A_86 : i1
    %sub3A_88 = arith.constant 1 : i32
    %sub3A_89 = arith.subi %div3A_68, %sub3A_88 : i32
    %select_n3A_90 = arith.select %and3A_87, %sub3A_89, %div3A_68 : i32
    %ge3A_91 = vector.broadcast %select_n3A_90 : i32 to vector<1x512xi32>
    %ge3A_92 = arith.cmpi sge, %iota3A, %ge3A_91 : vector<1x512xi32>
    %jit3A_93 = arith.constant 0.000000e+00 : f32
    %broadcast_in_dim3A_94 = vector.broadcast %jit3A_93 : f32 to vector<1x512xf32>
    %select_n3A_95 = arith.select %ge3A_92, %broadcast_in_dim3A, %broadcast_in_dim3A_94 : vector<1x512xi1>, vector<1x512xf32>
    %reduce_sum3A_96 = vector.shape_cast %select_n3A_95 : vector<1x512xf32> to vector<1x1x512xf32>
    %reduce_sum3A_97 = arith.constant dense<0.000000e+00> : vector<1xf32>
    %reduce_sum3A_98 = vector.multi_reduction <add>, %reduce_sum3A_96, %reduce_sum3A_97 [1, 2] : vector<1x1x512xf32> to vector<1xf32>
    %reduce_sum3A_99 = vector.shape_cast %reduce_sum3A_98 : vector<1xf32> to vector<1x1x1xf32>
    %reduce_sum3A_100 = vector.extract %reduce_sum3A_99[0, 0, 0] : f32 from vector<1x1x1xf32>
    %ge3A_101 = vector.broadcast %select_n3A_90 : i32 to vector<1x512xi32>
    %ge3A_102 = arith.cmpi sge, %iota3A, %ge3A_101 : vector<1x512xi32>
    %jit3A_103 = arith.constant 0.000000e+00 : f32
    %broadcast_in_dim3A_104 = vector.broadcast %jit3A_103 : f32 to vector<1x512xf32>
    %select_n3A_105 = arith.select %ge3A_102, %broadcast_in_dim3A_18, %broadcast_in_dim3A_104 : vector<1x512xi1>, vector<1x512xf32>
    %reduce_sum3A_106 = vector.shape_cast %select_n3A_105 : vector<1x512xf32> to vector<1x1x512xf32>
    %reduce_sum3A_107 = arith.constant dense<0.000000e+00> : vector<1xf32>
    %reduce_sum3A_108 = vector.multi_reduction <add>, %reduce_sum3A_106, %reduce_sum3A_107 [1, 2] : vector<1x1x512xf32> to vector<1xf32>
    %reduce_sum3A_109 = vector.shape_cast %reduce_sum3A_108 : vector<1xf32> to vector<1x1x1xf32>
    %reduce_sum3A_110 = vector.extract %reduce_sum3A_109[0, 0, 0] : f32 from vector<1x1x1xf32>
    %convert_element_type3A_111 = arith.sitofp %convert_element_type3A_3 : i32 to f32
    %ge3A_112 = arith.cmpf oge, %reduce_sum3A_100, %convert_element_type3A_111 : f32
    %select_n3A_113 = arith.select %ge3A_112, %select_n3A_90, %select_n3A_59 : i32
    %select_n3A_114 = arith.select %ge3A_112, %select_n3A_61, %select_n3A_90 : i32
    %select_n3A_115 = arith.select %ge3A_112, %select_n3A_63, %reduce_sum3A_100 : f32
    %select_n3A_116 = arith.select %ge3A_112, %select_n3A_65, %reduce_sum3A_110 : f32
    %add3A_117 = arith.addi %select_n3A_113, %select_n3A_114 : i32
    %jit3A_118 = arith.constant 2 : i32
    %div3A_119 = arith.divsi %add3A_117, %jit3A_118 : i32
    %sign3A_120 = arith.constant 0 : i32
    %sign3A_121 = arith.cmpi sgt, %add3A_117, %sign3A_120 : i32
    %sign3A_122 = arith.extui %sign3A_121 : i1 to i32
    %sign3A_123 = arith.constant 0 : i32
    %sign3A_124 = arith.cmpi slt, %add3A_117, %sign3A_123 : i32
    %sign3A_125 = arith.extui %sign3A_124 : i1 to i32
    %sign3A_126 = arith.subi %sign3A_122, %sign3A_125 : i32
    %sign3A_127 = arith.constant 0 : i32
    %sign3A_128 = arith.cmpi sgt, %jit3A_118, %sign3A_127 : i32
    %sign3A_129 = arith.extui %sign3A_128 : i1 to i32
    %sign3A_130 = arith.constant 0 : i32
    %sign3A_131 = arith.cmpi slt, %jit3A_118, %sign3A_130 : i32
    %sign3A_132 = arith.extui %sign3A_131 : i1 to i32
    %sign3A_133 = arith.subi %sign3A_129, %sign3A_132 : i32
    %ne3A_134 = arith.cmpi ne, %sign3A_126, %sign3A_133 : i32
    %rem3A_135 = arith.remsi %add3A_117, %jit3A_118 : i32
    %ne3A_136 = arith.constant 0 : i32
    %ne3A_137 = arith.cmpi ne, %rem3A_135, %ne3A_136 : i32
    %and3A_138 = arith.andi %ne3A_134, %ne3A_137 : i1
    %sub3A_139 = arith.constant 1 : i32
    %sub3A_140 = arith.subi %div3A_119, %sub3A_139 : i32
    %select_n3A_141 = arith.select %and3A_138, %sub3A_140, %div3A_119 : i32
    %ge3A_142 = vector.broadcast %select_n3A_141 : i32 to vector<1x512xi32>
    %ge3A_143 = arith.cmpi sge, %iota3A, %ge3A_142 : vector<1x512xi32>
    %jit3A_144 = arith.constant 0.000000e+00 : f32
    %broadcast_in_dim3A_145 = vector.broadcast %jit3A_144 : f32 to vector<1x512xf32>
    %select_n3A_146 = arith.select %ge3A_143, %broadcast_in_dim3A, %broadcast_in_dim3A_145 : vector<1x512xi1>, vector<1x512xf32>
    %reduce_sum3A_147 = vector.shape_cast %select_n3A_146 : vector<1x512xf32> to vector<1x1x512xf32>
    %reduce_sum3A_148 = arith.constant dense<0.000000e+00> : vector<1xf32>
    %reduce_sum3A_149 = vector.multi_reduction <add>, %reduce_sum3A_147, %reduce_sum3A_148 [1, 2] : vector<1x1x512xf32> to vector<1xf32>
    %reduce_sum3A_150 = vector.shape_cast %reduce_sum3A_149 : vector<1xf32> to vector<1x1x1xf32>
    %reduce_sum3A_151 = vector.extract %reduce_sum3A_150[0, 0, 0] : f32 from vector<1x1x1xf32>
    %ge3A_152 = vector.broadcast %select_n3A_141 : i32 to vector<1x512xi32>
    %ge3A_153 = arith.cmpi sge, %iota3A, %ge3A_152 : vector<1x512xi32>
    %jit3A_154 = arith.constant 0.000000e+00 : f32
    %broadcast_in_dim3A_155 = vector.broadcast %jit3A_154 : f32 to vector<1x512xf32>
    %select_n3A_156 = arith.select %ge3A_153, %broadcast_in_dim3A_18, %broadcast_in_dim3A_155 : vector<1x512xi1>, vector<1x512xf32>
    %reduce_sum3A_157 = vector.shape_cast %select_n3A_156 : vector<1x512xf32> to vector<1x1x512xf32>
    %reduce_sum3A_158 = arith.constant dense<0.000000e+00> : vector<1xf32>
    %reduce_sum3A_159 = vector.multi_reduction <add>, %reduce_sum3A_157, %reduce_sum3A_158 [1, 2] : vector<1x1x512xf32> to vector<1xf32>
    %reduce_sum3A_160 = vector.shape_cast %reduce_sum3A_159 : vector<1xf32> to vector<1x1x1xf32>
    %reduce_sum3A_161 = vector.extract %reduce_sum3A_160[0, 0, 0] : f32 from vector<1x1x1xf32>
    %convert_element_type3A_162 = arith.sitofp %convert_element_type3A_3 : i32 to f32
    %ge3A_163 = arith.cmpf oge, %reduce_sum3A_151, %convert_element_type3A_162 : f32
    %select_n3A_164 = arith.select %ge3A_163, %select_n3A_141, %select_n3A_113 : i32
    %select_n3A_165 = arith.select %ge3A_163, %select_n3A_114, %select_n3A_141 : i32
    %select_n3A_166 = arith.select %ge3A_163, %select_n3A_115, %reduce_sum3A_151 : f32
    %select_n3A_167 = arith.select %ge3A_163, %select_n3A_116, %reduce_sum3A_161 : f32
    %add3A_168 = arith.addi %select_n3A_164, %select_n3A_165 : i32
    %jit3A_169 = arith.constant 2 : i32
    %div3A_170 = arith.divsi %add3A_168, %jit3A_169 : i32
    %sign3A_171 = arith.constant 0 : i32
    %sign3A_172 = arith.cmpi sgt, %add3A_168, %sign3A_171 : i32
    %sign3A_173 = arith.extui %sign3A_172 : i1 to i32
    %sign3A_174 = arith.constant 0 : i32
    %sign3A_175 = arith.cmpi slt, %add3A_168, %sign3A_174 : i32
    %sign3A_176 = arith.extui %sign3A_175 : i1 to i32
    %sign3A_177 = arith.subi %sign3A_173, %sign3A_176 : i32
    %sign3A_178 = arith.constant 0 : i32
    %sign3A_179 = arith.cmpi sgt, %jit3A_169, %sign3A_178 : i32
    %sign3A_180 = arith.extui %sign3A_179 : i1 to i32
    %sign3A_181 = arith.constant 0 : i32
    %sign3A_182 = arith.cmpi slt, %jit3A_169, %sign3A_181 : i32
    %sign3A_183 = arith.extui %sign3A_182 : i1 to i32
    %sign3A_184 = arith.subi %sign3A_180, %sign3A_183 : i32
    %ne3A_185 = arith.cmpi ne, %sign3A_177, %sign3A_184 : i32
    %rem3A_186 = arith.remsi %add3A_168, %jit3A_169 : i32
    %ne3A_187 = arith.constant 0 : i32
    %ne3A_188 = arith.cmpi ne, %rem3A_186, %ne3A_187 : i32
    %and3A_189 = arith.andi %ne3A_185, %ne3A_188 : i1
    %sub3A_190 = arith.constant 1 : i32
    %sub3A_191 = arith.subi %div3A_170, %sub3A_190 : i32
    %select_n3A_192 = arith.select %and3A_189, %sub3A_191, %div3A_170 : i32
    %ge3A_193 = vector.broadcast %select_n3A_192 : i32 to vector<1x512xi32>
    %ge3A_194 = arith.cmpi sge, %iota3A, %ge3A_193 : vector<1x512xi32>
    %jit3A_195 = arith.constant 0.000000e+00 : f32
    %broadcast_in_dim3A_196 = vector.broadcast %jit3A_195 : f32 to vector<1x512xf32>
    %select_n3A_197 = arith.select %ge3A_194, %broadcast_in_dim3A, %broadcast_in_dim3A_196 : vector<1x512xi1>, vector<1x512xf32>
    %reduce_sum3A_198 = vector.shape_cast %select_n3A_197 : vector<1x512xf32> to vector<1x1x512xf32>
    %reduce_sum3A_199 = arith.constant dense<0.000000e+00> : vector<1xf32>
    %reduce_sum3A_200 = vector.multi_reduction <add>, %reduce_sum3A_198, %reduce_sum3A_199 [1, 2] : vector<1x1x512xf32> to vector<1xf32>
    %reduce_sum3A_201 = vector.shape_cast %reduce_sum3A_200 : vector<1xf32> to vector<1x1x1xf32>
    %reduce_sum3A_202 = vector.extract %reduce_sum3A_201[0, 0, 0] : f32 from vector<1x1x1xf32>
    %ge3A_203 = vector.broadcast %select_n3A_192 : i32 to vector<1x512xi32>
    %ge3A_204 = arith.cmpi sge, %iota3A, %ge3A_203 : vector<1x512xi32>
    %jit3A_205 = arith.constant 0.000000e+00 : f32
    %broadcast_in_dim3A_206 = vector.broadcast %jit3A_205 : f32 to vector<1x512xf32>
    %select_n3A_207 = arith.select %ge3A_204, %broadcast_in_dim3A_18, %broadcast_in_dim3A_206 : vector<1x512xi1>, vector<1x512xf32>
    %reduce_sum3A_208 = vector.shape_cast %select_n3A_207 : vector<1x512xf32> to vector<1x1x512xf32>
    %reduce_sum3A_209 = arith.constant dense<0.000000e+00> : vector<1xf32>
    %reduce_sum3A_210 = vector.multi_reduction <add>, %reduce_sum3A_208, %reduce_sum3A_209 [1, 2] : vector<1x1x512xf32> to vector<1xf32>
    %reduce_sum3A_211 = vector.shape_cast %reduce_sum3A_210 : vector<1xf32> to vector<1x1x1xf32>
    %reduce_sum3A_212 = vector.extract %reduce_sum3A_211[0, 0, 0] : f32 from vector<1x1x1xf32>
    %convert_element_type3A_213 = arith.sitofp %convert_element_type3A_3 : i32 to f32
    %ge3A_214 = arith.cmpf oge, %reduce_sum3A_202, %convert_element_type3A_213 : f32
    %select_n3A_215 = arith.select %ge3A_214, %select_n3A_192, %select_n3A_164 : i32
    %select_n3A_216 = arith.select %ge3A_214, %select_n3A_165, %select_n3A_192 : i32
    %select_n3A_217 = arith.select %ge3A_214, %select_n3A_166, %reduce_sum3A_202 : f32
    %select_n3A_218 = arith.select %ge3A_214, %select_n3A_167, %reduce_sum3A_212 : f32
    %add3A_219 = arith.addi %select_n3A_215, %select_n3A_216 : i32
    %jit3A_220 = arith.constant 2 : i32
    %div3A_221 = arith.divsi %add3A_219, %jit3A_220 : i32
    %sign3A_222 = arith.constant 0 : i32
    %sign3A_223 = arith.cmpi sgt, %add3A_219, %sign3A_222 : i32
    %sign3A_224 = arith.extui %sign3A_223 : i1 to i32
    %sign3A_225 = arith.constant 0 : i32
    %sign3A_226 = arith.cmpi slt, %add3A_219, %sign3A_225 : i32
    %sign3A_227 = arith.extui %sign3A_226 : i1 to i32
    %sign3A_228 = arith.subi %sign3A_224, %sign3A_227 : i32
    %sign3A_229 = arith.constant 0 : i32
    %sign3A_230 = arith.cmpi sgt, %jit3A_220, %sign3A_229 : i32
    %sign3A_231 = arith.extui %sign3A_230 : i1 to i32
    %sign3A_232 = arith.constant 0 : i32
    %sign3A_233 = arith.cmpi slt, %jit3A_220, %sign3A_232 : i32
    %sign3A_234 = arith.extui %sign3A_233 : i1 to i32
    %sign3A_235 = arith.subi %sign3A_231, %sign3A_234 : i32
    %ne3A_236 = arith.cmpi ne, %sign3A_228, %sign3A_235 : i32
    %rem3A_237 = arith.remsi %add3A_219, %jit3A_220 : i32
    %ne3A_238 = arith.constant 0 : i32
    %ne3A_239 = arith.cmpi ne, %rem3A_237, %ne3A_238 : i32
    %and3A_240 = arith.andi %ne3A_236, %ne3A_239 : i1
    %sub3A_241 = arith.constant 1 : i32
    %sub3A_242 = arith.subi %div3A_221, %sub3A_241 : i32
    %select_n3A_243 = arith.select %and3A_240, %sub3A_242, %div3A_221 : i32
    %ge3A_244 = vector.broadcast %select_n3A_243 : i32 to vector<1x512xi32>
    %ge3A_245 = arith.cmpi sge, %iota3A, %ge3A_244 : vector<1x512xi32>
    %jit3A_246 = arith.constant 0.000000e+00 : f32
    %broadcast_in_dim3A_247 = vector.broadcast %jit3A_246 : f32 to vector<1x512xf32>
    %select_n3A_248 = arith.select %ge3A_245, %broadcast_in_dim3A, %broadcast_in_dim3A_247 : vector<1x512xi1>, vector<1x512xf32>
    %reduce_sum3A_249 = vector.shape_cast %select_n3A_248 : vector<1x512xf32> to vector<1x1x512xf32>
    %reduce_sum3A_250 = arith.constant dense<0.000000e+00> : vector<1xf32>
    %reduce_sum3A_251 = vector.multi_reduction <add>, %reduce_sum3A_249, %reduce_sum3A_250 [1, 2] : vector<1x1x512xf32> to vector<1xf32>
    %reduce_sum3A_252 = vector.shape_cast %reduce_sum3A_251 : vector<1xf32> to vector<1x1x1xf32>
    %reduce_sum3A_253 = vector.extract %reduce_sum3A_252[0, 0, 0] : f32 from vector<1x1x1xf32>
    %ge3A_254 = vector.broadcast %select_n3A_243 : i32 to vector<1x512xi32>
    %ge3A_255 = arith.cmpi sge, %iota3A, %ge3A_254 : vector<1x512xi32>
    %jit3A_256 = arith.constant 0.000000e+00 : f32
    %broadcast_in_dim3A_257 = vector.broadcast %jit3A_256 : f32 to vector<1x512xf32>
    %select_n3A_258 = arith.select %ge3A_255, %broadcast_in_dim3A_18, %broadcast_in_dim3A_257 : vector<1x512xi1>, vector<1x512xf32>
    %reduce_sum3A_259 = vector.shape_cast %select_n3A_258 : vector<1x512xf32> to vector<1x1x512xf32>
    %reduce_sum3A_260 = arith.constant dense<0.000000e+00> : vector<1xf32>
    %reduce_sum3A_261 = vector.multi_reduction <add>, %reduce_sum3A_259, %reduce_sum3A_260 [1, 2] : vector<1x1x512xf32> to vector<1xf32>
    %reduce_sum3A_262 = vector.shape_cast %reduce_sum3A_261 : vector<1xf32> to vector<1x1x1xf32>
    %reduce_sum3A_263 = vector.extract %reduce_sum3A_262[0, 0, 0] : f32 from vector<1x1x1xf32>
    %convert_element_type3A_264 = arith.sitofp %convert_element_type3A_3 : i32 to f32
    %ge3A_265 = arith.cmpf oge, %reduce_sum3A_253, %convert_element_type3A_264 : f32
    %select_n3A_266 = arith.select %ge3A_265, %select_n3A_243, %select_n3A_215 : i32
    %select_n3A_267 = arith.select %ge3A_265, %select_n3A_216, %select_n3A_243 : i32
    %select_n3A_268 = arith.select %ge3A_265, %select_n3A_217, %reduce_sum3A_253 : f32
    %select_n3A_269 = arith.select %ge3A_265, %select_n3A_218, %reduce_sum3A_263 : f32
    %add3A_270 = arith.addi %select_n3A_266, %select_n3A_267 : i32
    %jit3A_271 = arith.constant 2 : i32
    %div3A_272 = arith.divsi %add3A_270, %jit3A_271 : i32
    %sign3A_273 = arith.constant 0 : i32
    %sign3A_274 = arith.cmpi sgt, %add3A_270, %sign3A_273 : i32
    %sign3A_275 = arith.extui %sign3A_274 : i1 to i32
    %sign3A_276 = arith.constant 0 : i32
    %sign3A_277 = arith.cmpi slt, %add3A_270, %sign3A_276 : i32
    %sign3A_278 = arith.extui %sign3A_277 : i1 to i32
    %sign3A_279 = arith.subi %sign3A_275, %sign3A_278 : i32
    %sign3A_280 = arith.constant 0 : i32
    %sign3A_281 = arith.cmpi sgt, %jit3A_271, %sign3A_280 : i32
    %sign3A_282 = arith.extui %sign3A_281 : i1 to i32
    %sign3A_283 = arith.constant 0 : i32
    %sign3A_284 = arith.cmpi slt, %jit3A_271, %sign3A_283 : i32
    %sign3A_285 = arith.extui %sign3A_284 : i1 to i32
    %sign3A_286 = arith.subi %sign3A_282, %sign3A_285 : i32
    %ne3A_287 = arith.cmpi ne, %sign3A_279, %sign3A_286 : i32
    %rem3A_288 = arith.remsi %add3A_270, %jit3A_271 : i32
    %ne3A_289 = arith.constant 0 : i32
    %ne3A_290 = arith.cmpi ne, %rem3A_288, %ne3A_289 : i32
    %and3A_291 = arith.andi %ne3A_287, %ne3A_290 : i1
    %sub3A_292 = arith.constant 1 : i32
    %sub3A_293 = arith.subi %div3A_272, %sub3A_292 : i32
    %select_n3A_294 = arith.select %and3A_291, %sub3A_293, %div3A_272 : i32
    %ge3A_295 = vector.broadcast %select_n3A_294 : i32 to vector<1x512xi32>
    %ge3A_296 = arith.cmpi sge, %iota3A, %ge3A_295 : vector<1x512xi32>
    %jit3A_297 = arith.constant 0.000000e+00 : f32
    %broadcast_in_dim3A_298 = vector.broadcast %jit3A_297 : f32 to vector<1x512xf32>
    %select_n3A_299 = arith.select %ge3A_296, %broadcast_in_dim3A, %broadcast_in_dim3A_298 : vector<1x512xi1>, vector<1x512xf32>
    %reduce_sum3A_300 = vector.shape_cast %select_n3A_299 : vector<1x512xf32> to vector<1x1x512xf32>
    %reduce_sum3A_301 = arith.constant dense<0.000000e+00> : vector<1xf32>
    %reduce_sum3A_302 = vector.multi_reduction <add>, %reduce_sum3A_300, %reduce_sum3A_301 [1, 2] : vector<1x1x512xf32> to vector<1xf32>
    %reduce_sum3A_303 = vector.shape_cast %reduce_sum3A_302 : vector<1xf32> to vector<1x1x1xf32>
    %reduce_sum3A_304 = vector.extract %reduce_sum3A_303[0, 0, 0] : f32 from vector<1x1x1xf32>
    %ge3A_305 = vector.broadcast %select_n3A_294 : i32 to vector<1x512xi32>
    %ge3A_306 = arith.cmpi sge, %iota3A, %ge3A_305 : vector<1x512xi32>
    %jit3A_307 = arith.constant 0.000000e+00 : f32
    %broadcast_in_dim3A_308 = vector.broadcast %jit3A_307 : f32 to vector<1x512xf32>
    %select_n3A_309 = arith.select %ge3A_306, %broadcast_in_dim3A_18, %broadcast_in_dim3A_308 : vector<1x512xi1>, vector<1x512xf32>
    %reduce_sum3A_310 = vector.shape_cast %select_n3A_309 : vector<1x512xf32> to vector<1x1x512xf32>
    %reduce_sum3A_311 = arith.constant dense<0.000000e+00> : vector<1xf32>
    %reduce_sum3A_312 = vector.multi_reduction <add>, %reduce_sum3A_310, %reduce_sum3A_311 [1, 2] : vector<1x1x512xf32> to vector<1xf32>
    %reduce_sum3A_313 = vector.shape_cast %reduce_sum3A_312 : vector<1xf32> to vector<1x1x1xf32>
    %reduce_sum3A_314 = vector.extract %reduce_sum3A_313[0, 0, 0] : f32 from vector<1x1x1xf32>
    %convert_element_type3A_315 = arith.sitofp %convert_element_type3A_3 : i32 to f32
    %ge3A_316 = arith.cmpf oge, %reduce_sum3A_304, %convert_element_type3A_315 : f32
    %select_n3A_317 = arith.select %ge3A_316, %select_n3A_294, %select_n3A_266 : i32
    %select_n3A_318 = arith.select %ge3A_316, %select_n3A_267, %select_n3A_294 : i32
    %select_n3A_319 = arith.select %ge3A_316, %select_n3A_268, %reduce_sum3A_304 : f32
    %select_n3A_320 = arith.select %ge3A_316, %select_n3A_269, %reduce_sum3A_314 : f32
    %add3A_321 = arith.addi %select_n3A_317, %select_n3A_318 : i32
    %jit3A_322 = arith.constant 2 : i32
    %div3A_323 = arith.divsi %add3A_321, %jit3A_322 : i32
    %sign3A_324 = arith.constant 0 : i32
    %sign3A_325 = arith.cmpi sgt, %add3A_321, %sign3A_324 : i32
    %sign3A_326 = arith.extui %sign3A_325 : i1 to i32
    %sign3A_327 = arith.constant 0 : i32
    %sign3A_328 = arith.cmpi slt, %add3A_321, %sign3A_327 : i32
    %sign3A_329 = arith.extui %sign3A_328 : i1 to i32
    %sign3A_330 = arith.subi %sign3A_326, %sign3A_329 : i32
    %sign3A_331 = arith.constant 0 : i32
    %sign3A_332 = arith.cmpi sgt, %jit3A_322, %sign3A_331 : i32
    %sign3A_333 = arith.extui %sign3A_332 : i1 to i32
    %sign3A_334 = arith.constant 0 : i32
    %sign3A_335 = arith.cmpi slt, %jit3A_322, %sign3A_334 : i32
    %sign3A_336 = arith.extui %sign3A_335 : i1 to i32
    %sign3A_337 = arith.subi %sign3A_333, %sign3A_336 : i32
    %ne3A_338 = arith.cmpi ne, %sign3A_330, %sign3A_337 : i32
    %rem3A_339 = arith.remsi %add3A_321, %jit3A_322 : i32
    %ne3A_340 = arith.constant 0 : i32
    %ne3A_341 = arith.cmpi ne, %rem3A_339, %ne3A_340 : i32
    %and3A_342 = arith.andi %ne3A_338, %ne3A_341 : i1
    %sub3A_343 = arith.constant 1 : i32
    %sub3A_344 = arith.subi %div3A_323, %sub3A_343 : i32
    %select_n3A_345 = arith.select %and3A_342, %sub3A_344, %div3A_323 : i32
    %ge3A_346 = vector.broadcast %select_n3A_345 : i32 to vector<1x512xi32>
    %ge3A_347 = arith.cmpi sge, %iota3A, %ge3A_346 : vector<1x512xi32>
    %jit3A_348 = arith.constant 0.000000e+00 : f32
    %broadcast_in_dim3A_349 = vector.broadcast %jit3A_348 : f32 to vector<1x512xf32>
    %select_n3A_350 = arith.select %ge3A_347, %broadcast_in_dim3A, %broadcast_in_dim3A_349 : vector<1x512xi1>, vector<1x512xf32>
    %reduce_sum3A_351 = vector.shape_cast %select_n3A_350 : vector<1x512xf32> to vector<1x1x512xf32>
    %reduce_sum3A_352 = arith.constant dense<0.000000e+00> : vector<1xf32>
    %reduce_sum3A_353 = vector.multi_reduction <add>, %reduce_sum3A_351, %reduce_sum3A_352 [1, 2] : vector<1x1x512xf32> to vector<1xf32>
    %reduce_sum3A_354 = vector.shape_cast %reduce_sum3A_353 : vector<1xf32> to vector<1x1x1xf32>
    %reduce_sum3A_355 = vector.extract %reduce_sum3A_354[0, 0, 0] : f32 from vector<1x1x1xf32>
    %ge3A_356 = vector.broadcast %select_n3A_345 : i32 to vector<1x512xi32>
    %ge3A_357 = arith.cmpi sge, %iota3A, %ge3A_356 : vector<1x512xi32>
    %jit3A_358 = arith.constant 0.000000e+00 : f32
    %broadcast_in_dim3A_359 = vector.broadcast %jit3A_358 : f32 to vector<1x512xf32>
    %select_n3A_360 = arith.select %ge3A_357, %broadcast_in_dim3A_18, %broadcast_in_dim3A_359 : vector<1x512xi1>, vector<1x512xf32>
    %reduce_sum3A_361 = vector.shape_cast %select_n3A_360 : vector<1x512xf32> to vector<1x1x512xf32>
    %reduce_sum3A_362 = arith.constant dense<0.000000e+00> : vector<1xf32>
    %reduce_sum3A_363 = vector.multi_reduction <add>, %reduce_sum3A_361, %reduce_sum3A_362 [1, 2] : vector<1x1x512xf32> to vector<1xf32>
    %reduce_sum3A_364 = vector.shape_cast %reduce_sum3A_363 : vector<1xf32> to vector<1x1x1xf32>
    %reduce_sum3A_365 = vector.extract %reduce_sum3A_364[0, 0, 0] : f32 from vector<1x1x1xf32>
    %convert_element_type3A_366 = arith.sitofp %convert_element_type3A_3 : i32 to f32
    %ge3A_367 = arith.cmpf oge, %reduce_sum3A_355, %convert_element_type3A_366 : f32
    %select_n3A_368 = arith.select %ge3A_367, %select_n3A_345, %select_n3A_317 : i32
    %select_n3A_369 = arith.select %ge3A_367, %select_n3A_318, %select_n3A_345 : i32
    %select_n3A_370 = arith.select %ge3A_367, %select_n3A_319, %reduce_sum3A_355 : f32
    %select_n3A_371 = arith.select %ge3A_367, %select_n3A_320, %reduce_sum3A_365 : f32
    %add3A_372 = arith.addi %select_n3A_368, %select_n3A_369 : i32
    %jit3A_373 = arith.constant 2 : i32
    %div3A_374 = arith.divsi %add3A_372, %jit3A_373 : i32
    %sign3A_375 = arith.constant 0 : i32
    %sign3A_376 = arith.cmpi sgt, %add3A_372, %sign3A_375 : i32
    %sign3A_377 = arith.extui %sign3A_376 : i1 to i32
    %sign3A_378 = arith.constant 0 : i32
    %sign3A_379 = arith.cmpi slt, %add3A_372, %sign3A_378 : i32
    %sign3A_380 = arith.extui %sign3A_379 : i1 to i32
    %sign3A_381 = arith.subi %sign3A_377, %sign3A_380 : i32
    %sign3A_382 = arith.constant 0 : i32
    %sign3A_383 = arith.cmpi sgt, %jit3A_373, %sign3A_382 : i32
    %sign3A_384 = arith.extui %sign3A_383 : i1 to i32
    %sign3A_385 = arith.constant 0 : i32
    %sign3A_386 = arith.cmpi slt, %jit3A_373, %sign3A_385 : i32
    %sign3A_387 = arith.extui %sign3A_386 : i1 to i32
    %sign3A_388 = arith.subi %sign3A_384, %sign3A_387 : i32
    %ne3A_389 = arith.cmpi ne, %sign3A_381, %sign3A_388 : i32
    %rem3A_390 = arith.remsi %add3A_372, %jit3A_373 : i32
    %ne3A_391 = arith.constant 0 : i32
    %ne3A_392 = arith.cmpi ne, %rem3A_390, %ne3A_391 : i32
    %and3A_393 = arith.andi %ne3A_389, %ne3A_392 : i1
    %sub3A_394 = arith.constant 1 : i32
    %sub3A_395 = arith.subi %div3A_374, %sub3A_394 : i32
    %select_n3A_396 = arith.select %and3A_393, %sub3A_395, %div3A_374 : i32
    %ge3A_397 = vector.broadcast %select_n3A_396 : i32 to vector<1x512xi32>
    %ge3A_398 = arith.cmpi sge, %iota3A, %ge3A_397 : vector<1x512xi32>
    %jit3A_399 = arith.constant 0.000000e+00 : f32
    %broadcast_in_dim3A_400 = vector.broadcast %jit3A_399 : f32 to vector<1x512xf32>
    %select_n3A_401 = arith.select %ge3A_398, %broadcast_in_dim3A, %broadcast_in_dim3A_400 : vector<1x512xi1>, vector<1x512xf32>
    %reduce_sum3A_402 = vector.shape_cast %select_n3A_401 : vector<1x512xf32> to vector<1x1x512xf32>
    %reduce_sum3A_403 = arith.constant dense<0.000000e+00> : vector<1xf32>
    %reduce_sum3A_404 = vector.multi_reduction <add>, %reduce_sum3A_402, %reduce_sum3A_403 [1, 2] : vector<1x1x512xf32> to vector<1xf32>
    %reduce_sum3A_405 = vector.shape_cast %reduce_sum3A_404 : vector<1xf32> to vector<1x1x1xf32>
    %reduce_sum3A_406 = vector.extract %reduce_sum3A_405[0, 0, 0] : f32 from vector<1x1x1xf32>
    %ge3A_407 = vector.broadcast %select_n3A_396 : i32 to vector<1x512xi32>
    %ge3A_408 = arith.cmpi sge, %iota3A, %ge3A_407 : vector<1x512xi32>
    %jit3A_409 = arith.constant 0.000000e+00 : f32
    %broadcast_in_dim3A_410 = vector.broadcast %jit3A_409 : f32 to vector<1x512xf32>
    %select_n3A_411 = arith.select %ge3A_408, %broadcast_in_dim3A_18, %broadcast_in_dim3A_410 : vector<1x512xi1>, vector<1x512xf32>
    %reduce_sum3A_412 = vector.shape_cast %select_n3A_411 : vector<1x512xf32> to vector<1x1x512xf32>
    %reduce_sum3A_413 = arith.constant dense<0.000000e+00> : vector<1xf32>
    %reduce_sum3A_414 = vector.multi_reduction <add>, %reduce_sum3A_412, %reduce_sum3A_413 [1, 2] : vector<1x1x512xf32> to vector<1xf32>
    %reduce_sum3A_415 = vector.shape_cast %reduce_sum3A_414 : vector<1xf32> to vector<1x1x1xf32>
    %reduce_sum3A_416 = vector.extract %reduce_sum3A_415[0, 0, 0] : f32 from vector<1x1x1xf32>
    %convert_element_type3A_417 = arith.sitofp %convert_element_type3A_3 : i32 to f32
    %ge3A_418 = arith.cmpf oge, %reduce_sum3A_406, %convert_element_type3A_417 : f32
    %select_n3A_419 = arith.select %ge3A_418, %select_n3A_396, %select_n3A_368 : i32
    %select_n3A_420 = arith.select %ge3A_418, %select_n3A_369, %select_n3A_396 : i32
    %select_n3A_421 = arith.select %ge3A_418, %select_n3A_370, %reduce_sum3A_406 : f32
    %select_n3A_422 = arith.select %ge3A_418, %select_n3A_371, %reduce_sum3A_416 : f32
    %add3A_423 = arith.addi %select_n3A_419, %select_n3A_420 : i32
    %jit3A_424 = arith.constant 2 : i32
    %div3A_425 = arith.divsi %add3A_423, %jit3A_424 : i32
    %sign3A_426 = arith.constant 0 : i32
    %sign3A_427 = arith.cmpi sgt, %add3A_423, %sign3A_426 : i32
    %sign3A_428 = arith.extui %sign3A_427 : i1 to i32
    %sign3A_429 = arith.constant 0 : i32
    %sign3A_430 = arith.cmpi slt, %add3A_423, %sign3A_429 : i32
    %sign3A_431 = arith.extui %sign3A_430 : i1 to i32
    %sign3A_432 = arith.subi %sign3A_428, %sign3A_431 : i32
    %sign3A_433 = arith.constant 0 : i32
    %sign3A_434 = arith.cmpi sgt, %jit3A_424, %sign3A_433 : i32
    %sign3A_435 = arith.extui %sign3A_434 : i1 to i32
    %sign3A_436 = arith.constant 0 : i32
    %sign3A_437 = arith.cmpi slt, %jit3A_424, %sign3A_436 : i32
    %sign3A_438 = arith.extui %sign3A_437 : i1 to i32
    %sign3A_439 = arith.subi %sign3A_435, %sign3A_438 : i32
    %ne3A_440 = arith.cmpi ne, %sign3A_432, %sign3A_439 : i32
    %rem3A_441 = arith.remsi %add3A_423, %jit3A_424 : i32
    %ne3A_442 = arith.constant 0 : i32
    %ne3A_443 = arith.cmpi ne, %rem3A_441, %ne3A_442 : i32
    %and3A_444 = arith.andi %ne3A_440, %ne3A_443 : i1
    %sub3A_445 = arith.constant 1 : i32
    %sub3A_446 = arith.subi %div3A_425, %sub3A_445 : i32
    %select_n3A_447 = arith.select %and3A_444, %sub3A_446, %div3A_425 : i32
    %ge3A_448 = vector.broadcast %select_n3A_447 : i32 to vector<1x512xi32>
    %ge3A_449 = arith.cmpi sge, %iota3A, %ge3A_448 : vector<1x512xi32>
    %jit3A_450 = arith.constant 0.000000e+00 : f32
    %broadcast_in_dim3A_451 = vector.broadcast %jit3A_450 : f32 to vector<1x512xf32>
    %select_n3A_452 = arith.select %ge3A_449, %broadcast_in_dim3A, %broadcast_in_dim3A_451 : vector<1x512xi1>, vector<1x512xf32>
    %reduce_sum3A_453 = vector.shape_cast %select_n3A_452 : vector<1x512xf32> to vector<1x1x512xf32>
    %reduce_sum3A_454 = arith.constant dense<0.000000e+00> : vector<1xf32>
    %reduce_sum3A_455 = vector.multi_reduction <add>, %reduce_sum3A_453, %reduce_sum3A_454 [1, 2] : vector<1x1x512xf32> to vector<1xf32>
    %reduce_sum3A_456 = vector.shape_cast %reduce_sum3A_455 : vector<1xf32> to vector<1x1x1xf32>
    %reduce_sum3A_457 = vector.extract %reduce_sum3A_456[0, 0, 0] : f32 from vector<1x1x1xf32>
    %ge3A_458 = vector.broadcast %select_n3A_447 : i32 to vector<1x512xi32>
    %ge3A_459 = arith.cmpi sge, %iota3A, %ge3A_458 : vector<1x512xi32>
    %jit3A_460 = arith.constant 0.000000e+00 : f32
    %broadcast_in_dim3A_461 = vector.broadcast %jit3A_460 : f32 to vector<1x512xf32>
    %select_n3A_462 = arith.select %ge3A_459, %broadcast_in_dim3A_18, %broadcast_in_dim3A_461 : vector<1x512xi1>, vector<1x512xf32>
    %reduce_sum3A_463 = vector.shape_cast %select_n3A_462 : vector<1x512xf32> to vector<1x1x512xf32>
    %reduce_sum3A_464 = arith.constant dense<0.000000e+00> : vector<1xf32>
    %reduce_sum3A_465 = vector.multi_reduction <add>, %reduce_sum3A_463, %reduce_sum3A_464 [1, 2] : vector<1x1x512xf32> to vector<1xf32>
    %reduce_sum3A_466 = vector.shape_cast %reduce_sum3A_465 : vector<1xf32> to vector<1x1x1xf32>
    %reduce_sum3A_467 = vector.extract %reduce_sum3A_466[0, 0, 0] : f32 from vector<1x1x1xf32>
    %convert_element_type3A_468 = arith.sitofp %convert_element_type3A_3 : i32 to f32
    %ge3A_469 = arith.cmpf oge, %reduce_sum3A_457, %convert_element_type3A_468 : f32
    %select_n3A_470 = arith.select %ge3A_469, %select_n3A_447, %select_n3A_419 : i32
    %select_n3A_471 = arith.select %ge3A_469, %select_n3A_421, %reduce_sum3A_457 : f32
    %select_n3A_472 = arith.select %ge3A_469, %select_n3A_422, %reduce_sum3A_467 : f32
    %convert_element_type3A_473 = arith.fptosi %select_n3A_471 : f32 to i32
    %sub3A_474 = arith.subi %convert_element_type3A_3, %convert_element_type3A_473 : i32
    %convert_element_type3A_475 = arith.sitofp %sub3A_474 : i32 to f32
    %shift_left3A = arith.constant 19 : i32
    %shift_left3A_476 = arith.shli %convert_element_type3A, %shift_left3A : i32
    %add3A_477 = arith.constant 897581056 : i32
    %add3A_478 = arith.addi %add3A_477, %shift_left3A_476 : i32
    %shift_left3A_479 = arith.constant 10 : i32
    %shift_left3A_480 = arith.shli %select_n3A_470, %shift_left3A_479 : i32
    %add3A_481 = arith.addi %add3A_478, %shift_left3A_480 : i32
    %add3A_482 = arith.constant 512 : i32
    %add3A_483 = arith.addi %add3A_481, %add3A_482 : i32
    %bitcast_convert_type3A = arith.bitcast %add3A_483 : i32 to f32
    %add3A_484 = arith.addf %get3A_5, %select_n3A_472 : f32
    %mul3A = arith.mulf %convert_element_type3A_475, %bitcast_convert_type3A : f32
    %add3A_485 = arith.addf %add3A_484, %mul3A : f32
    %get3A_486 = arith.constant 0 : index
    %get3A_487 = memref.load %arg2[%get3A_486] : memref<8xf32, #tpu.memory_space<smem>>
    %get3A_488 = arith.constant 1 : index
    %get3A_489 = memref.load %arg2[%get3A_488] : memref<8xf32, #tpu.memory_space<smem>>
    %get3A_490 = arith.constant 3 : index
    %get3A_491 = memref.load %arg2[%get3A_490] : memref<8xf32, #tpu.memory_space<smem>>
    %div3A_492 = arith.divf %get3A_487, %get3A_489 : f32
    %add3A_493 = arith.addf %get3A_491, %div3A_492 : f32
    %div3A_494 = arith.divf %add3A_485, %get3A_7 : f32
    %add3A_495 = arith.addf %add3A_493, %div3A_494 : f32
    %swap3A = arith.constant 0 : index
    %swap3A_496 = arith.constant 0 : index
    %swap3A_497 = memref.load %arg4[%swap3A, %swap3A_496] : memref<1x1xf32, #tpu.memory_space<smem>>
    memref.store %add3A_495, %arg4[%swap3A, %swap3A_496] : memref<1x1xf32, #tpu.memory_space<smem>>
    return
  }
}

</mosaic_0001>

<sc_bundles>
// kernel: kernel.10.cloned.1.call-start
scs
__scs_entry_jumppad:
0x0: {  	(pc) =	sbr.rel $0x88, $3  }
0x1: {  	(tag) =	ssettag $0x0;
	lr =	simm.s32 $0x1  }
0x2: {  	[smem:$0x3F9D] =	sst lr;
	_ =	strace $0xD0000000  }
0x3: {  	_ = 	snop  }
0x4: {  	_ = 	snop  }
0x5: {  	_ = 	snop  }
0x6: {  	_ = 	snop  }
0x7: {  	_ = 	snop  }
__scs_overlays_trampoline_lowered:
0x8: {  	[smem:$0x3FAC] =	sst s0  }
0x9: {  	[smem:$0x3FAD] =	sst s1  }
0xa: {  	[smem:$0x3FAE] =	sst s2  }
0xb: {  	[smem:$0x3FAF] =	sst s3  }
0xc: {  	[smem:$0x3FB0] =	sst s4  }
0xd: {  	[smem:$0x3FB1] =	sst s5  }
0xe: {  	[smem:$0x3FB2] =	sst s6  }
0xf: {  	[smem:$0x3FB3] =	sst s7  }
0x10: {  	[smem:$0x3FB4] =	sst s8  }
0x11: {  	[smem:$0x3FB5] =	sst s9;
	s0 =	simm.s32 @!p0 $0x0  }
0x12: {  	s1 =	sld [smem:$0x3F9B];
	s0 =	simm.s32 @p0 $0x1  }
0x13: {  	[smem:$0x3FB6] =	sst s0;
	s0 =	simm.s32 @!p1 $0x0  }
0x14: {  	s2 =	sld [smem:$0x3F9A];
	s0 =	simm.s32 @p1 $0x1  }
0x15: {  	[smem:$0x3FB7] =	sst s0;
	s0 =	simm.s32 @!p2 $0x0  }
0x16: {  	s3 =	sld [smem:$0x3FDB];
	s0 =	simm.s32 @p2 $0x1  }
0x17: {  	s4 =	simm.s32 $0x1BF5;
	[smem:$0x3FB9] =	sst s0  }
0x18: {  	s0 =	sld [smem:$0x3F9C];
	_ =	swait.ge [sflag:s4], $0x0  }
0x19: {  	s7 =	sld [smem:$0x3F9D]  }
0x1a: {  	s8 =	sadd.s32 $0xFFFFE003, lr  }
0x1b: {  	s9 =	sadd.s32 $0xFFFFFEF7, lr;
	s5 =	simm.s32 $0xFFFFFFFF;
	p2 =	slt.u32 s8, $0xFFFFF086  }
0x1c: {  	p1 =	slt.u32 s9, $0xF7A;
	s5 =	simm.s32 @!p2 $0x0  }
0x1d: {  	s5 =	simm.s32 @p1 $0x1;
	p0 =	seq.s32 s7, s2  }
0x1e: {  	s7 =	smul.u32 @!p0 $0xF7A, s2;
	p2 =	seq.s32 @!p0 s5, $0x0  }
0x1f: {  	s9 =	smul.u32 $0xF7A, s1;
	s8 =	simm.s32 @!p0 $0x1BF5;
	p2 =	por !p2, p0  }
0x20: {  	[sflag:s8] =	ssyncset.s32 @!p0 $0xFFFFF086;
	s6 =	sadd.s32 @!p0 s3, s7;
	s7 =	simm.s32 @!p0 $0x108  }
0x21: {  	s3 =	sadd.s32 s3, s9;
	s6 =	sadd.s32 @!p0 $0x88, s6;
	s7 =	simm.s32 @p2 $0x1082  }
0x22: {  	[simem:s7], [sflag:s8] =	dma.local @!p0 [hbm:s6], $0xF7A  }
0x23: {  	s9 =	sor.u32 $0xD0000000, s2;
	s6 =	simm.s32 $0x108;
	_ =	swait.ge @!p0 [sflag:s8], $0x0  }
0x24: {  	s3 =	sadd.s32 $0x88, s3;
	s6 =	simm.s32 @!p1 $0x1082;
	[sflag:s4] =	ssyncset.s32 $0xFFFFF086  }
0x25: {  	[simem:s6], [sflag:s4] =	dma.local [hbm:s3], $0xF7A  }
0x26: {  	[smem:$0x3F9D] =	sst s1;
	(tag) =	ssettag s2;
	_ =	strace s9  }
0x27: {  	s1 =	sld [smem:$0x3FAD]  }
0x28: {  	s2 =	sld [smem:$0x3FAE]  }
0x29: {  	s4 =	sld [smem:$0x3FB0]  }
0x2a: {  	p0 =	seq.s32 s5, $0x0;
	s5 =	sld [smem:$0x3FB1]  }
0x2b: {  	s6 =	sld [smem:$0x3FB2]  }
0x2c: {  	s7 =	sld [smem:$0x3FB3]  }
0x2d: {  	s3 =	simm.s32 $0x108;
	s8 =	sld [smem:$0x3FB4]  }
0x2e: {  	s3 =	simm.s32 @!p0 $0x1082;
	s9 =	sld [smem:$0x3FB5]  }
0x2f: {  	lr =	sadd.s32 s0, s3;
	s0 =	sld [smem:$0x3FAC]  }
0x30: {  	s3 =	sld [smem:$0x3FAF]  }
0x31: {  	[smem:$0x3FB8] =	sst s10  }
0x32: {  	s10 =	sld [smem:$0x3FB6];
	_ =	sdelay $0x3  }
0x33: {  	p0 =	seq.s32 s10, $0x1;
	s10 =	sld [smem:$0x3FB8];
	_ =	sdelay $0x3  }
0x34: {  	[smem:$0x3FB8] =	sst s10  }
0x35: {  	s10 =	sld [smem:$0x3FB7];
	_ =	sdelay $0x3  }
0x36: {  	p1 =	seq.s32 s10, $0x1;
	s10 =	sld [smem:$0x3FB8];
	_ =	sdelay $0x3  }
0x37: {  	[smem:$0x3FB8] =	sst s10  }
0x38: {  	s10 =	sld [smem:$0x3FB9]  }
0x39: {  	_ = 	snop;
	(pc) =	sbr.ind lr, $3  }
0x3a: {  	_ = 	snop  }
0x3b: {  	_ = 	snop  }
0x3c: {  	p2 =	seq.s32 s10, $0x1;
	s10 =	sld [smem:$0x3FB8]  }
0x3d: {  	_ =	shalt  }
0x3e: {  	_ =	shalt  }
0x3f: {  	_ =	shalt  }
0x40: {  	_ =	shalt  }
0x41: {  	_ =	shalt  }
0x42: {  	_ =	shalt  }
0x43: {  	_ =	shalt  }
0x44: {  	_ =	shalt  }
0x45: {  	_ =	shalt  }
0x46: {  	_ =	shalt  }
0x47: {  	_ =	shalt  }
0x48: {  	_ =	shalt  }
0x49: {  	_ =	shalt  }
0x4a: {  	_ =	shalt  }
0x4b: {  	_ =	shalt  }
0x4c: {  	_ =	shalt  }
0x4d: {  	_ =	shalt  }
0x4e: {  	_ =	shalt  }
0x4f: {  	_ =	shalt  }
0x50: {  	_ =	shalt  }
0x51: {  	_ =	shalt  }
0x52: {  	_ =	shalt  }
0x53: {  	_ =	shalt  }
0x54: {  	_ =	shalt  }
0x55: {  	_ =	shalt  }
0x56: {  	_ =	shalt  }
0x57: {  	_ =	shalt  }
0x58: {  	_ =	shalt  }
0x59: {  	_ =	shalt  }
0x5a: {  	_ =	shalt  }
0x5b: {  	_ =	shalt  }
0x5c: {  	_ =	shalt  }
0x5d: {  	_ =	shalt  }
0x5e: {  	_ =	shalt  }
0x5f: {  	_ =	shalt  }
0x60: {  	_ =	shalt  }
0x61: {  	_ =	shalt  }
0x62: {  	_ =	shalt  }
0x63: {  	_ =	shalt  }
0x64: {  	_ =	shalt  }
0x65: {  	_ =	shalt  }
0x66: {  	_ =	shalt  }
0x67: {  	_ =	shalt  }
0x68: {  	_ =	shalt  }
0x69: {  	_ =	shalt  }
0x6a: {  	_ =	shalt  }
0x6b: {  	_ =	shalt  }
0x6c: {  	_ =	shalt  }
0x6d: {  	_ =	shalt  }
0x6e: {  	_ =	shalt  }
0x6f: {  	_ =	shalt  }
0x70: {  	_ =	shalt  }
0x71: {  	_ =	shalt  }
0x72: {  	_ =	shalt  }
0x73: {  	_ =	shalt  }
0x74: {  	_ =	shalt  }
0x75: {  	_ =	shalt  }
0x76: {  	_ =	shalt  }
0x77: {  	_ =	shalt  }
0x78: {  	_ =	shalt  }
0x79: {  	_ =	shalt  }
0x7a: {  	_ =	shalt  }
0x7b: {  	_ =	shalt  }
0x7c: {  	_ =	shalt  }
0x7d: {  	_ =	shalt  }
0x7e: {  	_ =	shalt  }
0x7f: {  	_ =	shalt  }
0x80: {  	_ =	shalt  }
0x81: {  	_ =	shalt  }
0x82: {  	_ =	shalt  }
0x83: {  	_ =	shalt  }
0x84: {  	_ =	shalt  }
0x85: {  	_ =	shalt  }
0x86: {  	_ =	shalt  }
0x87: {  	_ =	shalt  }
.Lfunc_end0:
.L_simem_size_0:
called_computation.1_lowered:
.L_overlay_start_0:
0x88: {  	s2 =	sld [smem:$0x3FD9]  }
0x89: {  	s3 =	sld [smem:$0x3FFE];
	_ =	sdelay $0x1  }
0x8a: {  	s1 =	srdreg.scid  }
0x8b: {  	s0 =	sand.u32 $0x1, s1  }
0x8c: {  	s16 =	sshll.u32 s0, $0xA;
	s2 =	sadd.s32 s3, s2  }
0x8d: {  	s2 =	sadd.s32 s2, s16  }
0x8e: {  	[smem:$0x3FC4] =	sst s2  }
0x8f: {  	_ = 	snop  }
0x90: {  	(tm) =	ssettm $0x1  }
0x91: {  	s17 =	sld [smem:$0x3FFB];
	_ =	sdelay $0x3  }
0x92: {  	_ =	strace s17  }
0x93: {  	s2 =	sld [smem:$0x3FFC];
	_ =	sdelay $0x3  }
0x94: {  	_ =	strace s2  }
0x95: {  	s2 =	sld [smem:$0x3FFD];
	_ =	sdelay $0x3  }
0x96: {  	_ =	strace s2  }
0x97: {  	_ =	strace $0x8FFFFFFF  }
0x98: {  	s18 =	sld [smem:$0x3FDB];
	_ =	sdelay $0x1  }
0x99: {  	s19 =	simm.s32 $_scs_section_size  }
0x9a: {  	s4 =	simm.s32 $_size__tile_overlayer_lowered;
	s5 =	simm.s32 $_tile_overlayer_lowered  }
0x9b: {  	s22 =	simm.s32 $0x1BFF;
	s21 =	sshll.u32 s5, $0x1;
	s2 =	sadd.s32 s19, s18  }
0x9c: {  	s6 =	simm.s32 $0x0;
	s20 =	sshll.u32 s4, $0x1;
	s4 =	sadd.s32 s21, s2  }
0x9d: {  	[timem:s6], [sflag:s22] =	dma.local [hbm:s4], s20  }
0x9e: {  	_ =	swait.ge [sflag:s22], s20  }
0x9f: {  	s3 =	ssub.s32 $0x0, s20;
	[sflag:s22] =	ssyncset.done $0x0  }
0xa0: {  	[sflag:s22] =	ssyncadd.s32 s3;
	_ =	sdelay $0x1  }
0xa1: {  	s23 =	simm.s32 $0x1B8B  }
0xa2: {  	_ =	swait.ge [sflag:s23], $0x1  }
0xa3: {  	[sflag:s23] =	ssyncset.done $0x0  }
0xa4: {  	s25 =	simm.s32 $0x1B8E;
	s24 =	sld [smem:$0x3FFE];
	[sflag:s23] =	ssyncadd.s32 $0xFFFFFFFF  }
0xa5: {  	s26 =	simm.s32 $execute0_lowered;
	[smem:$0x3FD2] =	sst s25  }
0xa6: {  	s4 =	sshll.u32 s26, $0x1;
	_ =	strace $0x80000049;
	[dreg:$0x1] =	wrdreg $0xFFFFFFFF  }
0xa7: {  	s28 =	simm.s32 $_size_execute0_lowered;
	s2 =	sadd.s32 s2, s4;
	[dreg:$0x0] =	wrdreg $0x0  }
0xa8: {  	s4 =	sshll.u32 s28, $0x1;
	[dreg:$0x2] =	wrdreg s2  }
0xa9: {  	[dreg:$0x3] =	wrdreg s4  }
0xaa: {  	[dreg:$0x4] =	wrdreg $0xC0  }
0xab: {  	_ =	task [dreg:s6], $0x5FFFF  }
0xac: {  	[dreg:$0x1] =	wrdreg $0xFFFFFFFF  }
0xad: {  	[dreg:$0x0] =	wrdreg $0x60  }
0xae: {  	[dreg:$0x2] =	wrdreg s24  }
0xaf: {  	[dreg:$0x3] =	wrdreg $0x9  }
0xb0: {  	_ =	task.clear_ibuf [dreg:s6], $0x4FFFF;
	_ =	strace $0x90000049  }
0xb1: {  	s29 =	simm.s32 $0x9;
	_ =	strace $0x8000004B  }
0xb2: {  	_ =	swait.ge [sflag:s29], $0x1  }
0xb3: {  	[sflag:s29] =	ssyncadd.s32 $0xFFFFFFFF  }
0xb4: {  	_ =	strace $0x9000004B  }
0xb5: {  	_ =	sfence  }
0xb6: {  	s30 =	sld [smem:$0x0];
	_ =	sdelay $0x2  }
0xb7: {  	s31 =	sshll.u32 s1, $0xD;
	s1 =	sshrl.u32 s1, $0x2  }
0xb8: {  	s3 =	sand.u32 $0x4000, s31;
	s1 =	sadd.s32 s1, s30  }
0xb9: {  	s0 =	sor.u32 s3, s0;
	s1 =	sshll.u32 s1, $0x11  }
0xba: {  	s0 =	sor.u32 s1, s0  }
0xbb: {  	s0 =	sadd.s32 $0x8F2B, s0  }
0xbc: {  	[sflag:s0] =	ssyncadd.remote.s32 $0x1  }
0xbd: {  	_ =	sfence.sel $0xFFFF  }
0xbe: {  	[dreg:$0x0] =	wrdreg $0xFFFFFFFF;
	(pc) =	sbr.abs _section_cstart, $3  }
0xbf: {  	[dreg:$0x1] =	wrdreg $0xFFFFFFFF  }
0xc0: {  	_ =	task.clear_ibuf [dreg:s6], $0x2FFFF;
	_ =	strace $0x9FFFFFFF  }
0xc1: {  	(tm) =	ssettm $0x7FFFFFFF  }
tec
execute0_lowered:
.L_overlay_start_1:
0x0: {  	(tag) =	ssettag $0x1  }
0x1: {  	s4 =	rddreg [dreg:$0x0]  }
0x2: {  	s0 =	rddreg [dreg:$0x1]  }
0x3: {  	s3 =	srdreg.scid;
	s1 =	stileid.u32;
	s2 =	simm.s32 $0x0  }
0x4: {  	s9 =	simm.s32 $0x8000;
	s10 =	simm.s32 $0x8080;
	s11 =	simm.s32 $0xA080  }
0x5: {  	s12 =	simm.s32 $0xC080;
	s13 =	simm.s32 $0xD080;
	s14 =	simm.s32 $0x0  }
0x6: {  	s3 =	sand.u32 $0x1, s3;
	s5 =	sshll.u32 s1, $0x1;
	[smem:$0x7FF] =	sst s2  }
0x7: {  	s5 =	sor.u32 s3, s5;
	_ =	strace $0x8000004A;
	s7 =	ssub.s32 $0x2, s3  }
0x8: {  	s3 =	sadd.s32 $0x21600, s4;
	s6 =	sshll.u32 s5, $0xC;
	s5 =	sshll.u32 s5, $0x9  }
0x9: {  	s31 =	sshrl.u32 s7, $0x1;
	s6 =	sadd.s32 s6, s4;
	s8 =	sadd.s32 s5, s4  }
0xa: {  	v0 =	vimm.s32 $0x0;
	v1 =	vimm.f32 $0.0e+00;
	v2 =	vlaneseq.u32;
	s7 =	ssub.s32 s7, s31;
	s4 =	sadd.s32 $0x1600, s6;
	s5 =	sadd.s32 $0x21800, s8  }
0xb: {  	vm0 =	vmmov $0x1;
	v3 =	vimm.s32 $0x1;
	v2 =	vmul.u32 $0x200, v2;
	s6 =	sadd.s32 $0x25800, s8;
	s7 =	smax.u32 s7, $0x1;
	s8 =	simm.s32 $0x1  }
.LBB2_1:
0xc: {  	[tilespmem:s2], [sflag:$0x1] =	stream.linear.gather [hbm4b:s4+s2], $0x8000, $0x38;
	[tilespmem:$0xE080] =	vst v63  }
0xd: {  	_ =	swait.ge [sflag:s8], $0x8000  }
0xe: {  	[sflag:s8] =	ssyncset.done $0x0  }
0xf: {  	[sflag:s8] =	ssyncadd.s32 $0xFFFF8000  }
0x10: {  	[tilespmem:s9], [sflag:$0x1] =	stream.linear.gather [hbm4b:s3+s2], $0x80, $0x38;
	[tilespmem:$0xE080] =	vst v63  }
0x11: {  	_ =	swait.ge [sflag:s8], $0x80  }
0x12: {  	[sflag:s8] =	ssyncset.done $0x0  }
0x13: {  	[sflag:s8] =	ssyncadd.s32 $0xFFFFFF80  }
0x14: {  	s15 =	simm.s32 $0x40;
	s16 =	simm.s32 $0x0;
	v4 =	vld [tilespmem:$0x8000]  }
.LBB2_2:
0x15: {  	p0 =	seq.s32 s15, $0x7FC0;
	[tilespmem:s16+$0x8080] =	vst v0;
	s17 =	smov.u32 s15;
	s15 =	sadd.s32 $0x40, s15  }
.Ltmp0:
0x16: {  	[tilespmem:s16+$0xA080] =	vst v1;
	(pc) =	sbr.rel @!p0 .LBB2_2-.Ltmp0, $2  }
0x17: {  	_ =	sdelay $0x2  }
0x18: {  	s16 =	sshra.s32 s17, $0x2  }
0x19: {  	v4 =	vnsel vm0, $0x0, v4  }
0x1a: {  	(xrf0) =	vadd.scan.msk.s32 $0xffff, v4;
	_ =	sdelay $0x5  }
0x1b: {  	[tilespmem:s16+$0x8080] =	vst v0;
	v4, _, _ =	vpop (xrf0)  }
0x1c: {  	[tilespmem:s16+$0xA080] =	vst v1;
	s15 =	simm.s32 $0x0;
	v4 =	vbroadcast v4, $0xF  }
.LBB2_4:
0x1d: {  	s16 =	sshra.s32 s15, $0x2  }
0x1e: {  	v5 =	vld [tilespmem:s16+$0x0];
	_ =	sdelay $0x4  }
0x1f: {  	v6 =	vadd.s32 $0xCA800000, v5  }
0x20: {  	vm1 =	vgt.s32 v6, $0x0  }
0x21: {  	v6 =	vnsel vm1, $0x0, v6  }
0x22: {  	v6 =	vmin.u32 v6, $0xFFFFFFF  }
0x23: {  	v7 =	vshrl.u32 v6, $0x13  }
0x24: {  	vm1 =	vgt.s32 v5, $0x0;
	v6 =	vshrl.u32 v6, $0xA;
	vm2 =	veq.s32 v7, v4  }
0x25: {  	v6 =	vand.u32 $0x1FF, v6;
	vm1 =	vmand vm1, vm2  }
0x26: {  	v6 =	vor.u32 v2, v6;
	_ =	sdelay $0x4  }
0x27: {  	[tilespmem:v6+s10+$0x0] =	vst.idx.add.s32.msk vm1, v3  }
0x28: {  	[tilespmem:v6+s11+$0x0] =	vst.idx.add.f32.msk vm1, v5  }
0x29: {  	v5 =	vld [tilespmem:s16+$0x10];
	_ =	sdelay $0x4  }
0x2a: {  	v6 =	vadd.s32 $0xCA800000, v5  }
0x2b: {  	vm1 =	vgt.s32 v6, $0x0  }
0x2c: {  	v6 =	vnsel vm1, $0x0, v6  }
0x2d: {  	v6 =	vmin.u32 v6, $0xFFFFFFF  }
0x2e: {  	v7 =	vshrl.u32 v6, $0x13  }
0x2f: {  	vm1 =	vgt.s32 v5, $0x0;
	v6 =	vshrl.u32 v6, $0xA;
	vm2 =	veq.s32 v7, v4  }
0x30: {  	v6 =	vand.u32 $0x1FF, v6;
	vm1 =	vmand vm1, vm2  }
0x31: {  	v6 =	vor.u32 v2, v6;
	_ =	sdelay $0x4  }
0x32: {  	[tilespmem:v6+s10+$0x0] =	vst.idx.add.s32.msk vm1, v3  }
0x33: {  	[tilespmem:v6+s11+$0x0] =	vst.idx.add.f32.msk vm1, v5  }
0x34: {  	v5 =	vld [tilespmem:s16+$0x20];
	_ =	sdelay $0x4  }
0x35: {  	v6 =	vadd.s32 $0xCA800000, v5  }
0x36: {  	vm1 =	vgt.s32 v6, $0x0  }
0x37: {  	v6 =	vnsel vm1, $0x0, v6  }
0x38: {  	v6 =	vmin.u32 v6, $0xFFFFFFF  }
0x39: {  	v7 =	vshrl.u32 v6, $0x13  }
0x3a: {  	vm1 =	vgt.s32 v5, $0x0;
	v6 =	vshrl.u32 v6, $0xA;
	vm2 =	veq.s32 v7, v4  }
0x3b: {  	v6 =	vand.u32 $0x1FF, v6;
	vm1 =	vmand vm1, vm2  }
0x3c: {  	v6 =	vor.u32 v2, v6;
	_ =	sdelay $0x4  }
0x3d: {  	[tilespmem:v6+s10+$0x0] =	vst.idx.add.s32.msk vm1, v3  }
0x3e: {  	[tilespmem:v6+s11+$0x0] =	vst.idx.add.f32.msk vm1, v5  }
0x3f: {  	v5 =	vld [tilespmem:s16+$0x30];
	_ =	sdelay $0x4  }
0x40: {  	v6 =	vadd.s32 $0xCA800000, v5  }
0x41: {  	vm1 =	vgt.s32 v6, $0x0  }
0x42: {  	v6 =	vnsel vm1, $0x0, v6  }
0x43: {  	v6 =	vmin.u32 v6, $0xFFFFFFF  }
0x44: {  	v7 =	vshrl.u32 v6, $0x13  }
0x45: {  	vm1 =	vgt.s32 v5, $0x0;
	v6 =	vshrl.u32 v6, $0xA;
	vm2 =	veq.s32 v7, v4  }
0x46: {  	v6 =	vand.u32 $0x1FF, v6;
	vm1 =	vmand vm1, vm2  }
0x47: {  	v6 =	vor.u32 v2, v6  }
0x48: {  	p0 =	sne.s32 s15, $0x1FF00  }
.Ltmp1:
0x49: {  	_ = 	snop;
	(pc) =	sbr.rel @p0 .LBB2_4-.Ltmp1, $3  }
0x4a: {  	_ =	sdelay $0x1  }
0x4b: {  	[tilespmem:v6+s10+$0x0] =	vst.idx.add.s32.msk vm1, v3  }
0x4c: {  	s15 =	sadd.s32 $0x100, s15;
	[tilespmem:v6+s11+$0x0] =	vst.idx.add.f32.msk vm1, v5  }
0x4d: {  	s15 =	simm.s32 $0xB080  }
0x4e: {  	v4 =	vld [tilespmem:s15+$0xFFFFF000]  }
0x4f: {  	v5 =	vld [tilespmem:s15+$0xE00]  }
0x50: {  	v6 =	vld [tilespmem:s15+$0xFFFFF200]  }
0x51: {  	v7 =	vld [tilespmem:s15+$0xC00]  }
0x52: {  	v8 =	vld [tilespmem:s15+$0xFFFFF400]  }
0x53: {  	v9 =	vld [tilespmem:s15+$0xA00];
	v4 =	vadd.f32 $0.0e+00, v4  }
0x54: {  	v10 =	vld [tilespmem:s15+$0xFFFFF600]  }
0x55: {  	v11 =	vld [tilespmem:s15+$0x800];
	v4 =	vadd.f32 v6, v4  }
0x56: {  	v6 =	vld [tilespmem:s15+$0xFFFFF800]  }
0x57: {  	v12 =	vld [tilespmem:s15+$0x600];
	v4 =	vadd.f32 v8, v4  }
0x58: {  	v49 =	vld [tilespmem:s15+$0xFFFFFA00]  }
0x59: {  	v13 =	vld [tilespmem:s15+$0x400];
	v4 =	vadd.f32 v10, v4  }
0x5a: {  	v50 =	vld [tilespmem:s15+$0xFFFFFC00]  }
0x5b: {  	v14 =	vld [tilespmem:s15+$0x200];
	v4 =	vadd.f32 v6, v4  }
0x5c: {  	s16 =	simm.s32 $0x9080;
	v6 =	vld [tilespmem:s15+$0xFFFFFE00]  }
0x5d: {  	v15 =	vld [tilespmem:s16+$0xFFFFF000];
	v4 =	vadd.f32 v49, v4  }
0x5e: {  	v51 =	vld [tilespmem:s15+$0x0]  }
0x5f: {  	v16 =	vld [tilespmem:s16+$0xFFFFF200];
	v4 =	vadd.f32 v50, v4  }
0x60: {  	v52 =	vld [tilespmem:s16+$0xFFFFF400]  }
0x61: {  	v17 =	vld [tilespmem:s16+$0xFFFFF600];
	v4 =	vadd.f32 v6, v4  }
0x62: {  	v6 =	vld [tilespmem:s16+$0xFFFFF800]  }
0x63: {  	v18 =	vld [tilespmem:s16+$0xFFFFFA00];
	v4 =	vadd.f32 v51, v4  }
0x64: {  	v54 =	vld [tilespmem:s16+$0xFFFFFC00];
	v53 =	vadd.s32 v15, v16  }
0x65: {  	v55 =	vld [tilespmem:s16+$0xFFFFFE00];
	v8 =	vadd.s32 v52, v53;
	v4 =	vadd.f32 v14, v4  }
0x66: {  	v56 =	vld [tilespmem:s16+$0x0];
	v8 =	vadd.s32 v17, v8  }
0x67: {  	v57 =	vld [tilespmem:s16+$0x200];
	v6 =	vadd.s32 v6, v8;
	v4 =	vadd.f32 v13, v4  }
0x68: {  	v58 =	vld [tilespmem:s16+$0x400];
	v6 =	vadd.s32 v18, v6  }
0x69: {  	v59 =	vld [tilespmem:s16+$0x600];
	v6 =	vadd.s32 v54, v6;
	v4 =	vadd.f32 v12, v4  }
0x6a: {  	v60 =	vld [tilespmem:s16+$0x800];
	v6 =	vadd.s32 v55, v6  }
0x6b: {  	v61 =	vld [tilespmem:s16+$0xA00];
	v6 =	vadd.s32 v56, v6;
	v4 =	vadd.f32 v11, v4  }
0x6c: {  	v62 =	vld [tilespmem:s16+$0xC00];
	v6 =	vadd.s32 v57, v6  }
0x6d: {  	v63 =	vld [tilespmem:s16+$0xE00];
	v6 =	vadd.s32 v58, v6;
	v4 =	vadd.f32 v9, v4  }
0x6e: {  	v6 =	vadd.s32 v59, v6  }
0x6f: {  	v6 =	vadd.s32 v60, v6;
	v4 =	vadd.f32 v7, v4  }
0x70: {  	v6 =	vadd.s32 v61, v6  }
0x71: {  	v6 =	vadd.s32 v62, v6;
	v5 =	vadd.f32 v5, v4  }
0x72: {  	s17 =	simm.s32 $0x200;
	s18 =	simm.s32 $0x0;
	v4 =	vadd.s32 v63, v6  }
.LBB2_6:
0x73: {  	p0 =	sne.s32 s17, $0x3E00;
	[tilespmem:s18+$0xD080] =	vst v5;
	s15 =	sadd.s32 $0x10, s15;
	s16 =	sadd.s32 $0x10, s16  }
0x74: {  	[tilespmem:s18+$0xC080] =	vst v4;
	s18 =	smov.u32 s17;
	s17 =	sadd.s32 $0x200, s17  }
0x75: {  	v4 =	vld [tilespmem:s15+$0xFFFFF000]  }
0x76: {  	v5 =	vld [tilespmem:s15+$0xE00]  }
0x77: {  	v6 =	vld [tilespmem:s15+$0xFFFFF200]  }
0x78: {  	v7 =	vld [tilespmem:s15+$0xC00]  }
0x79: {  	v8 =	vld [tilespmem:s15+$0xFFFFF400]  }
0x7a: {  	v4 =	vadd.f32 $0.0e+00, v4;
	v9 =	vld [tilespmem:s15+$0xA00]  }
0x7b: {  	v10 =	vld [tilespmem:s15+$0xFFFFF600]  }
0x7c: {  	v4 =	vadd.f32 v6, v4;
	v6 =	vld [tilespmem:s15+$0x800]  }
0x7d: {  	v11 =	vld [tilespmem:s15+$0xFFFFF800]  }
0x7e: {  	v4 =	vadd.f32 v8, v4;
	v8 =	vld [tilespmem:s15+$0x600]  }
0x7f: {  	v12 =	vld [tilespmem:s15+$0xFFFFFA00]  }
0x80: {  	v4 =	vadd.f32 v10, v4;
	v10 =	vld [tilespmem:s15+$0x400]  }
0x81: {  	v13 =	vld [tilespmem:s15+$0xFFFFFC00]  }
0x82: {  	v4 =	vadd.f32 v11, v4;
	v11 =	vld [tilespmem:s15+$0x200]  }
0x83: {  	v14 =	vld [tilespmem:s15+$0xFFFFFE00]  }
0x84: {  	v15 =	vld [tilespmem:s16+$0xFFFFF000];
	v4 =	vadd.f32 v12, v4  }
0x85: {  	v12 =	vld [tilespmem:s15+$0x0]  }
0x86: {  	v16 =	vld [tilespmem:s16+$0xFFFFF200];
	v4 =	vadd.f32 v13, v4  }
0x87: {  	v13 =	vld [tilespmem:s16+$0xFFFFF400]  }
0x88: {  	v17 =	vld [tilespmem:s16+$0xFFFFF600];
	v4 =	vadd.f32 v14, v4  }
0x89: {  	v14 =	vld [tilespmem:s16+$0xFFFFF800]  }
0x8a: {  	v18 =	vld [tilespmem:s16+$0xFFFFFA00];
	v4 =	vadd.f32 v12, v4  }
0x8b: {  	v12 =	vadd.s32 v15, v16;
	v15 =	vld [tilespmem:s16+$0xFFFFFC00]  }
0x8c: {  	v12 =	vadd.s32 v13, v12;
	v13 =	vld [tilespmem:s16+$0xFFFFFE00];
	v4 =	vadd.f32 v11, v4  }
0x8d: {  	v11 =	vadd.s32 v17, v12;
	v12 =	vld [tilespmem:s16+$0x0]  }
0x8e: {  	v11 =	vadd.s32 v14, v11;
	v14 =	vld [tilespmem:s16+$0x200];
	v4 =	vadd.f32 v10, v4  }
0x8f: {  	v10 =	vadd.s32 v18, v11;
	v11 =	vld [tilespmem:s16+$0x400]  }
0x90: {  	v10 =	vadd.s32 v15, v10;
	v15 =	vld [tilespmem:s16+$0x600];
	v4 =	vadd.f32 v8, v4  }
0x91: {  	v8 =	vadd.s32 v13, v10;
	v10 =	vld [tilespmem:s16+$0x800]  }
0x92: {  	v8 =	vadd.s32 v12, v8;
	v4 =	vadd.f32 v6, v4;
	v6 =	vld [tilespmem:s16+$0xA00]  }
0x93: {  	v8 =	vadd.s32 v14, v8;
	v12 =	vld [tilespmem:s16+$0xC00]  }
0x94: {  	v8 =	vadd.s32 v11, v8;
	v4 =	vadd.f32 v9, v4;
	v9 =	vld [tilespmem:s16+$0xE00]  }
.Ltmp2:
0x95: {  	v8 =	vadd.s32 v15, v8;
	(pc) =	sbr.rel @p0 .LBB2_6-.Ltmp2, $4  }
0x96: {  	v8 =	vadd.s32 v10, v8;
	v4 =	vadd.f32 v7, v4  }
0x97: {  	v6 =	vadd.s32 v6, v8  }
0x98: {  	v6 =	vadd.s32 v12, v6;
	v5 =	vadd.f32 v5, v4  }
0x99: {  	s18 =	sshra.s32 s18, $0x2;
	v4 =	vadd.s32 v9, v6  }
0x9a: {  	[tilespmem:s18+$0xD080] =	vst v5  }
0x9b: {  	[tilespmem:s18+$0xC080] =	vst v4  }
0x9c: {  	[hbm4b:s5+s2] =	stream.linear.scatter [tilespmem:s12], [sflag:$0x1], $0x1000, $0x38;
	[tilespmem:$0xE080] =	vst v63  }
0x9d: {  	s14 =	sadd.s32 $0x1, s14;
	_ =	swait.ge [sflag:s8], $0x1000  }
0x9e: {  	p0 =	sne.s32 s14, s7;
	[sflag:s8] =	ssyncset.done $0x0  }
.Ltmp3:
0x9f: {  	[sflag:s8] =	ssyncadd.s32 $0xFFFFF000;
	(pc) =	sbr.rel @p0 .LBB2_1-.Ltmp3, $4  }
0xa0: {  	[hbm4b:s6+s2] =	stream.linear.scatter [tilespmem:s13], [sflag:$0x1], $0x1000, $0x38;
	[tilespmem:$0xE080] =	vst v63  }
0xa1: {  	_ =	swait.ge [sflag:s8], $0x1000  }
0xa2: {  	[sflag:s8] =	ssyncset.done $0x0  }
0xa3: {  	[sflag:s8] =	ssyncadd.s32 $0xFFFFF000  }
0xa4: {  	_ =	sfence.sel $0x180000  }
0xa5: {  	[bflag:$0x0] =	sbarrier.arrive $0xFFFF  }
0xa6: {  	p0 =	sne.s32 s1, $0x0;
	_ =	strace $0x9000004A  }
0xa7: {  	s0 =	sadd.s32 @!p0 $0x100000, s0;
	[bflag:$0x2] =	sbarrier.arrive $0xFFFF  }
0xa8: {  	[sflag:s0] =	ssyncadd.tile.s32 @!p0 $0x1;
	_ =	shalt  }
.Lfunc_end2:
_tile_overlayer_lowered:
.L_overlay_start_2:
0xa9: {  	(tag) =	ssettag $0x2  }
0xaa: {  	s0 =	rddreg [dreg:$0x0];
	s2 =	stileid.u32  }
0xab: {  	s1 =	rddreg [dreg:$0x1];
	p0 =	sne.s32 s2, $0x0  }
0xac: {  	s3 =	rddreg [dreg:$0x2];
	[bflag:$0x3] =	sbarrier.arrive $0xFFFF;
	s2 =	simm.s32 @!p0 $0x1C01  }
0xad: {  	[timem:s3], [sflag:s2] =	dma.local @!p0 [hbm:s0], s1  }
0xae: {  	s0 =	simm.s32 @!p0 $0x1  }
0xaf: {  	_ =	swait.ge @!p0 [sflag:s0], s1  }
0xb0: {  	s1 =	ssub.s32 @!p0 $0x0, s1;
	[sflag:s0] =	ssyncset.done @!p0 $0x0  }
0xb1: {  	[sflag:s0] =	ssyncadd.s32 @!p0 s1  }
0xb2: {  	[bflag:$0x3] =	sbarrier.arrive $0xFFFF  }
0xb3: {  	_ =	shalt  }

// kernel: kernel.7.cloned.1.call-start
scs
__scs_entry_jumppad:
0x0: {  	(pc) =	sbr.rel $0x88, $3  }
0x1: {  	(tag) =	ssettag $0x0;
	lr =	simm.s32 $0x1  }
0x2: {  	[smem:$0x3F9D] =	sst lr;
	_ =	strace $0xD0000000  }
0x3: {  	_ = 	snop  }
0x4: {  	_ = 	snop  }
0x5: {  	_ = 	snop  }
0x6: {  	_ = 	snop  }
0x7: {  	_ = 	snop  }
__scs_overlays_trampoline_lowered:
0x8: {  	[smem:$0x3FAC] =	sst s0  }
0x9: {  	[smem:$0x3FAD] =	sst s1  }
0xa: {  	[smem:$0x3FAE] =	sst s2  }
0xb: {  	[smem:$0x3FAF] =	sst s3  }
0xc: {  	[smem:$0x3FB0] =	sst s4  }
0xd: {  	[smem:$0x3FB1] =	sst s5  }
0xe: {  	[smem:$0x3FB2] =	sst s6  }
0xf: {  	[smem:$0x3FB3] =	sst s7  }
0x10: {  	[smem:$0x3FB4] =	sst s8  }
0x11: {  	[smem:$0x3FB5] =	sst s9;
	s0 =	simm.s32 @!p0 $0x0  }
0x12: {  	s1 =	sld [smem:$0x3F9B];
	s0 =	simm.s32 @p0 $0x1  }
0x13: {  	[smem:$0x3FB6] =	sst s0;
	s0 =	simm.s32 @!p1 $0x0  }
0x14: {  	s2 =	sld [smem:$0x3F9A];
	s0 =	simm.s32 @p1 $0x1  }
0x15: {  	[smem:$0x3FB7] =	sst s0;
	s0 =	simm.s32 @!p2 $0x0  }
0x16: {  	s3 =	sld [smem:$0x3FDB];
	s0 =	simm.s32 @p2 $0x1  }
0x17: {  	s4 =	simm.s32 $0x1BF5;
	[smem:$0x3FB9] =	sst s0  }
0x18: {  	s0 =	sld [smem:$0x3F9C];
	_ =	swait.ge [sflag:s4], $0x0  }
0x19: {  	s7 =	sld [smem:$0x3F9D]  }
0x1a: {  	s8 =	sadd.s32 $0xFFFFE003, lr  }
0x1b: {  	s9 =	sadd.s32 $0xFFFFFEF7, lr;
	s5 =	simm.s32 $0xFFFFFFFF;
	p2 =	slt.u32 s8, $0xFFFFF086  }
0x1c: {  	p1 =	slt.u32 s9, $0xF7A;
	s5 =	simm.s32 @!p2 $0x0  }
0x1d: {  	s5 =	simm.s32 @p1 $0x1;
	p0 =	seq.s32 s7, s2  }
0x1e: {  	s7 =	smul.u32 @!p0 $0xF7A, s2;
	p2 =	seq.s32 @!p0 s5, $0x0  }
0x1f: {  	s9 =	smul.u32 $0xF7A, s1;
	s8 =	simm.s32 @!p0 $0x1BF5;
	p2 =	por !p2, p0  }
0x20: {  	[sflag:s8] =	ssyncset.s32 @!p0 $0xFFFFF086;
	s6 =	sadd.s32 @!p0 s3, s7;
	s7 =	simm.s32 @!p0 $0x108  }
0x21: {  	s3 =	sadd.s32 s3, s9;
	s6 =	sadd.s32 @!p0 $0x88, s6;
	s7 =	simm.s32 @p2 $0x1082  }
0x22: {  	[simem:s7], [sflag:s8] =	dma.local @!p0 [hbm:s6], $0xF7A  }
0x23: {  	s9 =	sor.u32 $0xD0000000, s2;
	s6 =	simm.s32 $0x108;
	_ =	swait.ge @!p0 [sflag:s8], $0x0  }
0x24: {  	s3 =	sadd.s32 $0x88, s3;
	s6 =	simm.s32 @!p1 $0x1082;
	[sflag:s4] =	ssyncset.s32 $0xFFFFF086  }
0x25: {  	[simem:s6], [sflag:s4] =	dma.local [hbm:s3], $0xF7A  }
0x26: {  	[smem:$0x3F9D] =	sst s1;
	(tag) =	ssettag s2;
	_ =	strace s9  }
0x27: {  	s1 =	sld [smem:$0x3FAD]  }
0x28: {  	s2 =	sld [smem:$0x3FAE]  }
0x29: {  	s4 =	sld [smem:$0x3FB0]  }
0x2a: {  	p0 =	seq.s32 s5, $0x0;
	s5 =	sld [smem:$0x3FB1]  }
0x2b: {  	s6 =	sld [smem:$0x3FB2]  }
0x2c: {  	s7 =	sld [smem:$0x3FB3]  }
0x2d: {  	s3 =	simm.s32 $0x108;
	s8 =	sld [smem:$0x3FB4]  }
0x2e: {  	s3 =	simm.s32 @!p0 $0x1082;
	s9 =	sld [smem:$0x3FB5]  }
0x2f: {  	lr =	sadd.s32 s0, s3;
	s0 =	sld [smem:$0x3FAC]  }
0x30: {  	s3 =	sld [smem:$0x3FAF]  }
0x31: {  	[smem:$0x3FB8] =	sst s10  }
0x32: {  	s10 =	sld [smem:$0x3FB6];
	_ =	sdelay $0x3  }
0x33: {  	p0 =	seq.s32 s10, $0x1;
	s10 =	sld [smem:$0x3FB8];
	_ =	sdelay $0x3  }
0x34: {  	[smem:$0x3FB8] =	sst s10  }
0x35: {  	s10 =	sld [smem:$0x3FB7];
	_ =	sdelay $0x3  }
0x36: {  	p1 =	seq.s32 s10, $0x1;
	s10 =	sld [smem:$0x3FB8];
	_ =	sdelay $0x3  }
0x37: {  	[smem:$0x3FB8] =	sst s10  }
0x38: {  	s10 =	sld [smem:$0x3FB9]  }
0x39: {  	_ = 	snop;
	(pc) =	sbr.ind lr, $3  }
0x3a: {  	_ = 	snop  }
0x3b: {  	_ = 	snop  }
0x3c: {  	p2 =	seq.s32 s10, $0x1;
	s10 =	sld [smem:$0x3FB8]  }
0x3d: {  	_ =	shalt  }
0x3e: {  	_ =	shalt  }
0x3f: {  	_ =	shalt  }
0x40: {  	_ =	shalt  }
0x41: {  	_ =	shalt  }
0x42: {  	_ =	shalt  }
0x43: {  	_ =	shalt  }
0x44: {  	_ =	shalt  }
0x45: {  	_ =	shalt  }
0x46: {  	_ =	shalt  }
0x47: {  	_ =	shalt  }
0x48: {  	_ =	shalt  }
0x49: {  	_ =	shalt  }
0x4a: {  	_ =	shalt  }
0x4b: {  	_ =	shalt  }
0x4c: {  	_ =	shalt  }
0x4d: {  	_ =	shalt  }
0x4e: {  	_ =	shalt  }
0x4f: {  	_ =	shalt  }
0x50: {  	_ =	shalt  }
0x51: {  	_ =	shalt  }
0x52: {  	_ =	shalt  }
0x53: {  	_ =	shalt  }
0x54: {  	_ =	shalt  }
0x55: {  	_ =	shalt  }
0x56: {  	_ =	shalt  }
0x57: {  	_ =	shalt  }
0x58: {  	_ =	shalt  }
0x59: {  	_ =	shalt  }
0x5a: {  	_ =	shalt  }
0x5b: {  	_ =	shalt  }
0x5c: {  	_ =	shalt  }
0x5d: {  	_ =	shalt  }
0x5e: {  	_ =	shalt  }
0x5f: {  	_ =	shalt  }
0x60: {  	_ =	shalt  }
0x61: {  	_ =	shalt  }
0x62: {  	_ =	shalt  }
0x63: {  	_ =	shalt  }
0x64: {  	_ =	shalt  }
0x65: {  	_ =	shalt  }
0x66: {  	_ =	shalt  }
0x67: {  	_ =	shalt  }
0x68: {  	_ =	shalt  }
0x69: {  	_ =	shalt  }
0x6a: {  	_ =	shalt  }
0x6b: {  	_ =	shalt  }
0x6c: {  	_ =	shalt  }
0x6d: {  	_ =	shalt  }
0x6e: {  	_ =	shalt  }
0x6f: {  	_ =	shalt  }
0x70: {  	_ =	shalt  }
0x71: {  	_ =	shalt  }
0x72: {  	_ =	shalt  }
0x73: {  	_ =	shalt  }
0x74: {  	_ =	shalt  }
0x75: {  	_ =	shalt  }
0x76: {  	_ =	shalt  }
0x77: {  	_ =	shalt  }
0x78: {  	_ =	shalt  }
0x79: {  	_ =	shalt  }
0x7a: {  	_ =	shalt  }
0x7b: {  	_ =	shalt  }
0x7c: {  	_ =	shalt  }
0x7d: {  	_ =	shalt  }
0x7e: {  	_ =	shalt  }
0x7f: {  	_ =	shalt  }
0x80: {  	_ =	shalt  }
0x81: {  	_ =	shalt  }
0x82: {  	_ =	shalt  }
0x83: {  	_ =	shalt  }
0x84: {  	_ =	shalt  }
0x85: {  	_ =	shalt  }
0x86: {  	_ =	shalt  }
0x87: {  	_ =	shalt  }
.Lfunc_end0:
.L_simem_size_0:
called_computation_lowered:
.L_overlay_start_0:
0x88: {  	s2 =	sld [smem:$0x3FD9]  }
0x89: {  	s3 =	sld [smem:$0x3FFE];
	_ =	sdelay $0x1  }
0x8a: {  	s1 =	srdreg.scid  }
0x8b: {  	s0 =	sand.u32 $0x1, s1  }
0x8c: {  	s17 =	sshll.u32 s0, $0xA;
	s2 =	sadd.s32 s3, s2  }
0x8d: {  	s2 =	sadd.s32 s2, s17  }
0x8e: {  	[smem:$0x3FC4] =	sst s2  }
0x8f: {  	_ = 	snop  }
0x90: {  	s2 =	sld [smem:$0x3FD0];
	(tm) =	ssettm $0x1  }
0x91: {  	s18 =	sld [smem:$0x3FFB];
	_ =	sdelay $0x3  }
0x92: {  	_ =	strace s18  }
0x93: {  	s3 =	sld [smem:$0x3FFC];
	_ =	sdelay $0x3  }
0x94: {  	_ =	strace s3  }
0x95: {  	s3 =	sld [smem:$0x3FFD];
	_ =	sdelay $0x3  }
0x96: {  	_ =	strace s3  }
0x97: {  	_ =	strace $0x8FFFFFFF  }
0x98: {  	s19 =	sld [smem:$0x3FDB];
	_ =	sdelay $0x1  }
0x99: {  	s4 =	simm.s32 $_scs_section_size  }
0x9a: {  	s5 =	simm.s32 $_size__tile_overlayer_lowered;
	s6 =	simm.s32 $_tile_overlayer_lowered  }
0x9b: {  	s22 =	simm.s32 $0x1BFF;
	s21 =	sshll.u32 s6, $0x1;
	s3 =	sadd.s32 s4, s19  }
0x9c: {  	s7 =	simm.s32 $0x0;
	s20 =	sshll.u32 s5, $0x1;
	s5 =	sadd.s32 s21, s3  }
0x9d: {  	[timem:s7], [sflag:s22] =	dma.local [hbm:s5], s20  }
0x9e: {  	_ =	swait.ge [sflag:s22], s20  }
0x9f: {  	s4 =	ssub.s32 $0x0, s20;
	[sflag:s22] =	ssyncset.done $0x0  }
0xa0: {  	[sflag:s22] =	ssyncadd.s32 s4;
	_ =	sdelay $0x1  }
0xa1: {  	s23 =	simm.s32 $0x1B8B  }
0xa2: {  	_ =	swait.ge [sflag:s23], $0x1  }
0xa3: {  	[sflag:s23] =	ssyncset.done $0x0  }
0xa4: {  	s25 =	simm.s32 $0x1B8E;
	s24 =	sld [smem:$0x3FFE];
	[sflag:s23] =	ssyncadd.s32 $0xFFFFFFFF  }
0xa5: {  	s26 =	simm.s32 $execute0_lowered;
	[smem:$0x3FD2] =	sst s25  }
0xa6: {  	s5 =	sshll.u32 s26, $0x1;
	_ =	strace $0x80000046;
	[dreg:$0x1] =	wrdreg $0xFFFFFFFF  }
0xa7: {  	s28 =	simm.s32 $_size_execute0_lowered;
	s3 =	sadd.s32 s3, s5;
	[dreg:$0x0] =	wrdreg $0x0  }
0xa8: {  	s5 =	sshll.u32 s28, $0x1;
	[dreg:$0x2] =	wrdreg s3  }
0xa9: {  	[dreg:$0x3] =	wrdreg s5  }
0xaa: {  	[dreg:$0x4] =	wrdreg $0xC0  }
0xab: {  	_ =	task [dreg:s7], $0x5FFFF  }
0xac: {  	[dreg:$0x1] =	wrdreg $0xFFFFFFFF  }
0xad: {  	[dreg:$0x0] =	wrdreg $0x60  }
0xae: {  	[dreg:$0x2] =	wrdreg s24  }
0xaf: {  	[dreg:$0x3] =	wrdreg s2  }
0xb0: {  	[dreg:$0x4] =	wrdreg $0x9  }
0xb1: {  	_ =	task.clear_ibuf [dreg:s7], $0x5FFFF;
	_ =	strace $0x90000046  }
0xb2: {  	s29 =	simm.s32 $0x9;
	_ =	strace $0x80000048  }
0xb3: {  	_ =	swait.ge [sflag:s29], $0x1  }
0xb4: {  	[sflag:s29] =	ssyncadd.s32 $0xFFFFFFFF  }
0xb5: {  	_ =	strace $0x90000048  }
0xb6: {  	_ =	sfence  }
0xb7: {  	s30 =	sld [smem:$0x0];
	_ =	sdelay $0x2  }
0xb8: {  	s31 =	sshll.u32 s1, $0xD;
	s1 =	sshrl.u32 s1, $0x2  }
0xb9: {  	s3 =	sand.u32 $0x4000, s31;
	s1 =	sadd.s32 s1, s30  }
0xba: {  	s0 =	sor.u32 s3, s0;
	s1 =	sshll.u32 s1, $0x11  }
0xbb: {  	s0 =	sor.u32 s1, s0  }
0xbc: {  	s0 =	sadd.s32 $0x8F2B, s0  }
0xbd: {  	[sflag:s0] =	ssyncadd.remote.s32 $0x1  }
0xbe: {  	_ =	sfence.sel $0xFFFF  }
0xbf: {  	[dreg:$0x0] =	wrdreg $0xFFFFFFFF;
	(pc) =	sbr.abs _section_cstart, $3  }
0xc0: {  	[dreg:$0x1] =	wrdreg $0xFFFFFFFF  }
0xc1: {  	_ =	task.clear_ibuf [dreg:s7], $0x2FFFF;
	_ =	strace $0x9FFFFFFF  }
0xc2: {  	(tm) =	ssettm $0x7FFFFFFF  }
0xc3: {  	_ =	shalt  }
tec
execute0_lowered:
.L_overlay_start_1:
0x0: {  	(tag) =	ssettag $0x1  }
0x1: {  	s4 =	rddreg [dreg:$0x0]  }
0x2: {  	s2 =	rddreg [dreg:$0x1]  }
0x3: {  	s0 =	rddreg [dreg:$0x2];
	s3 =	simm.s32 $0x0;
	s5 =	srdreg.scid  }
0x4: {  	s1 =	stileid.u32;
	s9 =	simm.s32 $0x8000;
	s10 =	simm.s32 $0x8080  }
0x5: {  	s11 =	simm.s32 $0xA080;
	s12 =	simm.s32 $0xC080;
	s13 =	simm.s32 $0xD080  }
0x6: {  	[smem:$0x7FF] =	sst s3;
	s5 =	sand.u32 $0x1, s5;
	s6 =	sshll.u32 s1, $0x1  }
0x7: {  	s14 =	simm.s32 $0x0;
	_ =	strace $0x80000047;
	s6 =	sor.u32 s5, s6  }
0x8: {  	s5 =	ssub.s32 $0x2, s5;
	s7 =	sshll.u32 s6, $0xC;
	s6 =	sshll.u32 s6, $0x9  }
0x9: {  	s31 =	sshrl.u32 s5, $0x1;
	s7 =	sadd.s32 s7, s4;
	s6 =	sadd.s32 s6, s4  }
0xa: {  	v0 =	vimm.s32 $0x0;
	v2 =	vlaneseq.u32;
	s8 =	ssub.s32 s5, s31;
	s4 =	sadd.s32 $0x1600, s7;
	s5 =	sadd.s32 $0x21600, s6  }
0xb: {  	v1 =	vimm.f32 $0.0e+00;
	v3 =	vimm.s32 $0x1;
	v2 =	vmul.u32 $0x200, v2;
	s6 =	sadd.s32 $0x25600, s6;
	s7 =	smax.u32 s8, $0x1;
	s8 =	simm.s32 $0x1  }
.LBB2_1:
0xc: {  	[tilespmem:s3], [sflag:$0x1] =	stream.linear.gather [hbm4b:s4+s3], $0x8000, $0x38;
	[tilespmem:$0xE080] =	vst v63  }
0xd: {  	_ =	swait.ge [sflag:s8], $0x8000  }
0xe: {  	[sflag:s8] =	ssyncset.done $0x0  }
0xf: {  	[sflag:s8] =	ssyncadd.s32 $0xFFFF8000  }
0x10: {  	[tilespmem:s9], [sflag:$0x1] =	stream.linear.gather [hbm4b:s2+s3], $0x80, $0x38;
	[tilespmem:$0xE080] =	vst v63  }
0x11: {  	_ =	swait.ge [sflag:s8], $0x80  }
0x12: {  	[sflag:s8] =	ssyncset.done $0x0  }
0x13: {  	s15 =	simm.s32 $0x40;
	s16 =	simm.s32 $0x0;
	[sflag:s8] =	ssyncadd.s32 $0xFFFFFF80  }
.LBB2_2:
0x14: {  	p0 =	sne.s32 s15, $0x7FC0;
	[tilespmem:s16+$0x8080] =	vst v0;
	s17 =	smov.u32 s15;
	s15 =	sadd.s32 $0x40, s15  }
.Ltmp0:
0x15: {  	[tilespmem:s16+$0xA080] =	vst v1;
	(pc) =	sbr.rel @p0 .LBB2_2-.Ltmp0, $2  }
0x16: {  	_ =	sdelay $0x2  }
0x17: {  	s16 =	sshra.s32 s17, $0x2  }
0x18: {  	[tilespmem:s16+$0x8080] =	vst v0  }
0x19: {  	s15 =	simm.s32 $0x0;
	[tilespmem:s16+$0xA080] =	vst v1  }
.LBB2_4:
0x1a: {  	s16 =	sshra.s32 s15, $0x2  }
0x1b: {  	v4 =	vld [tilespmem:s16+$0x0];
	_ =	sdelay $0x4  }
0x1c: {  	v5 =	vadd.s32 $0xCA800000, v4  }
0x1d: {  	vm0 =	vgt.s32 v5, $0x0  }
0x1e: {  	v5 =	vnsel vm0, $0x0, v5  }
0x1f: {  	v5 =	vmin.u32 v5, $0xFFFFFFF  }
0x20: {  	v5 =	vshrl.u32 v5, $0x13  }
0x21: {  	v6 =	vand.u32 $0x1F80, v5  }
0x22: {  	vm9 =	vgt.s32 v4, $0x0;
	v5 =	vand.u32 $0x7F, v5;
	v6 =	vor.u32 v2, v6  }
0x23: {  	v5 =	vor.u32 v5, v6;
	_ =	sdelay $0x4  }
0x24: {  	[tilespmem:v5+s10+$0x0] =	vst.idx.add.s32.msk vm9, v3  }
0x25: {  	[tilespmem:v5+s11+$0x0] =	vst.idx.add.f32.msk vm9, v4  }
0x26: {  	v4 =	vld [tilespmem:s16+$0x10];
	_ =	sdelay $0x4  }
0x27: {  	v5 =	vadd.s32 $0xCA800000, v4  }
0x28: {  	vm10 =	vgt.s32 v5, $0x0  }
0x29: {  	v5 =	vnsel vm10, $0x0, v5  }
0x2a: {  	v5 =	vmin.u32 v5, $0xFFFFFFF  }
0x2b: {  	v5 =	vshrl.u32 v5, $0x13  }
0x2c: {  	v61 =	vand.u32 $0x1F80, v5  }
0x2d: {  	vm11 =	vgt.s32 v4, $0x0;
	v5 =	vand.u32 $0x7F, v5;
	v6 =	vor.u32 v2, v61  }
0x2e: {  	v5 =	vor.u32 v5, v6;
	_ =	sdelay $0x4  }
0x2f: {  	[tilespmem:v5+s10+$0x0] =	vst.idx.add.s32.msk vm11, v3  }
0x30: {  	[tilespmem:v5+s11+$0x0] =	vst.idx.add.f32.msk vm11, v4  }
0x31: {  	v4 =	vld [tilespmem:s16+$0x20];
	_ =	sdelay $0x4  }
0x32: {  	v5 =	vadd.s32 $0xCA800000, v4  }
0x33: {  	vm12 =	vgt.s32 v5, $0x0  }
0x34: {  	v5 =	vnsel vm12, $0x0, v5  }
0x35: {  	v5 =	vmin.u32 v5, $0xFFFFFFF  }
0x36: {  	v5 =	vshrl.u32 v5, $0x13  }
0x37: {  	v62 =	vand.u32 $0x1F80, v5  }
0x38: {  	vm13 =	vgt.s32 v4, $0x0;
	v5 =	vand.u32 $0x7F, v5;
	v6 =	vor.u32 v2, v62  }
0x39: {  	v5 =	vor.u32 v5, v6;
	_ =	sdelay $0x4  }
0x3a: {  	[tilespmem:v5+s10+$0x0] =	vst.idx.add.s32.msk vm13, v3  }
0x3b: {  	[tilespmem:v5+s11+$0x0] =	vst.idx.add.f32.msk vm13, v4  }
0x3c: {  	v4 =	vld [tilespmem:s16+$0x30];
	_ =	sdelay $0x4  }
0x3d: {  	v5 =	vadd.s32 $0xCA800000, v4  }
0x3e: {  	vm14 =	vgt.s32 v5, $0x0  }
0x3f: {  	v5 =	vnsel vm14, $0x0, v5  }
0x40: {  	v5 =	vmin.u32 v5, $0xFFFFFFF  }
0x41: {  	v5 =	vshrl.u32 v5, $0x13  }
0x42: {  	v63 =	vand.u32 $0x1F80, v5  }
0x43: {  	vm15 =	vgt.s32 v4, $0x0;
	v5 =	vand.u32 $0x7F, v5;
	v6 =	vor.u32 v2, v63  }
0x44: {  	v5 =	vor.u32 v5, v6  }
0x45: {  	p0 =	sne.s32 s15, $0x1FF00  }
.Ltmp1:
0x46: {  	_ = 	snop;
	(pc) =	sbr.rel @p0 .LBB2_4-.Ltmp1, $3  }
0x47: {  	_ =	sdelay $0x1  }
0x48: {  	[tilespmem:v5+s10+$0x0] =	vst.idx.add.s32.msk vm15, v3  }
0x49: {  	s15 =	sadd.s32 $0x100, s15;
	[tilespmem:v5+s11+$0x0] =	vst.idx.add.f32.msk vm15, v4  }
0x4a: {  	s15 =	simm.s32 $0xB080  }
0x4b: {  	v4 =	vld [tilespmem:s15+$0xFFFFF000]  }
0x4c: {  	v5 =	vld [tilespmem:s15+$0xE00]  }
0x4d: {  	v6 =	vld [tilespmem:s15+$0xFFFFF200]  }
0x4e: {  	v7 =	vld [tilespmem:s15+$0xC00]  }
0x4f: {  	v8 =	vld [tilespmem:s15+$0xFFFFF400]  }
0x50: {  	v9 =	vld [tilespmem:s15+$0xA00];
	v4 =	vadd.f32 $0.0e+00, v4  }
0x51: {  	v10 =	vld [tilespmem:s15+$0xFFFFF600]  }
0x52: {  	v11 =	vld [tilespmem:s15+$0x800];
	v4 =	vadd.f32 v6, v4  }
0x53: {  	v6 =	vld [tilespmem:s15+$0xFFFFF800]  }
0x54: {  	v12 =	vld [tilespmem:s15+$0x600];
	v4 =	vadd.f32 v8, v4  }
0x55: {  	v49 =	vld [tilespmem:s15+$0xFFFFFA00]  }
0x56: {  	v13 =	vld [tilespmem:s15+$0x400];
	v4 =	vadd.f32 v10, v4  }
0x57: {  	v50 =	vld [tilespmem:s15+$0xFFFFFC00]  }
0x58: {  	v14 =	vld [tilespmem:s15+$0x200];
	v4 =	vadd.f32 v6, v4  }
0x59: {  	s16 =	simm.s32 $0x9080;
	v6 =	vld [tilespmem:s15+$0xFFFFFE00]  }
0x5a: {  	v15 =	vld [tilespmem:s16+$0xFFFFF000];
	v4 =	vadd.f32 v49, v4  }
0x5b: {  	v51 =	vld [tilespmem:s15+$0x0]  }
0x5c: {  	v16 =	vld [tilespmem:s16+$0xFFFFF200];
	v4 =	vadd.f32 v50, v4  }
0x5d: {  	v52 =	vld [tilespmem:s16+$0xFFFFF400]  }
0x5e: {  	v17 =	vld [tilespmem:s16+$0xFFFFF600];
	v4 =	vadd.f32 v6, v4  }
0x5f: {  	v6 =	vld [tilespmem:s16+$0xFFFFF800]  }
0x60: {  	v18 =	vld [tilespmem:s16+$0xFFFFFA00];
	v4 =	vadd.f32 v51, v4  }
0x61: {  	v54 =	vld [tilespmem:s16+$0xFFFFFC00];
	v53 =	vadd.s32 v15, v16  }
0x62: {  	v55 =	vld [tilespmem:s16+$0xFFFFFE00];
	v8 =	vadd.s32 v52, v53;
	v4 =	vadd.f32 v14, v4  }
0x63: {  	v56 =	vld [tilespmem:s16+$0x0];
	v8 =	vadd.s32 v17, v8  }
0x64: {  	v57 =	vld [tilespmem:s16+$0x200];
	v6 =	vadd.s32 v6, v8;
	v4 =	vadd.f32 v13, v4  }
0x65: {  	v58 =	vld [tilespmem:s16+$0x400];
	v6 =	vadd.s32 v18, v6  }
0x66: {  	v59 =	vld [tilespmem:s16+$0x600];
	v6 =	vadd.s32 v54, v6;
	v4 =	vadd.f32 v12, v4  }
0x67: {  	v60 =	vld [tilespmem:s16+$0x800];
	v6 =	vadd.s32 v55, v6  }
0x68: {  	v61 =	vld [tilespmem:s16+$0xA00];
	v6 =	vadd.s32 v56, v6;
	v4 =	vadd.f32 v11, v4  }
0x69: {  	v62 =	vld [tilespmem:s16+$0xC00];
	v6 =	vadd.s32 v57, v6  }
0x6a: {  	v63 =	vld [tilespmem:s16+$0xE00];
	v6 =	vadd.s32 v58, v6;
	v4 =	vadd.f32 v9, v4  }
0x6b: {  	v6 =	vadd.s32 v59, v6  }
0x6c: {  	v6 =	vadd.s32 v60, v6;
	v4 =	vadd.f32 v7, v4  }
0x6d: {  	v6 =	vadd.s32 v61, v6  }
0x6e: {  	v6 =	vadd.s32 v62, v6;
	v5 =	vadd.f32 v5, v4  }
0x6f: {  	s17 =	simm.s32 $0x200;
	s18 =	simm.s32 $0x0;
	v4 =	vadd.s32 v63, v6  }
.LBB2_6:
0x70: {  	p0 =	sne.s32 s17, $0x3E00;
	[tilespmem:s18+$0xD080] =	vst v5;
	s15 =	sadd.s32 $0x10, s15;
	s16 =	sadd.s32 $0x10, s16  }
0x71: {  	[tilespmem:s18+$0xC080] =	vst v4;
	s18 =	smov.u32 s17;
	s17 =	sadd.s32 $0x200, s17  }
0x72: {  	v4 =	vld [tilespmem:s15+$0xFFFFF000]  }
0x73: {  	v5 =	vld [tilespmem:s15+$0xE00]  }
0x74: {  	v6 =	vld [tilespmem:s15+$0xFFFFF200]  }
0x75: {  	v7 =	vld [tilespmem:s15+$0xC00]  }
0x76: {  	v8 =	vld [tilespmem:s15+$0xFFFFF400]  }
0x77: {  	v4 =	vadd.f32 $0.0e+00, v4;
	v9 =	vld [tilespmem:s15+$0xA00]  }
0x78: {  	v10 =	vld [tilespmem:s15+$0xFFFFF600]  }
0x79: {  	v4 =	vadd.f32 v6, v4;
	v6 =	vld [tilespmem:s15+$0x800]  }
0x7a: {  	v11 =	vld [tilespmem:s15+$0xFFFFF800]  }
0x7b: {  	v4 =	vadd.f32 v8, v4;
	v8 =	vld [tilespmem:s15+$0x600]  }
0x7c: {  	v12 =	vld [tilespmem:s15+$0xFFFFFA00]  }
0x7d: {  	v4 =	vadd.f32 v10, v4;
	v10 =	vld [tilespmem:s15+$0x400]  }
0x7e: {  	v13 =	vld [tilespmem:s15+$0xFFFFFC00]  }
0x7f: {  	v4 =	vadd.f32 v11, v4;
	v11 =	vld [tilespmem:s15+$0x200]  }
0x80: {  	v14 =	vld [tilespmem:s15+$0xFFFFFE00]  }
0x81: {  	v15 =	vld [tilespmem:s16+$0xFFFFF000];
	v4 =	vadd.f32 v12, v4  }
0x82: {  	v12 =	vld [tilespmem:s15+$0x0]  }
0x83: {  	v16 =	vld [tilespmem:s16+$0xFFFFF200];
	v4 =	vadd.f32 v13, v4  }
0x84: {  	v13 =	vld [tilespmem:s16+$0xFFFFF400]  }
0x85: {  	v17 =	vld [tilespmem:s16+$0xFFFFF600];
	v4 =	vadd.f32 v14, v4  }
0x86: {  	v14 =	vld [tilespmem:s16+$0xFFFFF800]  }
0x87: {  	v18 =	vld [tilespmem:s16+$0xFFFFFA00];
	v4 =	vadd.f32 v12, v4  }
0x88: {  	v12 =	vadd.s32 v15, v16;
	v15 =	vld [tilespmem:s16+$0xFFFFFC00]  }
0x89: {  	v12 =	vadd.s32 v13, v12;
	v13 =	vld [tilespmem:s16+$0xFFFFFE00];
	v4 =	vadd.f32 v11, v4  }
0x8a: {  	v11 =	vadd.s32 v17, v12;
	v12 =	vld [tilespmem:s16+$0x0]  }
0x8b: {  	v11 =	vadd.s32 v14, v11;
	v14 =	vld [tilespmem:s16+$0x200];
	v4 =	vadd.f32 v10, v4  }
0x8c: {  	v10 =	vadd.s32 v18, v11;
	v11 =	vld [tilespmem:s16+$0x400]  }
0x8d: {  	v10 =	vadd.s32 v15, v10;
	v15 =	vld [tilespmem:s16+$0x600];
	v4 =	vadd.f32 v8, v4  }
0x8e: {  	v8 =	vadd.s32 v13, v10;
	v10 =	vld [tilespmem:s16+$0x800]  }
0x8f: {  	v8 =	vadd.s32 v12, v8;
	v4 =	vadd.f32 v6, v4;
	v6 =	vld [tilespmem:s16+$0xA00]  }
0x90: {  	v8 =	vadd.s32 v14, v8;
	v12 =	vld [tilespmem:s16+$0xC00]  }
0x91: {  	v8 =	vadd.s32 v11, v8;
	v4 =	vadd.f32 v9, v4;
	v9 =	vld [tilespmem:s16+$0xE00]  }
.Ltmp2:
0x92: {  	v8 =	vadd.s32 v15, v8;
	(pc) =	sbr.rel @p0 .LBB2_6-.Ltmp2, $4  }
0x93: {  	v8 =	vadd.s32 v10, v8;
	v4 =	vadd.f32 v7, v4  }
0x94: {  	v6 =	vadd.s32 v6, v8  }
0x95: {  	v6 =	vadd.s32 v12, v6;
	v5 =	vadd.f32 v5, v4  }
0x96: {  	s18 =	sshra.s32 s18, $0x2;
	v4 =	vadd.s32 v9, v6  }
0x97: {  	[tilespmem:s18+$0xD080] =	vst v5  }
0x98: {  	[tilespmem:s18+$0xC080] =	vst v4  }
0x99: {  	[hbm4b:s5+s3] =	stream.linear.scatter [tilespmem:s12], [sflag:$0x1], $0x1000, $0x38;
	[tilespmem:$0xE080] =	vst v63  }
0x9a: {  	s14 =	sadd.s32 $0x1, s14;
	_ =	swait.ge [sflag:s8], $0x1000  }
0x9b: {  	p0 =	sne.s32 s14, s7;
	[sflag:s8] =	ssyncset.done $0x0  }
.Ltmp3:
0x9c: {  	[sflag:s8] =	ssyncadd.s32 $0xFFFFF000;
	(pc) =	sbr.rel @p0 .LBB2_1-.Ltmp3, $4  }
0x9d: {  	[hbm4b:s6+s3] =	stream.linear.scatter [tilespmem:s13], [sflag:$0x1], $0x1000, $0x38;
	[tilespmem:$0xE080] =	vst v63  }
0x9e: {  	_ =	swait.ge [sflag:s8], $0x1000  }
0x9f: {  	[sflag:s8] =	ssyncset.done $0x0  }
0xa0: {  	[sflag:s8] =	ssyncadd.s32 $0xFFFFF000  }
0xa1: {  	_ =	sfence.sel $0x180000  }
0xa2: {  	[bflag:$0x0] =	sbarrier.arrive $0xFFFF  }
0xa3: {  	p0 =	sne.s32 s1, $0x0;
	_ =	strace $0x90000047  }
0xa4: {  	s0 =	sadd.s32 @!p0 $0x100000, s0;
	[bflag:$0x2] =	sbarrier.arrive $0xFFFF  }
0xa5: {  	[sflag:s0] =	ssyncadd.tile.s32 @!p0 $0x1;
	_ =	shalt  }
.Lfunc_end2:
_tile_overlayer_lowered:
.L_overlay_start_2:
0xa6: {  	(tag) =	ssettag $0x2  }
0xa7: {  	s0 =	rddreg [dreg:$0x0];
	s2 =	stileid.u32  }
0xa8: {  	s1 =	rddreg [dreg:$0x1];
	p0 =	sne.s32 s2, $0x0  }
0xa9: {  	s3 =	rddreg [dreg:$0x2];
	[bflag:$0x3] =	sbarrier.arrive $0xFFFF;
	s2 =	simm.s32 @!p0 $0x1C01  }
0xaa: {  	[timem:s3], [sflag:s2] =	dma.local @!p0 [hbm:s0], s1  }
0xab: {  	s0 =	simm.s32 @!p0 $0x1  }
0xac: {  	_ =	swait.ge @!p0 [sflag:s0], s1  }
0xad: {  	s1 =	ssub.s32 @!p0 $0x0, s1;
	[sflag:s0] =	ssyncset.done @!p0 $0x0  }
0xae: {  	[sflag:s0] =	ssyncadd.s32 @!p0 s1  }
0xaf: {  	[bflag:$0x3] =	sbarrier.arrive $0xFFFF  }
0xb0: {  	_ =	shalt  }

</sc_bundles>
